<compile_context>
chip_gen: v7x
topology: tpu7x:2x2x1
jax: 0.10.2.dev20260603
libtpu: 0.0.44.dev20260713+nightly
codegen_flags: <defaults>
</compile_context>

<pallas_src>
import functools

import jax
import jax.numpy as jnp
from jax import lax
from jax.experimental import pallas as pl
from jax.experimental.pallas import tpu as pltpu
from jax.experimental.pallas import tpu_sc as plsc

N, E, D, DE, DOUT = 10000, 320000, 128, 16, 128

NC, NS, L = 2, 16, 16
NW = NC * NS
EW = E // NW
C = 80
NCHUNK = EW // C
NTRIPLE = (NCHUNK - 2) // 3
VPR = DOUT // L


def _node_mm_body(x_ref, w1_ref, w2_ref, y1_ref, y2_ref):
    xv = x_ref[...]
    y1_ref[...] = jnp.dot(xv, w1_ref[...], preferred_element_type=jnp.float32)
    y2_ref[...] = jnp.dot(xv, w2_ref[...], preferred_element_type=jnp.float32)


_node_mm = pl.pallas_call(
    _node_mm_body,
    out_shape=[
        jax.ShapeDtypeStruct((N, DOUT), jnp.float32),
        jax.ShapeDtypeStruct((N, DOUT), jnp.float32),
    ],
)


def _sc_gather_body(y1_hbm, y2_hbm, row_hbm, col_hbm, out_hbm,
                    row_v, col_v,
                    a1, a2, ao, b1, b2, bo, c1, c2, co,
                    sga, sgb, sgc, swa, swb, swc):
    wid = lax.axis_index("s") * NC + lax.axis_index("c")
    base = wid * EW
    pltpu.sync_copy(row_hbm.at[pl.ds(base, EW)], row_v)
    pltpu.sync_copy(col_hbm.at[pl.ds(base, EW)], col_v)

    slots = ((a1, a2, ao, sga, swa),
             (b1, b2, bo, sgb, swb),
             (c1, c2, co, sgc, swc))

    def issue_gathers(c, slot):
        g1, g2, _, sg, _ = slot
        off = c * C
        pltpu.async_copy(y1_hbm.at[row_v.at[pl.ds(off, C)]], g1, sg)
        pltpu.async_copy(y2_hbm.at[col_v.at[pl.ds(off, C)]], g2, sg)

    def wait_gathers(c, slot):
        g1, g2, _, sg, _ = slot
        off = c * C
        pltpu.make_async_copy(y1_hbm.at[row_v.at[pl.ds(off, C)]], g1, sg).wait()
        pltpu.make_async_copy(y2_hbm.at[col_v.at[pl.ds(off, C)]], g2, sg).wait()

    def issue_write(c, slot):
        o, sw = slot[2], slot[4]
        pltpu.async_copy(o, out_hbm.at[pl.ds(base + c * C, C)], sw)

    def wait_write(c, slot):
        o, sw = slot[2], slot[4]
        pltpu.make_async_copy(o, out_hbm.at[pl.ds(base + c * C, C)], sw).wait()

    def compute(slot):
        g1, g2, o = slot[0], slot[1], slot[2]

        @plsc.parallel_loop(0, C, unroll=2)
        def _(i):
            for k in range(VPR):
                sl = pl.ds(k * L, L)
                o[i, sl] = g1[i, sl] + g2[i, sl]

    def step(c, slot):
        wait_gathers(c, slot)
        @pl.when(c >= 3)
        def _():
            wait_write(c - 3, slot)

        compute(slot)
        issue_write(c, slot)
        issue_gathers(c + 3, slot)

    def step_noissue(c, slot):
        wait_gathers(c, slot)

        @pl.when(c >= 3)
        def _():
            wait_write(c - 3, slot)

        compute(slot)
        issue_write(c, slot)

    for s in range(3):
        issue_gathers(s, slots[s])

    def triple_body(p, carry):
        ca = 3 * p
        step(ca, slots[0])
        step(ca + 1, slots[1])

        @pl.when(ca + 5 < NCHUNK)
        def _():
            step(ca + 2, slots[2])

        @pl.when(ca + 5 >= NCHUNK)
        def _():
            step_noissue(ca + 2, slots[2])

        return carry

    lax.fori_loop(0, NTRIPLE, triple_body, 0)

    step_noissue(NCHUNK - 2, slots[0])
    step_noissue(NCHUNK - 1, slots[1])
    wait_write(NCHUNK - 3, slots[2])
    wait_write(NCHUNK - 2, slots[0])
    wait_write(NCHUNK - 1, slots[1])


_sc_gather = functools.partial(
    pl.kernel,
    out_type=jax.ShapeDtypeStruct((E, DOUT), jnp.float32),
    mesh=plsc.VectorSubcoreMesh(core_axis_name="c", subcore_axis_name="s"),
    scratch_types=[
        pltpu.VMEM((EW,), jnp.int32),
        pltpu.VMEM((EW,), jnp.int32),
        pltpu.VMEM((C, DOUT), jnp.float32),
        pltpu.VMEM((C, DOUT), jnp.float32),
        pltpu.VMEM((C, DOUT), jnp.float32),
        pltpu.VMEM((C, DOUT), jnp.float32),
        pltpu.VMEM((C, DOUT), jnp.float32),
        pltpu.VMEM((C, DOUT), jnp.float32),
        pltpu.VMEM((C, DOUT), jnp.float32),
        pltpu.VMEM((C, DOUT), jnp.float32),
        pltpu.VMEM((C, DOUT), jnp.float32),
        pltpu.SemaphoreType.DMA,
        pltpu.SemaphoreType.DMA,
        pltpu.SemaphoreType.DMA,
        pltpu.SemaphoreType.DMA,
        pltpu.SemaphoreType.DMA,
        pltpu.SemaphoreType.DMA,
    ],
)(_sc_gather_body)


def _edge_out_body(s_ref, eat_ref, w3_ref, b_ref, o_ref):
    o_ref[...] = (
        s_ref[...]
        + jax.lax.dot_general(
            eat_ref[...], w3_ref[...],
            (((0,), (0,)), ((), ())),
            preferred_element_type=jnp.float32,
        )
        + b_ref[...]
    )


_EB = 12800

_edge_out = pl.pallas_call(
    _edge_out_body,
    grid=(E // _EB,),
    in_specs=[
        pl.BlockSpec((_EB, DOUT), lambda i: (i, 0)),
        pl.BlockSpec((DE, _EB), lambda i: (0, i)),
        pl.BlockSpec((DE, DOUT), lambda i: (0, 0)),
        pl.BlockSpec((1, DOUT), lambda i: (0, 0)),
    ],
    out_specs=pl.BlockSpec((_EB, DOUT), lambda i: (i, 0)),
    out_shape=jax.ShapeDtypeStruct((E, DOUT), jnp.float32),
)


def kernel(x, edge_index, edge_attr, W, b):
    w1 = W[:D]
    w2 = W[D:2 * D]
    w3 = W[2 * D:]
    row = edge_index[0]
    col = edge_index[1]
    y1, y2 = _node_mm(x, w1, w2)
    s = _sc_gather(y1, y2, row, col)
    return _edge_out(s, edge_attr.T, w3, b.reshape(1, DOUT))

# --- scband reference (transcript-rebuilt; emitter-appended) ---
"""Pipeline reference for scband-edge-model-39591008534980 (READ-ONLY COPY).

The authoritative reference and input builder live on the scoring server;
editing this copy changes nothing except your own understanding.
"""

import jax, jax.numpy as jnp
import numpy as np

N, E, D, DE, DOUT = 10000, 320000, 128, 16, 128


def setup_inputs(seed: int = 0) -> dict:
    key = jax.random.key(seed)
    k1, k2, k3, k4 = jax.random.split(key, 4)
    x = jax.random.normal(k1, (N, D), dtype=jnp.float32)
    edge_index = jax.random.randint(k2, (2, E), 0, N, dtype=jnp.int32)
    edge_attr = jax.random.normal(k3, (E, DE), dtype=jnp.float32)
    # edge_mlp params: Linear(2*D + DE -> DOUT)
    W = jax.random.normal(k4, (2 * D + DE, DOUT), dtype=jnp.float32) * 0.05
    b = jnp.zeros((DOUT,), dtype=jnp.float32)
    return {"x": x, "edge_index": edge_index, "edge_attr": edge_attr, "W": W, "b": b}


def reference(x, edge_index, edge_attr, W, b):
    row, col = edge_index[0], edge_index[1]
    # gathers of node features onto edges (SparseCore-style gather)
    source = jnp.take(x, row, axis=0)
    target = jnp.take(x, col, axis=0)
    # faithful dead-code gathers from the original forward (results unused;
    # the original `mlp(...)` call references an undefined name and is omitted)
    edge_source = jnp.take(edge_attr, row, axis=0)
    edge_target = jnp.take(edge_attr, col, axis=0)
    out = jnp.concatenate([source, target, edge_attr], axis=1)
    # edge_mlp: single Linear layer
    return out @ W + b

if __name__ == "__main__":
    import jax
    _d = setup_inputs()
    print(jax.jit(kernel)(*tuple(_d.values())))

</pallas_src>

<mosaic_0001>
#map = affine_map<(d0, d1) -> (0, 0)>
#map1 = affine_map<(d0, d1) -> (0)>
module attributes {stable_mosaic.version = 14 : i64} {
  func.func @_sc_gather_body(%arg0: i32, %arg1: i32, %arg2: memref<10000x128xf32, #tpu.memory_space<hbm>>, %arg3: memref<10000x128xf32, #tpu.memory_space<hbm>>, %arg4: memref<320000xi32, #tpu.memory_space<hbm>>, %arg5: memref<320000xi32, #tpu.memory_space<hbm>>, %arg6: memref<320000x128xf32, #tpu.memory_space<hbm>>, %arg7: memref<10000xi32, #tpu.memory_space<vmem>>, %arg8: memref<10000xi32, #tpu.memory_space<vmem>>, %arg9: memref<80x128xf32, #tpu.memory_space<vmem>>, %arg10: memref<80x128xf32, #tpu.memory_space<vmem>>, %arg11: memref<80x128xf32, #tpu.memory_space<vmem>>, %arg12: memref<80x128xf32, #tpu.memory_space<vmem>>, %arg13: memref<80x128xf32, #tpu.memory_space<vmem>>, %arg14: memref<80x128xf32, #tpu.memory_space<vmem>>, %arg15: memref<80x128xf32, #tpu.memory_space<vmem>>, %arg16: memref<80x128xf32, #tpu.memory_space<vmem>>, %arg17: memref<80x128xf32, #tpu.memory_space<vmem>>, %arg18: memref<!tpu.dma_semaphore, #tpu.memory_space<semaphore_mem>>, %arg19: memref<!tpu.dma_semaphore, #tpu.memory_space<semaphore_mem>>, %arg20: memref<!tpu.dma_semaphore, #tpu.memory_space<semaphore_mem>>, %arg21: memref<!tpu.dma_semaphore, #tpu.memory_space<semaphore_mem>>, %arg22: memref<!tpu.dma_semaphore, #tpu.memory_space<semaphore_mem>>, %arg23: memref<!tpu.dma_semaphore, #tpu.memory_space<semaphore_mem>>) attributes {dimension_semantics = [#tpu.dimension_semantics<core_parallel>, #tpu.dimension_semantics<subcore_parallel>], iteration_bounds = array<i64: 2, 16>, scalar_prefetch = 0 : i64, scratch_operands = 17 : i64, tpu.core_type = #tpu.core_type<sc_vector_subcore>, window_params = [{transform_indices = #map}, {transform_indices = #map}, {transform_indices = #map1}, {transform_indices = #map1}, {transform_indices = #map}]} {
    %mul3A = arith.constant 2 : i32
    %mul3A_0 = arith.muli %arg1, %mul3A : i32
    %add3A = arith.addi %mul3A_0, %arg0 : i32
    %mul3A_1 = arith.constant 10000 : i32
    %mul3A_2 = arith.muli %add3A, %mul3A_1 : i32
    "tpu.region"() ({
      %run_scoped3A = tpu.sem_alloc : memref<!tpu.dma_semaphore, #tpu.memory_space<semaphore_mem>>
      %dma_start3A_103 = tpu.memref_slice %arg4[%mul3A_2] : memref<320000xi32, #tpu.memory_space<hbm>> -> memref<10000xi32, #tpu.memory_space<hbm>>
      %dma_start3A_104 = tpu.memref_slice %arg4[%mul3A_2] : memref<320000xi32, #tpu.memory_space<hbm>> -> memref<10000xi32, #tpu.memory_space<hbm>>
      tpu.enqueue_dma source(%dma_start3A_104 : memref<10000xi32, #tpu.memory_space<hbm>>) target(%arg7 : memref<10000xi32, #tpu.memory_space<vmem>>) target_semaphore(%run_scoped3A : memref<!tpu.dma_semaphore, #tpu.memory_space<semaphore_mem>>)
      %dma_wait3A_105 = tpu.memref_slice %arg4[%mul3A_2] : memref<320000xi32, #tpu.memory_space<hbm>> -> memref<10000xi32, #tpu.memory_space<hbm>>
      %dma_wait3A_106 = tpu.memref_slice %arg4[%mul3A_2] : memref<320000xi32, #tpu.memory_space<hbm>> -> memref<10000xi32, #tpu.memory_space<hbm>>
      tpu.wait_dma2 semaphore(%run_scoped3A : memref<!tpu.dma_semaphore, #tpu.memory_space<semaphore_mem>>) src(%dma_wait3A_106 : memref<10000xi32, #tpu.memory_space<hbm>>) dst(%arg7 : memref<10000xi32, #tpu.memory_space<vmem>>)
      tpu.yield
    }) : () -> ()
    "tpu.region"() ({
      %run_scoped3A = tpu.sem_alloc : memref<!tpu.dma_semaphore, #tpu.memory_space<semaphore_mem>>
      %dma_start3A_103 = tpu.memref_slice %arg5[%mul3A_2] : memref<320000xi32, #tpu.memory_space<hbm>> -> memref<10000xi32, #tpu.memory_space<hbm>>
      %dma_start3A_104 = tpu.memref_slice %arg5[%mul3A_2] : memref<320000xi32, #tpu.memory_space<hbm>> -> memref<10000xi32, #tpu.memory_space<hbm>>
      tpu.enqueue_dma source(%dma_start3A_104 : memref<10000xi32, #tpu.memory_space<hbm>>) target(%arg8 : memref<10000xi32, #tpu.memory_space<vmem>>) target_semaphore(%run_scoped3A : memref<!tpu.dma_semaphore, #tpu.memory_space<semaphore_mem>>)
      %dma_wait3A_105 = tpu.memref_slice %arg5[%mul3A_2] : memref<320000xi32, #tpu.memory_space<hbm>> -> memref<10000xi32, #tpu.memory_space<hbm>>
      %dma_wait3A_106 = tpu.memref_slice %arg5[%mul3A_2] : memref<320000xi32, #tpu.memory_space<hbm>> -> memref<10000xi32, #tpu.memory_space<hbm>>
      tpu.wait_dma2 semaphore(%run_scoped3A : memref<!tpu.dma_semaphore, #tpu.memory_space<semaphore_mem>>) src(%dma_wait3A_106 : memref<10000xi32, #tpu.memory_space<hbm>>) dst(%arg8 : memref<10000xi32, #tpu.memory_space<vmem>>)
      tpu.yield
    }) : () -> ()
    %dma_start3A = arith.constant 0 : i32
    %dma_start3A_3 = tpu.memref_slice %arg7[%dma_start3A] : memref<10000xi32, #tpu.memory_space<vmem>> -> memref<80xi32, #tpu.memory_space<vmem>>
    %dma_start3A_4 = arith.constant 0 : i32
    %dma_start3A_5 = arith.constant 0 : i32
    %dma_start3A_6 = tpu.memref_slice %arg2[%dma_start3A_4, %dma_start3A_5] : memref<10000x128xf32, #tpu.memory_space<hbm>> -> memref<10000x128xf32, #tpu.memory_space<hbm>>
    tpu.enqueue_indirect_dma source(%dma_start3A_6 : memref<10000x128xf32, #tpu.memory_space<hbm>>) target(%arg9 : memref<80x128xf32, #tpu.memory_space<vmem>>) offsets(%dma_start3A_3 : memref<80xi32, #tpu.memory_space<vmem>>) semaphore(%arg18 : memref<!tpu.dma_semaphore, #tpu.memory_space<semaphore_mem>>)
    %dma_start3A_7 = arith.constant 0 : i32
    %dma_start3A_8 = tpu.memref_slice %arg8[%dma_start3A_7] : memref<10000xi32, #tpu.memory_space<vmem>> -> memref<80xi32, #tpu.memory_space<vmem>>
    %dma_start3A_9 = arith.constant 0 : i32
    %dma_start3A_10 = arith.constant 0 : i32
    %dma_start3A_11 = tpu.memref_slice %arg3[%dma_start3A_9, %dma_start3A_10] : memref<10000x128xf32, #tpu.memory_space<hbm>> -> memref<10000x128xf32, #tpu.memory_space<hbm>>
    tpu.enqueue_indirect_dma source(%dma_start3A_11 : memref<10000x128xf32, #tpu.memory_space<hbm>>) target(%arg10 : memref<80x128xf32, #tpu.memory_space<vmem>>) offsets(%dma_start3A_8 : memref<80xi32, #tpu.memory_space<vmem>>) semaphore(%arg18 : memref<!tpu.dma_semaphore, #tpu.memory_space<semaphore_mem>>)
    %dma_start3A_12 = arith.constant 80 : i32
    %dma_start3A_13 = tpu.memref_slice %arg7[%dma_start3A_12] : memref<10000xi32, #tpu.memory_space<vmem>> -> memref<80xi32, #tpu.memory_space<vmem>>
    %dma_start3A_14 = arith.constant 0 : i32
    %dma_start3A_15 = arith.constant 0 : i32
    %dma_start3A_16 = tpu.memref_slice %arg2[%dma_start3A_14, %dma_start3A_15] : memref<10000x128xf32, #tpu.memory_space<hbm>> -> memref<10000x128xf32, #tpu.memory_space<hbm>>
    tpu.enqueue_indirect_dma source(%dma_start3A_16 : memref<10000x128xf32, #tpu.memory_space<hbm>>) target(%arg12 : memref<80x128xf32, #tpu.memory_space<vmem>>) offsets(%dma_start3A_13 : memref<80xi32, #tpu.memory_space<vmem>>) semaphore(%arg19 : memref<!tpu.dma_semaphore, #tpu.memory_space<semaphore_mem>>)
    %dma_start3A_17 = arith.constant 80 : i32
    %dma_start3A_18 = tpu.memref_slice %arg8[%dma_start3A_17] : memref<10000xi32, #tpu.memory_space<vmem>> -> memref<80xi32, #tpu.memory_space<vmem>>
    %dma_start3A_19 = arith.constant 0 : i32
    %dma_start3A_20 = arith.constant 0 : i32
    %dma_start3A_21 = tpu.memref_slice %arg3[%dma_start3A_19, %dma_start3A_20] : memref<10000x128xf32, #tpu.memory_space<hbm>> -> memref<10000x128xf32, #tpu.memory_space<hbm>>
    tpu.enqueue_indirect_dma source(%dma_start3A_21 : memref<10000x128xf32, #tpu.memory_space<hbm>>) target(%arg13 : memref<80x128xf32, #tpu.memory_space<vmem>>) offsets(%dma_start3A_18 : memref<80xi32, #tpu.memory_space<vmem>>) semaphore(%arg19 : memref<!tpu.dma_semaphore, #tpu.memory_space<semaphore_mem>>)
    %dma_start3A_22 = arith.constant 160 : i32
    %dma_start3A_23 = tpu.memref_slice %arg7[%dma_start3A_22] : memref<10000xi32, #tpu.memory_space<vmem>> -> memref<80xi32, #tpu.memory_space<vmem>>
    %dma_start3A_24 = arith.constant 0 : i32
    %dma_start3A_25 = arith.constant 0 : i32
    %dma_start3A_26 = tpu.memref_slice %arg2[%dma_start3A_24, %dma_start3A_25] : memref<10000x128xf32, #tpu.memory_space<hbm>> -> memref<10000x128xf32, #tpu.memory_space<hbm>>
    tpu.enqueue_indirect_dma source(%dma_start3A_26 : memref<10000x128xf32, #tpu.memory_space<hbm>>) target(%arg15 : memref<80x128xf32, #tpu.memory_space<vmem>>) offsets(%dma_start3A_23 : memref<80xi32, #tpu.memory_space<vmem>>) semaphore(%arg20 : memref<!tpu.dma_semaphore, #tpu.memory_space<semaphore_mem>>)
    %dma_start3A_27 = arith.constant 160 : i32
    %dma_start3A_28 = tpu.memref_slice %arg8[%dma_start3A_27] : memref<10000xi32, #tpu.memory_space<vmem>> -> memref<80xi32, #tpu.memory_space<vmem>>
    %dma_start3A_29 = arith.constant 0 : i32
    %dma_start3A_30 = arith.constant 0 : i32
    %dma_start3A_31 = tpu.memref_slice %arg3[%dma_start3A_29, %dma_start3A_30] : memref<10000x128xf32, #tpu.memory_space<hbm>> -> memref<10000x128xf32, #tpu.memory_space<hbm>>
    tpu.enqueue_indirect_dma source(%dma_start3A_31 : memref<10000x128xf32, #tpu.memory_space<hbm>>) target(%arg16 : memref<80x128xf32, #tpu.memory_space<vmem>>) offsets(%dma_start3A_28 : memref<80xi32, #tpu.memory_space<vmem>>) semaphore(%arg20 : memref<!tpu.dma_semaphore, #tpu.memory_space<semaphore_mem>>)
    %scan3A = arith.constant 0 : i32
    %scan3A_32 = arith.constant 0 : i32
    %scan3A_33 = arith.constant 41 : i32
    %scan3A_34 = arith.addi %scan3A_32, %scan3A_33 : i32
    %scan3A_35 = arith.constant 1 : i32
    scf.for %scan3A_103 = %scan3A_32 to %scan3A_34 step %scan3A_35  : i32 {
      %mul3A_104 = arith.constant 3 : i32
      %mul3A_105 = arith.muli %mul3A_104, %scan3A_103 : i32
      %mul3A_106 = arith.constant 80 : i32
      %mul3A_107 = arith.muli %mul3A_105, %mul3A_106 : i32
      %dma_wait3A_108 = tpu.memref_slice %arg7[%mul3A_107] : memref<10000xi32, #tpu.memory_space<vmem>> -> memref<80xi32, #tpu.memory_space<vmem>>
      %dma_wait3A_109 = arith.constant 0 : i32
      %dma_wait3A_110 = arith.constant 0 : i32
      %dma_wait3A_111 = tpu.memref_slice %arg2[%dma_wait3A_109, %dma_wait3A_110] : memref<10000x128xf32, #tpu.memory_space<hbm>> -> memref<10000x128xf32, #tpu.memory_space<hbm>>
      tpu.wait_indirect_dma semaphore(%arg18 : memref<!tpu.dma_semaphore, #tpu.memory_space<semaphore_mem>>) src(%dma_wait3A_111 : memref<10000x128xf32, #tpu.memory_space<hbm>>) dst(%arg9 : memref<80x128xf32, #tpu.memory_space<vmem>>)
      %dma_wait3A_112 = tpu.memref_slice %arg8[%mul3A_107] : memref<10000xi32, #tpu.memory_space<vmem>> -> memref<80xi32, #tpu.memory_space<vmem>>
      %dma_wait3A_113 = arith.constant 0 : i32
      %dma_wait3A_114 = arith.constant 0 : i32
      %dma_wait3A_115 = tpu.memref_slice %arg3[%dma_wait3A_113, %dma_wait3A_114] : memref<10000x128xf32, #tpu.memory_space<hbm>> -> memref<10000x128xf32, #tpu.memory_space<hbm>>
      tpu.wait_indirect_dma semaphore(%arg18 : memref<!tpu.dma_semaphore, #tpu.memory_space<semaphore_mem>>) src(%dma_wait3A_115 : memref<10000x128xf32, #tpu.memory_space<hbm>>) dst(%arg10 : memref<80x128xf32, #tpu.memory_space<vmem>>)
      %ge3A = arith.constant 3 : i32
      %ge3A_116 = arith.cmpi sge, %mul3A_105, %ge3A : i32
      %convert_element_type3A = arith.extui %ge3A_116 : i1 to i32
      %cond3A = arith.constant 0 : i32
      %cond3A_117 = arith.cmpi ne, %convert_element_type3A, %cond3A : i32
      scf.if %cond3A_117 {
        %sub3A = arith.constant 3 : i32
        %sub3A_192 = arith.subi %mul3A_105, %sub3A : i32
        %mul3A_193 = arith.constant 80 : i32
        %mul3A_194 = arith.muli %sub3A_192, %mul3A_193 : i32
        %add3A_195 = arith.addi %mul3A_2, %mul3A_194 : i32
        %dma_wait3A_196 = arith.constant 0 : i32
        %dma_wait3A_197 = tpu.memref_slice %arg6[%add3A_195, %dma_wait3A_196] : memref<320000x128xf32, #tpu.memory_space<hbm>> -> memref<80x128xf32, #tpu.memory_space<hbm>>
        %dma_wait3A_198 = arith.constant 0 : i32
        %dma_wait3A_199 = tpu.memref_slice %arg6[%add3A_195, %dma_wait3A_198] : memref<320000x128xf32, #tpu.memory_space<hbm>> -> memref<80x128xf32, #tpu.memory_space<hbm>>
        tpu.wait_dma2 semaphore(%arg21 : memref<!tpu.dma_semaphore, #tpu.memory_space<semaphore_mem>>) src(%arg11 : memref<80x128xf32, #tpu.memory_space<vmem>>) dst(%dma_wait3A_199 : memref<80x128xf32, #tpu.memory_space<hbm>>)
      } else {
      }
      %parallel_loop3A_118 = arith.constant 0 : i32
      %parallel_loop3A_119 = arith.constant 80 : i32
      %parallel_loop3A_120 = arith.constant 1 : i32
      scf.for %parallel_loop3A_192 = %parallel_loop3A_118 to %parallel_loop3A_119 step %parallel_loop3A_120  : i32 {
        %parallel_loop3A_193 = arith.index_cast %parallel_loop3A_192 : i32 to index
        %parallel_loop3A_194 = arith.constant 0 : index
        %parallel_loop3A_195 = tpu.vector_load %arg9[%parallel_loop3A_193, %parallel_loop3A_194] {strides = array<i32>} : memref<80x128xf32, #tpu.memory_space<vmem>>, vector<1x16xf32>,
        %parallel_loop3A_196 = vector.shape_cast %parallel_loop3A_195 : vector<1x16xf32> to vector<16xf32>
        %parallel_loop3A_197 = arith.index_cast %parallel_loop3A_192 : i32 to index
        %parallel_loop3A_198 = arith.constant 0 : index
        %parallel_loop3A_199 = tpu.vector_load %arg10[%parallel_loop3A_197, %parallel_loop3A_198] {strides = array<i32>} : memref<80x128xf32, #tpu.memory_space<vmem>>, vector<1x16xf32>,
        %parallel_loop3A_200 = vector.shape_cast %parallel_loop3A_199 : vector<1x16xf32> to vector<16xf32>
        %parallel_loop3A_201 = arith.addf %parallel_loop3A_196, %parallel_loop3A_200 : vector<16xf32>
        %parallel_loop3A_202 = arith.index_cast %parallel_loop3A_192 : i32 to index
        %parallel_loop3A_203 = arith.constant 0 : index
        %parallel_loop3A_204 = tpu.vector_load %arg11[%parallel_loop3A_202, %parallel_loop3A_203] {strides = array<i32>} : memref<80x128xf32, #tpu.memory_space<vmem>>, vector<1x16xf32>,
        %parallel_loop3A_205 = vector.shape_cast %parallel_loop3A_204 : vector<1x16xf32> to vector<16xf32>
        %parallel_loop3A_206 = vector.shape_cast %parallel_loop3A_201 : vector<16xf32> to vector<1x16xf32>
        tpu.vector_store %arg11[%parallel_loop3A_202, %parallel_loop3A_203], %parallel_loop3A_206 {strides = array<i32>} : memref<80x128xf32, #tpu.memory_space<vmem>>, vector<1x16xf32>,
        %parallel_loop3A_207 = arith.index_cast %parallel_loop3A_192 : i32 to index
        %parallel_loop3A_208 = arith.constant 16 : index
        %parallel_loop3A_209 = tpu.vector_load %arg9[%parallel_loop3A_207, %parallel_loop3A_208] {strides = array<i32>} : memref<80x128xf32, #tpu.memory_space<vmem>>, vector<1x16xf32>,
        %parallel_loop3A_210 = vector.shape_cast %parallel_loop3A_209 : vector<1x16xf32> to vector<16xf32>
        %parallel_loop3A_211 = arith.index_cast %parallel_loop3A_192 : i32 to index
        %parallel_loop3A_212 = arith.constant 16 : index
        %parallel_loop3A_213 = tpu.vector_load %arg10[%parallel_loop3A_211, %parallel_loop3A_212] {strides = array<i32>} : memref<80x128xf32, #tpu.memory_space<vmem>>, vector<1x16xf32>,
        %parallel_loop3A_214 = vector.shape_cast %parallel_loop3A_213 : vector<1x16xf32> to vector<16xf32>
        %parallel_loop3A_215 = arith.addf %parallel_loop3A_210, %parallel_loop3A_214 : vector<16xf32>
        %parallel_loop3A_216 = arith.index_cast %parallel_loop3A_192 : i32 to index
        %parallel_loop3A_217 = arith.constant 16 : index
        %parallel_loop3A_218 = tpu.vector_load %arg11[%parallel_loop3A_216, %parallel_loop3A_217] {strides = array<i32>} : memref<80x128xf32, #tpu.memory_space<vmem>>, vector<1x16xf32>,
        %parallel_loop3A_219 = vector.shape_cast %parallel_loop3A_218 : vector<1x16xf32> to vector<16xf32>
        %parallel_loop3A_220 = vector.shape_cast %parallel_loop3A_215 : vector<16xf32> to vector<1x16xf32>
        tpu.vector_store %arg11[%parallel_loop3A_216, %parallel_loop3A_217], %parallel_loop3A_220 {strides = array<i32>} : memref<80x128xf32, #tpu.memory_space<vmem>>, vector<1x16xf32>,
        %parallel_loop3A_221 = arith.index_cast %parallel_loop3A_192 : i32 to index
        %parallel_loop3A_222 = arith.constant 32 : index
        %parallel_loop3A_223 = tpu.vector_load %arg9[%parallel_loop3A_221, %parallel_loop3A_222] {strides = array<i32>} : memref<80x128xf32, #tpu.memory_space<vmem>>, vector<1x16xf32>,
        %parallel_loop3A_224 = vector.shape_cast %parallel_loop3A_223 : vector<1x16xf32> to vector<16xf32>
        %parallel_loop3A_225 = arith.index_cast %parallel_loop3A_192 : i32 to index
        %parallel_loop3A_226 = arith.constant 32 : index
        %parallel_loop3A_227 = tpu.vector_load %arg10[%parallel_loop3A_225, %parallel_loop3A_226] {strides = array<i32>} : memref<80x128xf32, #tpu.memory_space<vmem>>, vector<1x16xf32>,
        %parallel_loop3A_228 = vector.shape_cast %parallel_loop3A_227 : vector<1x16xf32> to vector<16xf32>
        %parallel_loop3A_229 = arith.addf %parallel_loop3A_224, %parallel_loop3A_228 : vector<16xf32>
        %parallel_loop3A_230 = arith.index_cast %parallel_loop3A_192 : i32 to index
        %parallel_loop3A_231 = arith.constant 32 : index
        %parallel_loop3A_232 = tpu.vector_load %arg11[%parallel_loop3A_230, %parallel_loop3A_231] {strides = array<i32>} : memref<80x128xf32, #tpu.memory_space<vmem>>, vector<1x16xf32>,
        %parallel_loop3A_233 = vector.shape_cast %parallel_loop3A_232 : vector<1x16xf32> to vector<16xf32>
        %parallel_loop3A_234 = vector.shape_cast %parallel_loop3A_229 : vector<16xf32> to vector<1x16xf32>
        tpu.vector_store %arg11[%parallel_loop3A_230, %parallel_loop3A_231], %parallel_loop3A_234 {strides = array<i32>} : memref<80x128xf32, #tpu.memory_space<vmem>>, vector<1x16xf32>,
        %parallel_loop3A_235 = arith.index_cast %parallel_loop3A_192 : i32 to index
        %parallel_loop3A_236 = arith.constant 48 : index
        %parallel_loop3A_237 = tpu.vector_load %arg9[%parallel_loop3A_235, %parallel_loop3A_236] {strides = array<i32>} : memref<80x128xf32, #tpu.memory_space<vmem>>, vector<1x16xf32>,
        %parallel_loop3A_238 = vector.shape_cast %parallel_loop3A_237 : vector<1x16xf32> to vector<16xf32>
        %parallel_loop3A_239 = arith.index_cast %parallel_loop3A_192 : i32 to index
        %parallel_loop3A_240 = arith.constant 48 : index
        %parallel_loop3A_241 = tpu.vector_load %arg10[%parallel_loop3A_239, %parallel_loop3A_240] {strides = array<i32>} : memref<80x128xf32, #tpu.memory_space<vmem>>, vector<1x16xf32>,
        %parallel_loop3A_242 = vector.shape_cast %parallel_loop3A_241 : vector<1x16xf32> to vector<16xf32>
        %parallel_loop3A_243 = arith.addf %parallel_loop3A_238, %parallel_loop3A_242 : vector<16xf32>
        %parallel_loop3A_244 = arith.index_cast %parallel_loop3A_192 : i32 to index
        %parallel_loop3A_245 = arith.constant 48 : index
        %parallel_loop3A_246 = tpu.vector_load %arg11[%parallel_loop3A_244, %parallel_loop3A_245] {strides = array<i32>} : memref<80x128xf32, #tpu.memory_space<vmem>>, vector<1x16xf32>,
        %parallel_loop3A_247 = vector.shape_cast %parallel_loop3A_246 : vector<1x16xf32> to vector<16xf32>
        %parallel_loop3A_248 = vector.shape_cast %parallel_loop3A_243 : vector<16xf32> to vector<1x16xf32>
        tpu.vector_store %arg11[%parallel_loop3A_244, %parallel_loop3A_245], %parallel_loop3A_248 {strides = array<i32>} : memref<80x128xf32, #tpu.memory_space<vmem>>, vector<1x16xf32>,
        %parallel_loop3A_249 = arith.index_cast %parallel_loop3A_192 : i32 to index
        %parallel_loop3A_250 = arith.constant 64 : index
        %parallel_loop3A_251 = tpu.vector_load %arg9[%parallel_loop3A_249, %parallel_loop3A_250] {strides = array<i32>} : memref<80x128xf32, #tpu.memory_space<vmem>>, vector<1x16xf32>,
        %parallel_loop3A_252 = vector.shape_cast %parallel_loop3A_251 : vector<1x16xf32> to vector<16xf32>
        %parallel_loop3A_253 = arith.index_cast %parallel_loop3A_192 : i32 to index
        %parallel_loop3A_254 = arith.constant 64 : index
        %parallel_loop3A_255 = tpu.vector_load %arg10[%parallel_loop3A_253, %parallel_loop3A_254] {strides = array<i32>} : memref<80x128xf32, #tpu.memory_space<vmem>>, vector<1x16xf32>,
        %parallel_loop3A_256 = vector.shape_cast %parallel_loop3A_255 : vector<1x16xf32> to vector<16xf32>
        %parallel_loop3A_257 = arith.addf %parallel_loop3A_252, %parallel_loop3A_256 : vector<16xf32>
        %parallel_loop3A_258 = arith.index_cast %parallel_loop3A_192 : i32 to index
        %parallel_loop3A_259 = arith.constant 64 : index
        %parallel_loop3A_260 = tpu.vector_load %arg11[%parallel_loop3A_258, %parallel_loop3A_259] {strides = array<i32>} : memref<80x128xf32, #tpu.memory_space<vmem>>, vector<1x16xf32>,
        %parallel_loop3A_261 = vector.shape_cast %parallel_loop3A_260 : vector<1x16xf32> to vector<16xf32>
        %parallel_loop3A_262 = vector.shape_cast %parallel_loop3A_257 : vector<16xf32> to vector<1x16xf32>
        tpu.vector_store %arg11[%parallel_loop3A_258, %parallel_loop3A_259], %parallel_loop3A_262 {strides = array<i32>} : memref<80x128xf32, #tpu.memory_space<vmem>>, vector<1x16xf32>,
        %parallel_loop3A_263 = arith.index_cast %parallel_loop3A_192 : i32 to index
        %parallel_loop3A_264 = arith.constant 80 : index
        %parallel_loop3A_265 = tpu.vector_load %arg9[%parallel_loop3A_263, %parallel_loop3A_264] {strides = array<i32>} : memref<80x128xf32, #tpu.memory_space<vmem>>, vector<1x16xf32>,
        %parallel_loop3A_266 = vector.shape_cast %parallel_loop3A_265 : vector<1x16xf32> to vector<16xf32>
        %parallel_loop3A_267 = arith.index_cast %parallel_loop3A_192 : i32 to index
        %parallel_loop3A_268 = arith.constant 80 : index
        %parallel_loop3A_269 = tpu.vector_load %arg10[%parallel_loop3A_267, %parallel_loop3A_268] {strides = array<i32>} : memref<80x128xf32, #tpu.memory_space<vmem>>, vector<1x16xf32>,
        %parallel_loop3A_270 = vector.shape_cast %parallel_loop3A_269 : vector<1x16xf32> to vector<16xf32>
        %parallel_loop3A_271 = arith.addf %parallel_loop3A_266, %parallel_loop3A_270 : vector<16xf32>
        %parallel_loop3A_272 = arith.index_cast %parallel_loop3A_192 : i32 to index
        %parallel_loop3A_273 = arith.constant 80 : index
        %parallel_loop3A_274 = tpu.vector_load %arg11[%parallel_loop3A_272, %parallel_loop3A_273] {strides = array<i32>} : memref<80x128xf32, #tpu.memory_space<vmem>>, vector<1x16xf32>,
        %parallel_loop3A_275 = vector.shape_cast %parallel_loop3A_274 : vector<1x16xf32> to vector<16xf32>
        %parallel_loop3A_276 = vector.shape_cast %parallel_loop3A_271 : vector<16xf32> to vector<1x16xf32>
        tpu.vector_store %arg11[%parallel_loop3A_272, %parallel_loop3A_273], %parallel_loop3A_276 {strides = array<i32>} : memref<80x128xf32, #tpu.memory_space<vmem>>, vector<1x16xf32>,
        %parallel_loop3A_277 = arith.index_cast %parallel_loop3A_192 : i32 to index
        %parallel_loop3A_278 = arith.constant 96 : index
        %parallel_loop3A_279 = tpu.vector_load %arg9[%parallel_loop3A_277, %parallel_loop3A_278] {strides = array<i32>} : memref<80x128xf32, #tpu.memory_space<vmem>>, vector<1x16xf32>,
        %parallel_loop3A_280 = vector.shape_cast %parallel_loop3A_279 : vector<1x16xf32> to vector<16xf32>
        %parallel_loop3A_281 = arith.index_cast %parallel_loop3A_192 : i32 to index
        %parallel_loop3A_282 = arith.constant 96 : index
        %parallel_loop3A_283 = tpu.vector_load %arg10[%parallel_loop3A_281, %parallel_loop3A_282] {strides = array<i32>} : memref<80x128xf32, #tpu.memory_space<vmem>>, vector<1x16xf32>,
        %parallel_loop3A_284 = vector.shape_cast %parallel_loop3A_283 : vector<1x16xf32> to vector<16xf32>
        %parallel_loop3A_285 = arith.addf %parallel_loop3A_280, %parallel_loop3A_284 : vector<16xf32>
        %parallel_loop3A_286 = arith.index_cast %parallel_loop3A_192 : i32 to index
        %parallel_loop3A_287 = arith.constant 96 : index
        %parallel_loop3A_288 = tpu.vector_load %arg11[%parallel_loop3A_286, %parallel_loop3A_287] {strides = array<i32>} : memref<80x128xf32, #tpu.memory_space<vmem>>, vector<1x16xf32>,
        %parallel_loop3A_289 = vector.shape_cast %parallel_loop3A_288 : vector<1x16xf32> to vector<16xf32>
        %parallel_loop3A_290 = vector.shape_cast %parallel_loop3A_285 : vector<16xf32> to vector<1x16xf32>
        tpu.vector_store %arg11[%parallel_loop3A_286, %parallel_loop3A_287], %parallel_loop3A_290 {strides = array<i32>} : memref<80x128xf32, #tpu.memory_space<vmem>>, vector<1x16xf32>,
        %parallel_loop3A_291 = arith.index_cast %parallel_loop3A_192 : i32 to index
        %parallel_loop3A_292 = arith.constant 112 : index
        %parallel_loop3A_293 = tpu.vector_load %arg9[%parallel_loop3A_291, %parallel_loop3A_292] {strides = array<i32>} : memref<80x128xf32, #tpu.memory_space<vmem>>, vector<1x16xf32>,
        %parallel_loop3A_294 = vector.shape_cast %parallel_loop3A_293 : vector<1x16xf32> to vector<16xf32>
        %parallel_loop3A_295 = arith.index_cast %parallel_loop3A_192 : i32 to index
        %parallel_loop3A_296 = arith.constant 112 : index
        %parallel_loop3A_297 = tpu.vector_load %arg10[%parallel_loop3A_295, %parallel_loop3A_296] {strides = array<i32>} : memref<80x128xf32, #tpu.memory_space<vmem>>, vector<1x16xf32>,
        %parallel_loop3A_298 = vector.shape_cast %parallel_loop3A_297 : vector<1x16xf32> to vector<16xf32>
        %parallel_loop3A_299 = arith.addf %parallel_loop3A_294, %parallel_loop3A_298 : vector<16xf32>
        %parallel_loop3A_300 = arith.index_cast %parallel_loop3A_192 : i32 to index
        %parallel_loop3A_301 = arith.constant 112 : index
        %parallel_loop3A_302 = tpu.vector_load %arg11[%parallel_loop3A_300, %parallel_loop3A_301] {strides = array<i32>} : memref<80x128xf32, #tpu.memory_space<vmem>>, vector<1x16xf32>,
        %parallel_loop3A_303 = vector.shape_cast %parallel_loop3A_302 : vector<1x16xf32> to vector<16xf32>
        %parallel_loop3A_304 = vector.shape_cast %parallel_loop3A_299 : vector<16xf32> to vector<1x16xf32>
        tpu.vector_store %arg11[%parallel_loop3A_300, %parallel_loop3A_301], %parallel_loop3A_304 {strides = array<i32>} : memref<80x128xf32, #tpu.memory_space<vmem>>, vector<1x16xf32>,
      } {sc.loop_unroll_factor = 2 : i64, sc.parallel_access}
      %mul3A_121 = arith.constant 80 : i32
      %mul3A_122 = arith.muli %mul3A_105, %mul3A_121 : i32
      %add3A_123 = arith.addi %mul3A_2, %mul3A_122 : i32
      %dma_start3A_124 = arith.constant 0 : i32
      %dma_start3A_125 = tpu.memref_slice %arg6[%add3A_123, %dma_start3A_124] : memref<320000x128xf32, #tpu.memory_space<hbm>> -> memref<80x128xf32, #tpu.memory_space<hbm>>
      %dma_start3A_126 = arith.constant 0 : i32
      %dma_start3A_127 = tpu.memref_slice %arg6[%add3A_123, %dma_start3A_126] : memref<320000x128xf32, #tpu.memory_space<hbm>> -> memref<80x128xf32, #tpu.memory_space<hbm>>
      tpu.enqueue_dma source(%arg11 : memref<80x128xf32, #tpu.memory_space<vmem>>) target(%dma_start3A_127 : memref<80x128xf32, #tpu.memory_space<hbm>>) target_semaphore(%arg21 : memref<!tpu.dma_semaphore, #tpu.memory_space<semaphore_mem>>)
      %add3A_128 = arith.constant 3 : i32
      %add3A_129 = arith.addi %mul3A_105, %add3A_128 : i32
      %mul3A_130 = arith.constant 80 : i32
      %mul3A_131 = arith.muli %add3A_129, %mul3A_130 : i32
      %dma_start3A_132 = tpu.memref_slice %arg7[%mul3A_131] : memref<10000xi32, #tpu.memory_space<vmem>> -> memref<80xi32, #tpu.memory_space<vmem>>
      %dma_start3A_133 = arith.constant 0 : i32
      %dma_start3A_134 = arith.constant 0 : i32
      %dma_start3A_135 = tpu.memref_slice %arg2[%dma_start3A_133, %dma_start3A_134] : memref<10000x128xf32, #tpu.memory_space<hbm>> -> memref<10000x128xf32, #tpu.memory_space<hbm>>
      tpu.enqueue_indirect_dma source(%dma_start3A_135 : memref<10000x128xf32, #tpu.memory_space<hbm>>) target(%arg9 : memref<80x128xf32, #tpu.memory_space<vmem>>) offsets(%dma_start3A_132 : memref<80xi32, #tpu.memory_space<vmem>>) semaphore(%arg18 : memref<!tpu.dma_semaphore, #tpu.memory_space<semaphore_mem>>)
      %dma_start3A_136 = tpu.memref_slice %arg8[%mul3A_131] : memref<10000xi32, #tpu.memory_space<vmem>> -> memref<80xi32, #tpu.memory_space<vmem>>
      %dma_start3A_137 = arith.constant 0 : i32
      %dma_start3A_138 = arith.constant 0 : i32
      %dma_start3A_139 = tpu.memref_slice %arg3[%dma_start3A_137, %dma_start3A_138] : memref<10000x128xf32, #tpu.memory_space<hbm>> -> memref<10000x128xf32, #tpu.memory_space<hbm>>
      tpu.enqueue_indirect_dma source(%dma_start3A_139 : memref<10000x128xf32, #tpu.memory_space<hbm>>) target(%arg10 : memref<80x128xf32, #tpu.memory_space<vmem>>) offsets(%dma_start3A_136 : memref<80xi32, #tpu.memory_space<vmem>>) semaphore(%arg18 : memref<!tpu.dma_semaphore, #tpu.memory_space<semaphore_mem>>)
      %add3A_140 = arith.constant 1 : i32
      %add3A_141 = arith.addi %mul3A_105, %add3A_140 : i32
      %mul3A_142 = arith.constant 80 : i32
      %mul3A_143 = arith.muli %add3A_141, %mul3A_142 : i32
      %dma_wait3A_144 = tpu.memref_slice %arg7[%mul3A_143] : memref<10000xi32, #tpu.memory_space<vmem>> -> memref<80xi32, #tpu.memory_space<vmem>>
      %dma_wait3A_145 = arith.constant 0 : i32
      %dma_wait3A_146 = arith.constant 0 : i32
      %dma_wait3A_147 = tpu.memref_slice %arg2[%dma_wait3A_145, %dma_wait3A_146] : memref<10000x128xf32, #tpu.memory_space<hbm>> -> memref<10000x128xf32, #tpu.memory_space<hbm>>
      tpu.wait_indirect_dma semaphore(%arg19 : memref<!tpu.dma_semaphore, #tpu.memory_space<semaphore_mem>>) src(%dma_wait3A_147 : memref<10000x128xf32, #tpu.memory_space<hbm>>) dst(%arg12 : memref<80x128xf32, #tpu.memory_space<vmem>>)
      %dma_wait3A_148 = tpu.memref_slice %arg8[%mul3A_143] : memref<10000xi32, #tpu.memory_space<vmem>> -> memref<80xi32, #tpu.memory_space<vmem>>
      %dma_wait3A_149 = arith.constant 0 : i32
      %dma_wait3A_150 = arith.constant 0 : i32
      %dma_wait3A_151 = tpu.memref_slice %arg3[%dma_wait3A_149, %dma_wait3A_150] : memref<10000x128xf32, #tpu.memory_space<hbm>> -> memref<10000x128xf32, #tpu.memory_space<hbm>>
      tpu.wait_indirect_dma semaphore(%arg19 : memref<!tpu.dma_semaphore, #tpu.memory_space<semaphore_mem>>) src(%dma_wait3A_151 : memref<10000x128xf32, #tpu.memory_space<hbm>>) dst(%arg13 : memref<80x128xf32, #tpu.memory_space<vmem>>)
      %ge3A_152 = arith.constant 3 : i32
      %ge3A_153 = arith.cmpi sge, %add3A_141, %ge3A_152 : i32
      %convert_element_type3A_154 = arith.extui %ge3A_153 : i1 to i32
      %cond3A_155 = arith.constant 0 : i32
      %cond3A_156 = arith.cmpi ne, %convert_element_type3A_154, %cond3A_155 : i32
      scf.if %cond3A_156 {
        %sub3A = arith.constant 3 : i32
        %sub3A_192 = arith.subi %add3A_141, %sub3A : i32
        %mul3A_193 = arith.constant 80 : i32
        %mul3A_194 = arith.muli %sub3A_192, %mul3A_193 : i32
        %add3A_195 = arith.addi %mul3A_2, %mul3A_194 : i32
        %dma_wait3A_196 = arith.constant 0 : i32
        %dma_wait3A_197 = tpu.memref_slice %arg6[%add3A_195, %dma_wait3A_196] : memref<320000x128xf32, #tpu.memory_space<hbm>> -> memref<80x128xf32, #tpu.memory_space<hbm>>
        %dma_wait3A_198 = arith.constant 0 : i32
        %dma_wait3A_199 = tpu.memref_slice %arg6[%add3A_195, %dma_wait3A_198] : memref<320000x128xf32, #tpu.memory_space<hbm>> -> memref<80x128xf32, #tpu.memory_space<hbm>>
        tpu.wait_dma2 semaphore(%arg22 : memref<!tpu.dma_semaphore, #tpu.memory_space<semaphore_mem>>) src(%arg14 : memref<80x128xf32, #tpu.memory_space<vmem>>) dst(%dma_wait3A_199 : memref<80x128xf32, #tpu.memory_space<hbm>>)
      } else {
      }
      %parallel_loop3A_157 = arith.constant 0 : i32
      %parallel_loop3A_158 = arith.constant 80 : i32
      %parallel_loop3A_159 = arith.constant 1 : i32
      scf.for %parallel_loop3A_192 = %parallel_loop3A_157 to %parallel_loop3A_158 step %parallel_loop3A_159  : i32 {
        %parallel_loop3A_193 = arith.index_cast %parallel_loop3A_192 : i32 to index
        %parallel_loop3A_194 = arith.constant 0 : index
        %parallel_loop3A_195 = tpu.vector_load %arg12[%parallel_loop3A_193, %parallel_loop3A_194] {strides = array<i32>} : memref<80x128xf32, #tpu.memory_space<vmem>>, vector<1x16xf32>,
        %parallel_loop3A_196 = vector.shape_cast %parallel_loop3A_195 : vector<1x16xf32> to vector<16xf32>
        %parallel_loop3A_197 = arith.index_cast %parallel_loop3A_192 : i32 to index
        %parallel_loop3A_198 = arith.constant 0 : index
        %parallel_loop3A_199 = tpu.vector_load %arg13[%parallel_loop3A_197, %parallel_loop3A_198] {strides = array<i32>} : memref<80x128xf32, #tpu.memory_space<vmem>>, vector<1x16xf32>,
        %parallel_loop3A_200 = vector.shape_cast %parallel_loop3A_199 : vector<1x16xf32> to vector<16xf32>
        %parallel_loop3A_201 = arith.addf %parallel_loop3A_196, %parallel_loop3A_200 : vector<16xf32>
        %parallel_loop3A_202 = arith.index_cast %parallel_loop3A_192 : i32 to index
        %parallel_loop3A_203 = arith.constant 0 : index
        %parallel_loop3A_204 = tpu.vector_load %arg14[%parallel_loop3A_202, %parallel_loop3A_203] {strides = array<i32>} : memref<80x128xf32, #tpu.memory_space<vmem>>, vector<1x16xf32>,
        %parallel_loop3A_205 = vector.shape_cast %parallel_loop3A_204 : vector<1x16xf32> to vector<16xf32>
        %parallel_loop3A_206 = vector.shape_cast %parallel_loop3A_201 : vector<16xf32> to vector<1x16xf32>
        tpu.vector_store %arg14[%parallel_loop3A_202, %parallel_loop3A_203], %parallel_loop3A_206 {strides = array<i32>} : memref<80x128xf32, #tpu.memory_space<vmem>>, vector<1x16xf32>,
        %parallel_loop3A_207 = arith.index_cast %parallel_loop3A_192 : i32 to index
        %parallel_loop3A_208 = arith.constant 16 : index
        %parallel_loop3A_209 = tpu.vector_load %arg12[%parallel_loop3A_207, %parallel_loop3A_208] {strides = array<i32>} : memref<80x128xf32, #tpu.memory_space<vmem>>, vector<1x16xf32>,
        %parallel_loop3A_210 = vector.shape_cast %parallel_loop3A_209 : vector<1x16xf32> to vector<16xf32>
        %parallel_loop3A_211 = arith.index_cast %parallel_loop3A_192 : i32 to index
        %parallel_loop3A_212 = arith.constant 16 : index
        %parallel_loop3A_213 = tpu.vector_load %arg13[%parallel_loop3A_211, %parallel_loop3A_212] {strides = array<i32>} : memref<80x128xf32, #tpu.memory_space<vmem>>, vector<1x16xf32>,
        %parallel_loop3A_214 = vector.shape_cast %parallel_loop3A_213 : vector<1x16xf32> to vector<16xf32>
        %parallel_loop3A_215 = arith.addf %parallel_loop3A_210, %parallel_loop3A_214 : vector<16xf32>
        %parallel_loop3A_216 = arith.index_cast %parallel_loop3A_192 : i32 to index
        %parallel_loop3A_217 = arith.constant 16 : index
        %parallel_loop3A_218 = tpu.vector_load %arg14[%parallel_loop3A_216, %parallel_loop3A_217] {strides = array<i32>} : memref<80x128xf32, #tpu.memory_space<vmem>>, vector<1x16xf32>,
        %parallel_loop3A_219 = vector.shape_cast %parallel_loop3A_218 : vector<1x16xf32> to vector<16xf32>
        %parallel_loop3A_220 = vector.shape_cast %parallel_loop3A_215 : vector<16xf32> to vector<1x16xf32>
        tpu.vector_store %arg14[%parallel_loop3A_216, %parallel_loop3A_217], %parallel_loop3A_220 {strides = array<i32>} : memref<80x128xf32, #tpu.memory_space<vmem>>, vector<1x16xf32>,
        %parallel_loop3A_221 = arith.index_cast %parallel_loop3A_192 : i32 to index
        %parallel_loop3A_222 = arith.constant 32 : index
        %parallel_loop3A_223 = tpu.vector_load %arg12[%parallel_loop3A_221, %parallel_loop3A_222] {strides = array<i32>} : memref<80x128xf32, #tpu.memory_space<vmem>>, vector<1x16xf32>,
        %parallel_loop3A_224 = vector.shape_cast %parallel_loop3A_223 : vector<1x16xf32> to vector<16xf32>
        %parallel_loop3A_225 = arith.index_cast %parallel_loop3A_192 : i32 to index
        %parallel_loop3A_226 = arith.constant 32 : index
        %parallel_loop3A_227 = tpu.vector_load %arg13[%parallel_loop3A_225, %parallel_loop3A_226] {strides = array<i32>} : memref<80x128xf32, #tpu.memory_space<vmem>>, vector<1x16xf32>,
        %parallel_loop3A_228 = vector.shape_cast %parallel_loop3A_227 : vector<1x16xf32> to vector<16xf32>
        %parallel_loop3A_229 = arith.addf %parallel_loop3A_224, %parallel_loop3A_228 : vector<16xf32>
        %parallel_loop3A_230 = arith.index_cast %parallel_loop3A_192 : i32 to index
        %parallel_loop3A_231 = arith.constant 32 : index
        %parallel_loop3A_232 = tpu.vector_load %arg14[%parallel_loop3A_230, %parallel_loop3A_231] {strides = array<i32>} : memref<80x128xf32, #tpu.memory_space<vmem>>, vector<1x16xf32>,
        %parallel_loop3A_233 = vector.shape_cast %parallel_loop3A_232 : vector<1x16xf32> to vector<16xf32>
        %parallel_loop3A_234 = vector.shape_cast %parallel_loop3A_229 : vector<16xf32> to vector<1x16xf32>
        tpu.vector_store %arg14[%parallel_loop3A_230, %parallel_loop3A_231], %parallel_loop3A_234 {strides = array<i32>} : memref<80x128xf32, #tpu.memory_space<vmem>>, vector<1x16xf32>,
        %parallel_loop3A_235 = arith.index_cast %parallel_loop3A_192 : i32 to index
        %parallel_loop3A_236 = arith.constant 48 : index
        %parallel_loop3A_237 = tpu.vector_load %arg12[%parallel_loop3A_235, %parallel_loop3A_236] {strides = array<i32>} : memref<80x128xf32, #tpu.memory_space<vmem>>, vector<1x16xf32>,
        %parallel_loop3A_238 = vector.shape_cast %parallel_loop3A_237 : vector<1x16xf32> to vector<16xf32>
        %parallel_loop3A_239 = arith.index_cast %parallel_loop3A_192 : i32 to index
        %parallel_loop3A_240 = arith.constant 48 : index
        %parallel_loop3A_241 = tpu.vector_load %arg13[%parallel_loop3A_239, %parallel_loop3A_240] {strides = array<i32>} : memref<80x128xf32, #tpu.memory_space<vmem>>, vector<1x16xf32>,
        %parallel_loop3A_242 = vector.shape_cast %parallel_loop3A_241 : vector<1x16xf32> to vector<16xf32>
        %parallel_loop3A_243 = arith.addf %parallel_loop3A_238, %parallel_loop3A_242 : vector<16xf32>
        %parallel_loop3A_244 = arith.index_cast %parallel_loop3A_192 : i32 to index
        %parallel_loop3A_245 = arith.constant 48 : index
        %parallel_loop3A_246 = tpu.vector_load %arg14[%parallel_loop3A_244, %parallel_loop3A_245] {strides = array<i32>} : memref<80x128xf32, #tpu.memory_space<vmem>>, vector<1x16xf32>,
        %parallel_loop3A_247 = vector.shape_cast %parallel_loop3A_246 : vector<1x16xf32> to vector<16xf32>
        %parallel_loop3A_248 = vector.shape_cast %parallel_loop3A_243 : vector<16xf32> to vector<1x16xf32>
        tpu.vector_store %arg14[%parallel_loop3A_244, %parallel_loop3A_245], %parallel_loop3A_248 {strides = array<i32>} : memref<80x128xf32, #tpu.memory_space<vmem>>, vector<1x16xf32>,
        %parallel_loop3A_249 = arith.index_cast %parallel_loop3A_192 : i32 to index
        %parallel_loop3A_250 = arith.constant 64 : index
        %parallel_loop3A_251 = tpu.vector_load %arg12[%parallel_loop3A_249, %parallel_loop3A_250] {strides = array<i32>} : memref<80x128xf32, #tpu.memory_space<vmem>>, vector<1x16xf32>,
        %parallel_loop3A_252 = vector.shape_cast %parallel_loop3A_251 : vector<1x16xf32> to vector<16xf32>
        %parallel_loop3A_253 = arith.index_cast %parallel_loop3A_192 : i32 to index
        %parallel_loop3A_254 = arith.constant 64 : index
        %parallel_loop3A_255 = tpu.vector_load %arg13[%parallel_loop3A_253, %parallel_loop3A_254] {strides = array<i32>} : memref<80x128xf32, #tpu.memory_space<vmem>>, vector<1x16xf32>,
        %parallel_loop3A_256 = vector.shape_cast %parallel_loop3A_255 : vector<1x16xf32> to vector<16xf32>
        %parallel_loop3A_257 = arith.addf %parallel_loop3A_252, %parallel_loop3A_256 : vector<16xf32>
        %parallel_loop3A_258 = arith.index_cast %parallel_loop3A_192 : i32 to index
        %parallel_loop3A_259 = arith.constant 64 : index
        %parallel_loop3A_260 = tpu.vector_load %arg14[%parallel_loop3A_258, %parallel_loop3A_259] {strides = array<i32>} : memref<80x128xf32, #tpu.memory_space<vmem>>, vector<1x16xf32>,
        %parallel_loop3A_261 = vector.shape_cast %parallel_loop3A_260 : vector<1x16xf32> to vector<16xf32>
        %parallel_loop3A_262 = vector.shape_cast %parallel_loop3A_257 : vector<16xf32> to vector<1x16xf32>
        tpu.vector_store %arg14[%parallel_loop3A_258, %parallel_loop3A_259], %parallel_loop3A_262 {strides = array<i32>} : memref<80x128xf32, #tpu.memory_space<vmem>>, vector<1x16xf32>,
        %parallel_loop3A_263 = arith.index_cast %parallel_loop3A_192 : i32 to index
        %parallel_loop3A_264 = arith.constant 80 : index
        %parallel_loop3A_265 = tpu.vector_load %arg12[%parallel_loop3A_263, %parallel_loop3A_264] {strides = array<i32>} : memref<80x128xf32, #tpu.memory_space<vmem>>, vector<1x16xf32>,
        %parallel_loop3A_266 = vector.shape_cast %parallel_loop3A_265 : vector<1x16xf32> to vector<16xf32>
        %parallel_loop3A_267 = arith.index_cast %parallel_loop3A_192 : i32 to index
        %parallel_loop3A_268 = arith.constant 80 : index
        %parallel_loop3A_269 = tpu.vector_load %arg13[%parallel_loop3A_267, %parallel_loop3A_268] {strides = array<i32>} : memref<80x128xf32, #tpu.memory_space<vmem>>, vector<1x16xf32>,
        %parallel_loop3A_270 = vector.shape_cast %parallel_loop3A_269 : vector<1x16xf32> to vector<16xf32>
        %parallel_loop3A_271 = arith.addf %parallel_loop3A_266, %parallel_loop3A_270 : vector<16xf32>
        %parallel_loop3A_272 = arith.index_cast %parallel_loop3A_192 : i32 to index
        %parallel_loop3A_273 = arith.constant 80 : index
        %parallel_loop3A_274 = tpu.vector_load %arg14[%parallel_loop3A_272, %parallel_loop3A_273] {strides = array<i32>} : memref<80x128xf32, #tpu.memory_space<vmem>>, vector<1x16xf32>,
        %parallel_loop3A_275 = vector.shape_cast %parallel_loop3A_274 : vector<1x16xf32> to vector<16xf32>
        %parallel_loop3A_276 = vector.shape_cast %parallel_loop3A_271 : vector<16xf32> to vector<1x16xf32>
        tpu.vector_store %arg14[%parallel_loop3A_272, %parallel_loop3A_273], %parallel_loop3A_276 {strides = array<i32>} : memref<80x128xf32, #tpu.memory_space<vmem>>, vector<1x16xf32>,
        %parallel_loop3A_277 = arith.index_cast %parallel_loop3A_192 : i32 to index
        %parallel_loop3A_278 = arith.constant 96 : index
        %parallel_loop3A_279 = tpu.vector_load %arg12[%parallel_loop3A_277, %parallel_loop3A_278] {strides = array<i32>} : memref<80x128xf32, #tpu.memory_space<vmem>>, vector<1x16xf32>,
        %parallel_loop3A_280 = vector.shape_cast %parallel_loop3A_279 : vector<1x16xf32> to vector<16xf32>
        %parallel_loop3A_281 = arith.index_cast %parallel_loop3A_192 : i32 to index
        %parallel_loop3A_282 = arith.constant 96 : index
        %parallel_loop3A_283 = tpu.vector_load %arg13[%parallel_loop3A_281, %parallel_loop3A_282] {strides = array<i32>} : memref<80x128xf32, #tpu.memory_space<vmem>>, vector<1x16xf32>,
        %parallel_loop3A_284 = vector.shape_cast %parallel_loop3A_283 : vector<1x16xf32> to vector<16xf32>
        %parallel_loop3A_285 = arith.addf %parallel_loop3A_280, %parallel_loop3A_284 : vector<16xf32>
        %parallel_loop3A_286 = arith.index_cast %parallel_loop3A_192 : i32 to index
        %parallel_loop3A_287 = arith.constant 96 : index
        %parallel_loop3A_288 = tpu.vector_load %arg14[%parallel_loop3A_286, %parallel_loop3A_287] {strides = array<i32>} : memref<80x128xf32, #tpu.memory_space<vmem>>, vector<1x16xf32>,
        %parallel_loop3A_289 = vector.shape_cast %parallel_loop3A_288 : vector<1x16xf32> to vector<16xf32>
        %parallel_loop3A_290 = vector.shape_cast %parallel_loop3A_285 : vector<16xf32> to vector<1x16xf32>
        tpu.vector_store %arg14[%parallel_loop3A_286, %parallel_loop3A_287], %parallel_loop3A_290 {strides = array<i32>} : memref<80x128xf32, #tpu.memory_space<vmem>>, vector<1x16xf32>,
        %parallel_loop3A_291 = arith.index_cast %parallel_loop3A_192 : i32 to index
        %parallel_loop3A_292 = arith.constant 112 : index
        %parallel_loop3A_293 = tpu.vector_load %arg12[%parallel_loop3A_291, %parallel_loop3A_292] {strides = array<i32>} : memref<80x128xf32, #tpu.memory_space<vmem>>, vector<1x16xf32>,
        %parallel_loop3A_294 = vector.shape_cast %parallel_loop3A_293 : vector<1x16xf32> to vector<16xf32>
        %parallel_loop3A_295 = arith.index_cast %parallel_loop3A_192 : i32 to index
        %parallel_loop3A_296 = arith.constant 112 : index
        %parallel_loop3A_297 = tpu.vector_load %arg13[%parallel_loop3A_295, %parallel_loop3A_296] {strides = array<i32>} : memref<80x128xf32, #tpu.memory_space<vmem>>, vector<1x16xf32>,
        %parallel_loop3A_298 = vector.shape_cast %parallel_loop3A_297 : vector<1x16xf32> to vector<16xf32>
        %parallel_loop3A_299 = arith.addf %parallel_loop3A_294, %parallel_loop3A_298 : vector<16xf32>
        %parallel_loop3A_300 = arith.index_cast %parallel_loop3A_192 : i32 to index
        %parallel_loop3A_301 = arith.constant 112 : index
        %parallel_loop3A_302 = tpu.vector_load %arg14[%parallel_loop3A_300, %parallel_loop3A_301] {strides = array<i32>} : memref<80x128xf32, #tpu.memory_space<vmem>>, vector<1x16xf32>,
        %parallel_loop3A_303 = vector.shape_cast %parallel_loop3A_302 : vector<1x16xf32> to vector<16xf32>
        %parallel_loop3A_304 = vector.shape_cast %parallel_loop3A_299 : vector<16xf32> to vector<1x16xf32>
        tpu.vector_store %arg14[%parallel_loop3A_300, %parallel_loop3A_301], %parallel_loop3A_304 {strides = array<i32>} : memref<80x128xf32, #tpu.memory_space<vmem>>, vector<1x16xf32>,
      } {sc.loop_unroll_factor = 2 : i64, sc.parallel_access}
      %mul3A_160 = arith.constant 80 : i32
      %mul3A_161 = arith.muli %add3A_141, %mul3A_160 : i32
      %add3A_162 = arith.addi %mul3A_2, %mul3A_161 : i32
      %dma_start3A_163 = arith.constant 0 : i32
      %dma_start3A_164 = tpu.memref_slice %arg6[%add3A_162, %dma_start3A_163] : memref<320000x128xf32, #tpu.memory_space<hbm>> -> memref<80x128xf32, #tpu.memory_space<hbm>>
      %dma_start3A_165 = arith.constant 0 : i32
      %dma_start3A_166 = tpu.memref_slice %arg6[%add3A_162, %dma_start3A_165] : memref<320000x128xf32, #tpu.memory_space<hbm>> -> memref<80x128xf32, #tpu.memory_space<hbm>>
      tpu.enqueue_dma source(%arg14 : memref<80x128xf32, #tpu.memory_space<vmem>>) target(%dma_start3A_166 : memref<80x128xf32, #tpu.memory_space<hbm>>) target_semaphore(%arg22 : memref<!tpu.dma_semaphore, #tpu.memory_space<semaphore_mem>>)
      %add3A_167 = arith.constant 3 : i32
      %add3A_168 = arith.addi %add3A_141, %add3A_167 : i32
      %mul3A_169 = arith.constant 80 : i32
      %mul3A_170 = arith.muli %add3A_168, %mul3A_169 : i32
      %dma_start3A_171 = tpu.memref_slice %arg7[%mul3A_170] : memref<10000xi32, #tpu.memory_space<vmem>> -> memref<80xi32, #tpu.memory_space<vmem>>
      %dma_start3A_172 = arith.constant 0 : i32
      %dma_start3A_173 = arith.constant 0 : i32
      %dma_start3A_174 = tpu.memref_slice %arg2[%dma_start3A_172, %dma_start3A_173] : memref<10000x128xf32, #tpu.memory_space<hbm>> -> memref<10000x128xf32, #tpu.memory_space<hbm>>
      tpu.enqueue_indirect_dma source(%dma_start3A_174 : memref<10000x128xf32, #tpu.memory_space<hbm>>) target(%arg12 : memref<80x128xf32, #tpu.memory_space<vmem>>) offsets(%dma_start3A_171 : memref<80xi32, #tpu.memory_space<vmem>>) semaphore(%arg19 : memref<!tpu.dma_semaphore, #tpu.memory_space<semaphore_mem>>)
      %dma_start3A_175 = tpu.memref_slice %arg8[%mul3A_170] : memref<10000xi32, #tpu.memory_space<vmem>> -> memref<80xi32, #tpu.memory_space<vmem>>
      %dma_start3A_176 = arith.constant 0 : i32
      %dma_start3A_177 = arith.constant 0 : i32
      %dma_start3A_178 = tpu.memref_slice %arg3[%dma_start3A_176, %dma_start3A_177] : memref<10000x128xf32, #tpu.memory_space<hbm>> -> memref<10000x128xf32, #tpu.memory_space<hbm>>
      tpu.enqueue_indirect_dma source(%dma_start3A_178 : memref<10000x128xf32, #tpu.memory_space<hbm>>) target(%arg13 : memref<80x128xf32, #tpu.memory_space<vmem>>) offsets(%dma_start3A_175 : memref<80xi32, #tpu.memory_space<vmem>>) semaphore(%arg19 : memref<!tpu.dma_semaphore, #tpu.memory_space<semaphore_mem>>)
      %add3A_179 = arith.constant 5 : i32
      %add3A_180 = arith.addi %mul3A_105, %add3A_179 : i32
      %lt3A = arith.constant 125 : i32
      %lt3A_181 = arith.cmpi slt, %add3A_180, %lt3A : i32
      %convert_element_type3A_182 = arith.extui %lt3A_181 : i1 to i32
      %cond3A_183 = arith.constant 0 : i32
      %cond3A_184 = arith.cmpi ne, %convert_element_type3A_182, %cond3A_183 : i32
      scf.if %cond3A_184 {
        %add3A_192 = arith.constant 2 : i32
        %add3A_193 = arith.addi %mul3A_105, %add3A_192 : i32
        %mul3A_194 = arith.constant 80 : i32
        %mul3A_195 = arith.muli %add3A_193, %mul3A_194 : i32
        %dma_wait3A_196 = tpu.memref_slice %arg7[%mul3A_195] : memref<10000xi32, #tpu.memory_space<vmem>> -> memref<80xi32, #tpu.memory_space<vmem>>
        %dma_wait3A_197 = arith.constant 0 : i32
        %dma_wait3A_198 = arith.constant 0 : i32
        %dma_wait3A_199 = tpu.memref_slice %arg2[%dma_wait3A_197, %dma_wait3A_198] : memref<10000x128xf32, #tpu.memory_space<hbm>> -> memref<10000x128xf32, #tpu.memory_space<hbm>>
        tpu.wait_indirect_dma semaphore(%arg20 : memref<!tpu.dma_semaphore, #tpu.memory_space<semaphore_mem>>) src(%dma_wait3A_199 : memref<10000x128xf32, #tpu.memory_space<hbm>>) dst(%arg15 : memref<80x128xf32, #tpu.memory_space<vmem>>)
        %dma_wait3A_200 = tpu.memref_slice %arg8[%mul3A_195] : memref<10000xi32, #tpu.memory_space<vmem>> -> memref<80xi32, #tpu.memory_space<vmem>>
        %dma_wait3A_201 = arith.constant 0 : i32
        %dma_wait3A_202 = arith.constant 0 : i32
        %dma_wait3A_203 = tpu.memref_slice %arg3[%dma_wait3A_201, %dma_wait3A_202] : memref<10000x128xf32, #tpu.memory_space<hbm>> -> memref<10000x128xf32, #tpu.memory_space<hbm>>
        tpu.wait_indirect_dma semaphore(%arg20 : memref<!tpu.dma_semaphore, #tpu.memory_space<semaphore_mem>>) src(%dma_wait3A_203 : memref<10000x128xf32, #tpu.memory_space<hbm>>) dst(%arg16 : memref<80x128xf32, #tpu.memory_space<vmem>>)
        %ge3A_204 = arith.constant 3 : i32
        %ge3A_205 = arith.cmpi sge, %add3A_193, %ge3A_204 : i32
        %convert_element_type3A_206 = arith.extui %ge3A_205 : i1 to i32
        %cond3A_207 = arith.constant 0 : i32
        %cond3A_208 = arith.cmpi ne, %convert_element_type3A_206, %cond3A_207 : i32
        scf.if %cond3A_208 {
          %sub3A = arith.constant 3 : i32
          %sub3A_231 = arith.subi %add3A_193, %sub3A : i32
          %mul3A_232 = arith.constant 80 : i32
          %mul3A_233 = arith.muli %sub3A_231, %mul3A_232 : i32
          %add3A_234 = arith.addi %mul3A_2, %mul3A_233 : i32
          %dma_wait3A_235 = arith.constant 0 : i32
          %dma_wait3A_236 = tpu.memref_slice %arg6[%add3A_234, %dma_wait3A_235] : memref<320000x128xf32, #tpu.memory_space<hbm>> -> memref<80x128xf32, #tpu.memory_space<hbm>>
          %dma_wait3A_237 = arith.constant 0 : i32
          %dma_wait3A_238 = tpu.memref_slice %arg6[%add3A_234, %dma_wait3A_237] : memref<320000x128xf32, #tpu.memory_space<hbm>> -> memref<80x128xf32, #tpu.memory_space<hbm>>
          tpu.wait_dma2 semaphore(%arg23 : memref<!tpu.dma_semaphore, #tpu.memory_space<semaphore_mem>>) src(%arg17 : memref<80x128xf32, #tpu.memory_space<vmem>>) dst(%dma_wait3A_238 : memref<80x128xf32, #tpu.memory_space<hbm>>)
        } else {
        }
        %parallel_loop3A_209 = arith.constant 0 : i32
        %parallel_loop3A_210 = arith.constant 80 : i32
        %parallel_loop3A_211 = arith.constant 1 : i32
        scf.for %parallel_loop3A_231 = %parallel_loop3A_209 to %parallel_loop3A_210 step %parallel_loop3A_211  : i32 {
          %parallel_loop3A_232 = arith.index_cast %parallel_loop3A_231 : i32 to index
          %parallel_loop3A_233 = arith.constant 0 : index
          %parallel_loop3A_234 = tpu.vector_load %arg15[%parallel_loop3A_232, %parallel_loop3A_233] {strides = array<i32>} : memref<80x128xf32, #tpu.memory_space<vmem>>, vector<1x16xf32>,
          %parallel_loop3A_235 = vector.shape_cast %parallel_loop3A_234 : vector<1x16xf32> to vector<16xf32>
          %parallel_loop3A_236 = arith.index_cast %parallel_loop3A_231 : i32 to index
          %parallel_loop3A_237 = arith.constant 0 : index
          %parallel_loop3A_238 = tpu.vector_load %arg16[%parallel_loop3A_236, %parallel_loop3A_237] {strides = array<i32>} : memref<80x128xf32, #tpu.memory_space<vmem>>, vector<1x16xf32>,
          %parallel_loop3A_239 = vector.shape_cast %parallel_loop3A_238 : vector<1x16xf32> to vector<16xf32>
          %parallel_loop3A_240 = arith.addf %parallel_loop3A_235, %parallel_loop3A_239 : vector<16xf32>
          %parallel_loop3A_241 = arith.index_cast %parallel_loop3A_231 : i32 to index
          %parallel_loop3A_242 = arith.constant 0 : index
          %parallel_loop3A_243 = tpu.vector_load %arg17[%parallel_loop3A_241, %parallel_loop3A_242] {strides = array<i32>} : memref<80x128xf32, #tpu.memory_space<vmem>>, vector<1x16xf32>,
          %parallel_loop3A_244 = vector.shape_cast %parallel_loop3A_243 : vector<1x16xf32> to vector<16xf32>
          %parallel_loop3A_245 = vector.shape_cast %parallel_loop3A_240 : vector<16xf32> to vector<1x16xf32>
          tpu.vector_store %arg17[%parallel_loop3A_241, %parallel_loop3A_242], %parallel_loop3A_245 {strides = array<i32>} : memref<80x128xf32, #tpu.memory_space<vmem>>, vector<1x16xf32>,
          %parallel_loop3A_246 = arith.index_cast %parallel_loop3A_231 : i32 to index
          %parallel_loop3A_247 = arith.constant 16 : index
          %parallel_loop3A_248 = tpu.vector_load %arg15[%parallel_loop3A_246, %parallel_loop3A_247] {strides = array<i32>} : memref<80x128xf32, #tpu.memory_space<vmem>>, vector<1x16xf32>,
          %parallel_loop3A_249 = vector.shape_cast %parallel_loop3A_248 : vector<1x16xf32> to vector<16xf32>
          %parallel_loop3A_250 = arith.index_cast %parallel_loop3A_231 : i32 to index
          %parallel_loop3A_251 = arith.constant 16 : index
          %parallel_loop3A_252 = tpu.vector_load %arg16[%parallel_loop3A_250, %parallel_loop3A_251] {strides = array<i32>} : memref<80x128xf32, #tpu.memory_space<vmem>>, vector<1x16xf32>,
          %parallel_loop3A_253 = vector.shape_cast %parallel_loop3A_252 : vector<1x16xf32> to vector<16xf32>
          %parallel_loop3A_254 = arith.addf %parallel_loop3A_249, %parallel_loop3A_253 : vector<16xf32>
          %parallel_loop3A_255 = arith.index_cast %parallel_loop3A_231 : i32 to index
          %parallel_loop3A_256 = arith.constant 16 : index
          %parallel_loop3A_257 = tpu.vector_load %arg17[%parallel_loop3A_255, %parallel_loop3A_256] {strides = array<i32>} : memref<80x128xf32, #tpu.memory_space<vmem>>, vector<1x16xf32>,
          %parallel_loop3A_258 = vector.shape_cast %parallel_loop3A_257 : vector<1x16xf32> to vector<16xf32>
          %parallel_loop3A_259 = vector.shape_cast %parallel_loop3A_254 : vector<16xf32> to vector<1x16xf32>
          tpu.vector_store %arg17[%parallel_loop3A_255, %parallel_loop3A_256], %parallel_loop3A_259 {strides = array<i32>} : memref<80x128xf32, #tpu.memory_space<vmem>>, vector<1x16xf32>,
          %parallel_loop3A_260 = arith.index_cast %parallel_loop3A_231 : i32 to index
          %parallel_loop3A_261 = arith.constant 32 : index
          %parallel_loop3A_262 = tpu.vector_load %arg15[%parallel_loop3A_260, %parallel_loop3A_261] {strides = array<i32>} : memref<80x128xf32, #tpu.memory_space<vmem>>, vector<1x16xf32>,
          %parallel_loop3A_263 = vector.shape_cast %parallel_loop3A_262 : vector<1x16xf32> to vector<16xf32>
          %parallel_loop3A_264 = arith.index_cast %parallel_loop3A_231 : i32 to index
          %parallel_loop3A_265 = arith.constant 32 : index
          %parallel_loop3A_266 = tpu.vector_load %arg16[%parallel_loop3A_264, %parallel_loop3A_265] {strides = array<i32>} : memref<80x128xf32, #tpu.memory_space<vmem>>, vector<1x16xf32>,
          %parallel_loop3A_267 = vector.shape_cast %parallel_loop3A_266 : vector<1x16xf32> to vector<16xf32>
          %parallel_loop3A_268 = arith.addf %parallel_loop3A_263, %parallel_loop3A_267 : vector<16xf32>
          %parallel_loop3A_269 = arith.index_cast %parallel_loop3A_231 : i32 to index
          %parallel_loop3A_270 = arith.constant 32 : index
          %parallel_loop3A_271 = tpu.vector_load %arg17[%parallel_loop3A_269, %parallel_loop3A_270] {strides = array<i32>} : memref<80x128xf32, #tpu.memory_space<vmem>>, vector<1x16xf32>,
          %parallel_loop3A_272 = vector.shape_cast %parallel_loop3A_271 : vector<1x16xf32> to vector<16xf32>
          %parallel_loop3A_273 = vector.shape_cast %parallel_loop3A_268 : vector<16xf32> to vector<1x16xf32>
          tpu.vector_store %arg17[%parallel_loop3A_269, %parallel_loop3A_270], %parallel_loop3A_273 {strides = array<i32>} : memref<80x128xf32, #tpu.memory_space<vmem>>, vector<1x16xf32>,
          %parallel_loop3A_274 = arith.index_cast %parallel_loop3A_231 : i32 to index
          %parallel_loop3A_275 = arith.constant 48 : index
          %parallel_loop3A_276 = tpu.vector_load %arg15[%parallel_loop3A_274, %parallel_loop3A_275] {strides = array<i32>} : memref<80x128xf32, #tpu.memory_space<vmem>>, vector<1x16xf32>,
          %parallel_loop3A_277 = vector.shape_cast %parallel_loop3A_276 : vector<1x16xf32> to vector<16xf32>
          %parallel_loop3A_278 = arith.index_cast %parallel_loop3A_231 : i32 to index
          %parallel_loop3A_279 = arith.constant 48 : index
          %parallel_loop3A_280 = tpu.vector_load %arg16[%parallel_loop3A_278, %parallel_loop3A_279] {strides = array<i32>} : memref<80x128xf32, #tpu.memory_space<vmem>>, vector<1x16xf32>,
          %parallel_loop3A_281 = vector.shape_cast %parallel_loop3A_280 : vector<1x16xf32> to vector<16xf32>
          %parallel_loop3A_282 = arith.addf %parallel_loop3A_277, %parallel_loop3A_281 : vector<16xf32>
          %parallel_loop3A_283 = arith.index_cast %parallel_loop3A_231 : i32 to index
          %parallel_loop3A_284 = arith.constant 48 : index
          %parallel_loop3A_285 = tpu.vector_load %arg17[%parallel_loop3A_283, %parallel_loop3A_284] {strides = array<i32>} : memref<80x128xf32, #tpu.memory_space<vmem>>, vector<1x16xf32>,
          %parallel_loop3A_286 = vector.shape_cast %parallel_loop3A_285 : vector<1x16xf32> to vector<16xf32>
          %parallel_loop3A_287 = vector.shape_cast %parallel_loop3A_282 : vector<16xf32> to vector<1x16xf32>
          tpu.vector_store %arg17[%parallel_loop3A_283, %parallel_loop3A_284], %parallel_loop3A_287 {strides = array<i32>} : memref<80x128xf32, #tpu.memory_space<vmem>>, vector<1x16xf32>,
          %parallel_loop3A_288 = arith.index_cast %parallel_loop3A_231 : i32 to index
          %parallel_loop3A_289 = arith.constant 64 : index
          %parallel_loop3A_290 = tpu.vector_load %arg15[%parallel_loop3A_288, %parallel_loop3A_289] {strides = array<i32>} : memref<80x128xf32, #tpu.memory_space<vmem>>, vector<1x16xf32>,
          %parallel_loop3A_291 = vector.shape_cast %parallel_loop3A_290 : vector<1x16xf32> to vector<16xf32>
          %parallel_loop3A_292 = arith.index_cast %parallel_loop3A_231 : i32 to index
          %parallel_loop3A_293 = arith.constant 64 : index
          %parallel_loop3A_294 = tpu.vector_load %arg16[%parallel_loop3A_292, %parallel_loop3A_293] {strides = array<i32>} : memref<80x128xf32, #tpu.memory_space<vmem>>, vector<1x16xf32>,
          %parallel_loop3A_295 = vector.shape_cast %parallel_loop3A_294 : vector<1x16xf32> to vector<16xf32>
          %parallel_loop3A_296 = arith.addf %parallel_loop3A_291, %parallel_loop3A_295 : vector<16xf32>
          %parallel_loop3A_297 = arith.index_cast %parallel_loop3A_231 : i32 to index
          %parallel_loop3A_298 = arith.constant 64 : index
          %parallel_loop3A_299 = tpu.vector_load %arg17[%parallel_loop3A_297, %parallel_loop3A_298] {strides = array<i32>} : memref<80x128xf32, #tpu.memory_space<vmem>>, vector<1x16xf32>,
          %parallel_loop3A_300 = vector.shape_cast %parallel_loop3A_299 : vector<1x16xf32> to vector<16xf32>
          %parallel_loop3A_301 = vector.shape_cast %parallel_loop3A_296 : vector<16xf32> to vector<1x16xf32>
          tpu.vector_store %arg17[%parallel_loop3A_297, %parallel_loop3A_298], %parallel_loop3A_301 {strides = array<i32>} : memref<80x128xf32, #tpu.memory_space<vmem>>, vector<1x16xf32>,
          %parallel_loop3A_302 = arith.index_cast %parallel_loop3A_231 : i32 to index
          %parallel_loop3A_303 = arith.constant 80 : index
          %parallel_loop3A_304 = tpu.vector_load %arg15[%parallel_loop3A_302, %parallel_loop3A_303] {strides = array<i32>} : memref<80x128xf32, #tpu.memory_space<vmem>>, vector<1x16xf32>,
          %parallel_loop3A_305 = vector.shape_cast %parallel_loop3A_304 : vector<1x16xf32> to vector<16xf32>
          %parallel_loop3A_306 = arith.index_cast %parallel_loop3A_231 : i32 to index
          %parallel_loop3A_307 = arith.constant 80 : index
          %parallel_loop3A_308 = tpu.vector_load %arg16[%parallel_loop3A_306, %parallel_loop3A_307] {strides = array<i32>} : memref<80x128xf32, #tpu.memory_space<vmem>>, vector<1x16xf32>,
          %parallel_loop3A_309 = vector.shape_cast %parallel_loop3A_308 : vector<1x16xf32> to vector<16xf32>
          %parallel_loop3A_310 = arith.addf %parallel_loop3A_305, %parallel_loop3A_309 : vector<16xf32>
          %parallel_loop3A_311 = arith.index_cast %parallel_loop3A_231 : i32 to index
          %parallel_loop3A_312 = arith.constant 80 : index
          %parallel_loop3A_313 = tpu.vector_load %arg17[%parallel_loop3A_311, %parallel_loop3A_312] {strides = array<i32>} : memref<80x128xf32, #tpu.memory_space<vmem>>, vector<1x16xf32>,
          %parallel_loop3A_314 = vector.shape_cast %parallel_loop3A_313 : vector<1x16xf32> to vector<16xf32>
          %parallel_loop3A_315 = vector.shape_cast %parallel_loop3A_310 : vector<16xf32> to vector<1x16xf32>
          tpu.vector_store %arg17[%parallel_loop3A_311, %parallel_loop3A_312], %parallel_loop3A_315 {strides = array<i32>} : memref<80x128xf32, #tpu.memory_space<vmem>>, vector<1x16xf32>,
          %parallel_loop3A_316 = arith.index_cast %parallel_loop3A_231 : i32 to index
          %parallel_loop3A_317 = arith.constant 96 : index
          %parallel_loop3A_318 = tpu.vector_load %arg15[%parallel_loop3A_316, %parallel_loop3A_317] {strides = array<i32>} : memref<80x128xf32, #tpu.memory_space<vmem>>, vector<1x16xf32>,
          %parallel_loop3A_319 = vector.shape_cast %parallel_loop3A_318 : vector<1x16xf32> to vector<16xf32>
          %parallel_loop3A_320 = arith.index_cast %parallel_loop3A_231 : i32 to index
          %parallel_loop3A_321 = arith.constant 96 : index
          %parallel_loop3A_322 = tpu.vector_load %arg16[%parallel_loop3A_320, %parallel_loop3A_321] {strides = array<i32>} : memref<80x128xf32, #tpu.memory_space<vmem>>, vector<1x16xf32>,
          %parallel_loop3A_323 = vector.shape_cast %parallel_loop3A_322 : vector<1x16xf32> to vector<16xf32>
          %parallel_loop3A_324 = arith.addf %parallel_loop3A_319, %parallel_loop3A_323 : vector<16xf32>
          %parallel_loop3A_325 = arith.index_cast %parallel_loop3A_231 : i32 to index
          %parallel_loop3A_326 = arith.constant 96 : index
          %parallel_loop3A_327 = tpu.vector_load %arg17[%parallel_loop3A_325, %parallel_loop3A_326] {strides = array<i32>} : memref<80x128xf32, #tpu.memory_space<vmem>>, vector<1x16xf32>,
          %parallel_loop3A_328 = vector.shape_cast %parallel_loop3A_327 : vector<1x16xf32> to vector<16xf32>
          %parallel_loop3A_329 = vector.shape_cast %parallel_loop3A_324 : vector<16xf32> to vector<1x16xf32>
          tpu.vector_store %arg17[%parallel_loop3A_325, %parallel_loop3A_326], %parallel_loop3A_329 {strides = array<i32>} : memref<80x128xf32, #tpu.memory_space<vmem>>, vector<1x16xf32>,
          %parallel_loop3A_330 = arith.index_cast %parallel_loop3A_231 : i32 to index
          %parallel_loop3A_331 = arith.constant 112 : index
          %parallel_loop3A_332 = tpu.vector_load %arg15[%parallel_loop3A_330, %parallel_loop3A_331] {strides = array<i32>} : memref<80x128xf32, #tpu.memory_space<vmem>>, vector<1x16xf32>,
          %parallel_loop3A_333 = vector.shape_cast %parallel_loop3A_332 : vector<1x16xf32> to vector<16xf32>
          %parallel_loop3A_334 = arith.index_cast %parallel_loop3A_231 : i32 to index
          %parallel_loop3A_335 = arith.constant 112 : index
          %parallel_loop3A_336 = tpu.vector_load %arg16[%parallel_loop3A_334, %parallel_loop3A_335] {strides = array<i32>} : memref<80x128xf32, #tpu.memory_space<vmem>>, vector<1x16xf32>,
          %parallel_loop3A_337 = vector.shape_cast %parallel_loop3A_336 : vector<1x16xf32> to vector<16xf32>
          %parallel_loop3A_338 = arith.addf %parallel_loop3A_333, %parallel_loop3A_337 : vector<16xf32>
          %parallel_loop3A_339 = arith.index_cast %parallel_loop3A_231 : i32 to index
          %parallel_loop3A_340 = arith.constant 112 : index
          %parallel_loop3A_341 = tpu.vector_load %arg17[%parallel_loop3A_339, %parallel_loop3A_340] {strides = array<i32>} : memref<80x128xf32, #tpu.memory_space<vmem>>, vector<1x16xf32>,
          %parallel_loop3A_342 = vector.shape_cast %parallel_loop3A_341 : vector<1x16xf32> to vector<16xf32>
          %parallel_loop3A_343 = vector.shape_cast %parallel_loop3A_338 : vector<16xf32> to vector<1x16xf32>
          tpu.vector_store %arg17[%parallel_loop3A_339, %parallel_loop3A_340], %parallel_loop3A_343 {strides = array<i32>} : memref<80x128xf32, #tpu.memory_space<vmem>>, vector<1x16xf32>,
        } {sc.loop_unroll_factor = 2 : i64, sc.parallel_access}
        %mul3A_212 = arith.constant 80 : i32
        %mul3A_213 = arith.muli %add3A_193, %mul3A_212 : i32
        %add3A_214 = arith.addi %mul3A_2, %mul3A_213 : i32
        %dma_start3A_215 = arith.constant 0 : i32
        %dma_start3A_216 = tpu.memref_slice %arg6[%add3A_214, %dma_start3A_215] : memref<320000x128xf32, #tpu.memory_space<hbm>> -> memref<80x128xf32, #tpu.memory_space<hbm>>
        %dma_start3A_217 = arith.constant 0 : i32
        %dma_start3A_218 = tpu.memref_slice %arg6[%add3A_214, %dma_start3A_217] : memref<320000x128xf32, #tpu.memory_space<hbm>> -> memref<80x128xf32, #tpu.memory_space<hbm>>
        tpu.enqueue_dma source(%arg17 : memref<80x128xf32, #tpu.memory_space<vmem>>) target(%dma_start3A_218 : memref<80x128xf32, #tpu.memory_space<hbm>>) target_semaphore(%arg23 : memref<!tpu.dma_semaphore, #tpu.memory_space<semaphore_mem>>)
        %add3A_219 = arith.constant 3 : i32
        %add3A_220 = arith.addi %add3A_193, %add3A_219 : i32
        %mul3A_221 = arith.constant 80 : i32
        %mul3A_222 = arith.muli %add3A_220, %mul3A_221 : i32
        %dma_start3A_223 = tpu.memref_slice %arg7[%mul3A_222] : memref<10000xi32, #tpu.memory_space<vmem>> -> memref<80xi32, #tpu.memory_space<vmem>>
        %dma_start3A_224 = arith.constant 0 : i32
        %dma_start3A_225 = arith.constant 0 : i32
        %dma_start3A_226 = tpu.memref_slice %arg2[%dma_start3A_224, %dma_start3A_225] : memref<10000x128xf32, #tpu.memory_space<hbm>> -> memref<10000x128xf32, #tpu.memory_space<hbm>>
        tpu.enqueue_indirect_dma source(%dma_start3A_226 : memref<10000x128xf32, #tpu.memory_space<hbm>>) target(%arg15 : memref<80x128xf32, #tpu.memory_space<vmem>>) offsets(%dma_start3A_223 : memref<80xi32, #tpu.memory_space<vmem>>) semaphore(%arg20 : memref<!tpu.dma_semaphore, #tpu.memory_space<semaphore_mem>>)
        %dma_start3A_227 = tpu.memref_slice %arg8[%mul3A_222] : memref<10000xi32, #tpu.memory_space<vmem>> -> memref<80xi32, #tpu.memory_space<vmem>>
        %dma_start3A_228 = arith.constant 0 : i32
        %dma_start3A_229 = arith.constant 0 : i32
        %dma_start3A_230 = tpu.memref_slice %arg3[%dma_start3A_228, %dma_start3A_229] : memref<10000x128xf32, #tpu.memory_space<hbm>> -> memref<10000x128xf32, #tpu.memory_space<hbm>>
        tpu.enqueue_indirect_dma source(%dma_start3A_230 : memref<10000x128xf32, #tpu.memory_space<hbm>>) target(%arg16 : memref<80x128xf32, #tpu.memory_space<vmem>>) offsets(%dma_start3A_227 : memref<80xi32, #tpu.memory_space<vmem>>) semaphore(%arg20 : memref<!tpu.dma_semaphore, #tpu.memory_space<semaphore_mem>>)
      } else {
      }
      %add3A_185 = arith.constant 5 : i32
      %add3A_186 = arith.addi %mul3A_105, %add3A_185 : i32
      %ge3A_187 = arith.constant 125 : i32
      %ge3A_188 = arith.cmpi sge, %add3A_186, %ge3A_187 : i32
      %convert_element_type3A_189 = arith.extui %ge3A_188 : i1 to i32
      %cond3A_190 = arith.constant 0 : i32
      %cond3A_191 = arith.cmpi ne, %convert_element_type3A_189, %cond3A_190 : i32
      scf.if %cond3A_191 {
        %add3A_192 = arith.constant 2 : i32
        %add3A_193 = arith.addi %mul3A_105, %add3A_192 : i32
        %mul3A_194 = arith.constant 80 : i32
        %mul3A_195 = arith.muli %add3A_193, %mul3A_194 : i32
        %dma_wait3A_196 = tpu.memref_slice %arg7[%mul3A_195] : memref<10000xi32, #tpu.memory_space<vmem>> -> memref<80xi32, #tpu.memory_space<vmem>>
        %dma_wait3A_197 = arith.constant 0 : i32
        %dma_wait3A_198 = arith.constant 0 : i32
        %dma_wait3A_199 = tpu.memref_slice %arg2[%dma_wait3A_197, %dma_wait3A_198] : memref<10000x128xf32, #tpu.memory_space<hbm>> -> memref<10000x128xf32, #tpu.memory_space<hbm>>
        tpu.wait_indirect_dma semaphore(%arg20 : memref<!tpu.dma_semaphore, #tpu.memory_space<semaphore_mem>>) src(%dma_wait3A_199 : memref<10000x128xf32, #tpu.memory_space<hbm>>) dst(%arg15 : memref<80x128xf32, #tpu.memory_space<vmem>>)
        %dma_wait3A_200 = tpu.memref_slice %arg8[%mul3A_195] : memref<10000xi32, #tpu.memory_space<vmem>> -> memref<80xi32, #tpu.memory_space<vmem>>
        %dma_wait3A_201 = arith.constant 0 : i32
        %dma_wait3A_202 = arith.constant 0 : i32
        %dma_wait3A_203 = tpu.memref_slice %arg3[%dma_wait3A_201, %dma_wait3A_202] : memref<10000x128xf32, #tpu.memory_space<hbm>> -> memref<10000x128xf32, #tpu.memory_space<hbm>>
        tpu.wait_indirect_dma semaphore(%arg20 : memref<!tpu.dma_semaphore, #tpu.memory_space<semaphore_mem>>) src(%dma_wait3A_203 : memref<10000x128xf32, #tpu.memory_space<hbm>>) dst(%arg16 : memref<80x128xf32, #tpu.memory_space<vmem>>)
        %ge3A_204 = arith.constant 3 : i32
        %ge3A_205 = arith.cmpi sge, %add3A_193, %ge3A_204 : i32
        %convert_element_type3A_206 = arith.extui %ge3A_205 : i1 to i32
        %cond3A_207 = arith.constant 0 : i32
        %cond3A_208 = arith.cmpi ne, %convert_element_type3A_206, %cond3A_207 : i32
        scf.if %cond3A_208 {
          %sub3A = arith.constant 3 : i32
          %sub3A_219 = arith.subi %add3A_193, %sub3A : i32
          %mul3A_220 = arith.constant 80 : i32
          %mul3A_221 = arith.muli %sub3A_219, %mul3A_220 : i32
          %add3A_222 = arith.addi %mul3A_2, %mul3A_221 : i32
          %dma_wait3A_223 = arith.constant 0 : i32
          %dma_wait3A_224 = tpu.memref_slice %arg6[%add3A_222, %dma_wait3A_223] : memref<320000x128xf32, #tpu.memory_space<hbm>> -> memref<80x128xf32, #tpu.memory_space<hbm>>
          %dma_wait3A_225 = arith.constant 0 : i32
          %dma_wait3A_226 = tpu.memref_slice %arg6[%add3A_222, %dma_wait3A_225] : memref<320000x128xf32, #tpu.memory_space<hbm>> -> memref<80x128xf32, #tpu.memory_space<hbm>>
          tpu.wait_dma2 semaphore(%arg23 : memref<!tpu.dma_semaphore, #tpu.memory_space<semaphore_mem>>) src(%arg17 : memref<80x128xf32, #tpu.memory_space<vmem>>) dst(%dma_wait3A_226 : memref<80x128xf32, #tpu.memory_space<hbm>>)
        } else {
        }
        %parallel_loop3A_209 = arith.constant 0 : i32
        %parallel_loop3A_210 = arith.constant 80 : i32
        %parallel_loop3A_211 = arith.constant 1 : i32
        scf.for %parallel_loop3A_219 = %parallel_loop3A_209 to %parallel_loop3A_210 step %parallel_loop3A_211  : i32 {
          %parallel_loop3A_220 = arith.index_cast %parallel_loop3A_219 : i32 to index
          %parallel_loop3A_221 = arith.constant 0 : index
          %parallel_loop3A_222 = tpu.vector_load %arg15[%parallel_loop3A_220, %parallel_loop3A_221] {strides = array<i32>} : memref<80x128xf32, #tpu.memory_space<vmem>>, vector<1x16xf32>,
          %parallel_loop3A_223 = vector.shape_cast %parallel_loop3A_222 : vector<1x16xf32> to vector<16xf32>
          %parallel_loop3A_224 = arith.index_cast %parallel_loop3A_219 : i32 to index
          %parallel_loop3A_225 = arith.constant 0 : index
          %parallel_loop3A_226 = tpu.vector_load %arg16[%parallel_loop3A_224, %parallel_loop3A_225] {strides = array<i32>} : memref<80x128xf32, #tpu.memory_space<vmem>>, vector<1x16xf32>,
          %parallel_loop3A_227 = vector.shape_cast %parallel_loop3A_226 : vector<1x16xf32> to vector<16xf32>
          %parallel_loop3A_228 = arith.addf %parallel_loop3A_223, %parallel_loop3A_227 : vector<16xf32>
          %parallel_loop3A_229 = arith.index_cast %parallel_loop3A_219 : i32 to index
          %parallel_loop3A_230 = arith.constant 0 : index
          %parallel_loop3A_231 = tpu.vector_load %arg17[%parallel_loop3A_229, %parallel_loop3A_230] {strides = array<i32>} : memref<80x128xf32, #tpu.memory_space<vmem>>, vector<1x16xf32>,
          %parallel_loop3A_232 = vector.shape_cast %parallel_loop3A_231 : vector<1x16xf32> to vector<16xf32>
          %parallel_loop3A_233 = vector.shape_cast %parallel_loop3A_228 : vector<16xf32> to vector<1x16xf32>
          tpu.vector_store %arg17[%parallel_loop3A_229, %parallel_loop3A_230], %parallel_loop3A_233 {strides = array<i32>} : memref<80x128xf32, #tpu.memory_space<vmem>>, vector<1x16xf32>,
          %parallel_loop3A_234 = arith.index_cast %parallel_loop3A_219 : i32 to index
          %parallel_loop3A_235 = arith.constant 16 : index
          %parallel_loop3A_236 = tpu.vector_load %arg15[%parallel_loop3A_234, %parallel_loop3A_235] {strides = array<i32>} : memref<80x128xf32, #tpu.memory_space<vmem>>, vector<1x16xf32>,
          %parallel_loop3A_237 = vector.shape_cast %parallel_loop3A_236 : vector<1x16xf32> to vector<16xf32>
          %parallel_loop3A_238 = arith.index_cast %parallel_loop3A_219 : i32 to index
          %parallel_loop3A_239 = arith.constant 16 : index
          %parallel_loop3A_240 = tpu.vector_load %arg16[%parallel_loop3A_238, %parallel_loop3A_239] {strides = array<i32>} : memref<80x128xf32, #tpu.memory_space<vmem>>, vector<1x16xf32>,
          %parallel_loop3A_241 = vector.shape_cast %parallel_loop3A_240 : vector<1x16xf32> to vector<16xf32>
          %parallel_loop3A_242 = arith.addf %parallel_loop3A_237, %parallel_loop3A_241 : vector<16xf32>
          %parallel_loop3A_243 = arith.index_cast %parallel_loop3A_219 : i32 to index
          %parallel_loop3A_244 = arith.constant 16 : index
          %parallel_loop3A_245 = tpu.vector_load %arg17[%parallel_loop3A_243, %parallel_loop3A_244] {strides = array<i32>} : memref<80x128xf32, #tpu.memory_space<vmem>>, vector<1x16xf32>,
          %parallel_loop3A_246 = vector.shape_cast %parallel_loop3A_245 : vector<1x16xf32> to vector<16xf32>
          %parallel_loop3A_247 = vector.shape_cast %parallel_loop3A_242 : vector<16xf32> to vector<1x16xf32>
          tpu.vector_store %arg17[%parallel_loop3A_243, %parallel_loop3A_244], %parallel_loop3A_247 {strides = array<i32>} : memref<80x128xf32, #tpu.memory_space<vmem>>, vector<1x16xf32>,
          %parallel_loop3A_248 = arith.index_cast %parallel_loop3A_219 : i32 to index
          %parallel_loop3A_249 = arith.constant 32 : index
          %parallel_loop3A_250 = tpu.vector_load %arg15[%parallel_loop3A_248, %parallel_loop3A_249] {strides = array<i32>} : memref<80x128xf32, #tpu.memory_space<vmem>>, vector<1x16xf32>,
          %parallel_loop3A_251 = vector.shape_cast %parallel_loop3A_250 : vector<1x16xf32> to vector<16xf32>
          %parallel_loop3A_252 = arith.index_cast %parallel_loop3A_219 : i32 to index
          %parallel_loop3A_253 = arith.constant 32 : index
          %parallel_loop3A_254 = tpu.vector_load %arg16[%parallel_loop3A_252, %parallel_loop3A_253] {strides = array<i32>} : memref<80x128xf32, #tpu.memory_space<vmem>>, vector<1x16xf32>,
          %parallel_loop3A_255 = vector.shape_cast %parallel_loop3A_254 : vector<1x16xf32> to vector<16xf32>
          %parallel_loop3A_256 = arith.addf %parallel_loop3A_251, %parallel_loop3A_255 : vector<16xf32>
          %parallel_loop3A_257 = arith.index_cast %parallel_loop3A_219 : i32 to index
          %parallel_loop3A_258 = arith.constant 32 : index
          %parallel_loop3A_259 = tpu.vector_load %arg17[%parallel_loop3A_257, %parallel_loop3A_258] {strides = array<i32>} : memref<80x128xf32, #tpu.memory_space<vmem>>, vector<1x16xf32>,
          %parallel_loop3A_260 = vector.shape_cast %parallel_loop3A_259 : vector<1x16xf32> to vector<16xf32>
          %parallel_loop3A_261 = vector.shape_cast %parallel_loop3A_256 : vector<16xf32> to vector<1x16xf32>
          tpu.vector_store %arg17[%parallel_loop3A_257, %parallel_loop3A_258], %parallel_loop3A_261 {strides = array<i32>} : memref<80x128xf32, #tpu.memory_space<vmem>>, vector<1x16xf32>,
          %parallel_loop3A_262 = arith.index_cast %parallel_loop3A_219 : i32 to index
          %parallel_loop3A_263 = arith.constant 48 : index
          %parallel_loop3A_264 = tpu.vector_load %arg15[%parallel_loop3A_262, %parallel_loop3A_263] {strides = array<i32>} : memref<80x128xf32, #tpu.memory_space<vmem>>, vector<1x16xf32>,
          %parallel_loop3A_265 = vector.shape_cast %parallel_loop3A_264 : vector<1x16xf32> to vector<16xf32>
          %parallel_loop3A_266 = arith.index_cast %parallel_loop3A_219 : i32 to index
          %parallel_loop3A_267 = arith.constant 48 : index
          %parallel_loop3A_268 = tpu.vector_load %arg16[%parallel_loop3A_266, %parallel_loop3A_267] {strides = array<i32>} : memref<80x128xf32, #tpu.memory_space<vmem>>, vector<1x16xf32>,
          %parallel_loop3A_269 = vector.shape_cast %parallel_loop3A_268 : vector<1x16xf32> to vector<16xf32>
          %parallel_loop3A_270 = arith.addf %parallel_loop3A_265, %parallel_loop3A_269 : vector<16xf32>
          %parallel_loop3A_271 = arith.index_cast %parallel_loop3A_219 : i32 to index
          %parallel_loop3A_272 = arith.constant 48 : index
          %parallel_loop3A_273 = tpu.vector_load %arg17[%parallel_loop3A_271, %parallel_loop3A_272] {strides = array<i32>} : memref<80x128xf32, #tpu.memory_space<vmem>>, vector<1x16xf32>,
          %parallel_loop3A_274 = vector.shape_cast %parallel_loop3A_273 : vector<1x16xf32> to vector<16xf32>
          %parallel_loop3A_275 = vector.shape_cast %parallel_loop3A_270 : vector<16xf32> to vector<1x16xf32>
          tpu.vector_store %arg17[%parallel_loop3A_271, %parallel_loop3A_272], %parallel_loop3A_275 {strides = array<i32>} : memref<80x128xf32, #tpu.memory_space<vmem>>, vector<1x16xf32>,
          %parallel_loop3A_276 = arith.index_cast %parallel_loop3A_219 : i32 to index
          %parallel_loop3A_277 = arith.constant 64 : index
          %parallel_loop3A_278 = tpu.vector_load %arg15[%parallel_loop3A_276, %parallel_loop3A_277] {strides = array<i32>} : memref<80x128xf32, #tpu.memory_space<vmem>>, vector<1x16xf32>,
          %parallel_loop3A_279 = vector.shape_cast %parallel_loop3A_278 : vector<1x16xf32> to vector<16xf32>
          %parallel_loop3A_280 = arith.index_cast %parallel_loop3A_219 : i32 to index
          %parallel_loop3A_281 = arith.constant 64 : index
          %parallel_loop3A_282 = tpu.vector_load %arg16[%parallel_loop3A_280, %parallel_loop3A_281] {strides = array<i32>} : memref<80x128xf32, #tpu.memory_space<vmem>>, vector<1x16xf32>,
          %parallel_loop3A_283 = vector.shape_cast %parallel_loop3A_282 : vector<1x16xf32> to vector<16xf32>
          %parallel_loop3A_284 = arith.addf %parallel_loop3A_279, %parallel_loop3A_283 : vector<16xf32>
          %parallel_loop3A_285 = arith.index_cast %parallel_loop3A_219 : i32 to index
          %parallel_loop3A_286 = arith.constant 64 : index
          %parallel_loop3A_287 = tpu.vector_load %arg17[%parallel_loop3A_285, %parallel_loop3A_286] {strides = array<i32>} : memref<80x128xf32, #tpu.memory_space<vmem>>, vector<1x16xf32>,
          %parallel_loop3A_288 = vector.shape_cast %parallel_loop3A_287 : vector<1x16xf32> to vector<16xf32>
          %parallel_loop3A_289 = vector.shape_cast %parallel_loop3A_284 : vector<16xf32> to vector<1x16xf32>
          tpu.vector_store %arg17[%parallel_loop3A_285, %parallel_loop3A_286], %parallel_loop3A_289 {strides = array<i32>} : memref<80x128xf32, #tpu.memory_space<vmem>>, vector<1x16xf32>,
          %parallel_loop3A_290 = arith.index_cast %parallel_loop3A_219 : i32 to index
          %parallel_loop3A_291 = arith.constant 80 : index
          %parallel_loop3A_292 = tpu.vector_load %arg15[%parallel_loop3A_290, %parallel_loop3A_291] {strides = array<i32>} : memref<80x128xf32, #tpu.memory_space<vmem>>, vector<1x16xf32>,
          %parallel_loop3A_293 = vector.shape_cast %parallel_loop3A_292 : vector<1x16xf32> to vector<16xf32>
          %parallel_loop3A_294 = arith.index_cast %parallel_loop3A_219 : i32 to index
          %parallel_loop3A_295 = arith.constant 80 : index
          %parallel_loop3A_296 = tpu.vector_load %arg16[%parallel_loop3A_294, %parallel_loop3A_295] {strides = array<i32>} : memref<80x128xf32, #tpu.memory_space<vmem>>, vector<1x16xf32>,
          %parallel_loop3A_297 = vector.shape_cast %parallel_loop3A_296 : vector<1x16xf32> to vector<16xf32>
          %parallel_loop3A_298 = arith.addf %parallel_loop3A_293, %parallel_loop3A_297 : vector<16xf32>
          %parallel_loop3A_299 = arith.index_cast %parallel_loop3A_219 : i32 to index
          %parallel_loop3A_300 = arith.constant 80 : index
          %parallel_loop3A_301 = tpu.vector_load %arg17[%parallel_loop3A_299, %parallel_loop3A_300] {strides = array<i32>} : memref<80x128xf32, #tpu.memory_space<vmem>>, vector<1x16xf32>,
          %parallel_loop3A_302 = vector.shape_cast %parallel_loop3A_301 : vector<1x16xf32> to vector<16xf32>
          %parallel_loop3A_303 = vector.shape_cast %parallel_loop3A_298 : vector<16xf32> to vector<1x16xf32>
          tpu.vector_store %arg17[%parallel_loop3A_299, %parallel_loop3A_300], %parallel_loop3A_303 {strides = array<i32>} : memref<80x128xf32, #tpu.memory_space<vmem>>, vector<1x16xf32>,
          %parallel_loop3A_304 = arith.index_cast %parallel_loop3A_219 : i32 to index
          %parallel_loop3A_305 = arith.constant 96 : index
          %parallel_loop3A_306 = tpu.vector_load %arg15[%parallel_loop3A_304, %parallel_loop3A_305] {strides = array<i32>} : memref<80x128xf32, #tpu.memory_space<vmem>>, vector<1x16xf32>,
          %parallel_loop3A_307 = vector.shape_cast %parallel_loop3A_306 : vector<1x16xf32> to vector<16xf32>
          %parallel_loop3A_308 = arith.index_cast %parallel_loop3A_219 : i32 to index
          %parallel_loop3A_309 = arith.constant 96 : index
          %parallel_loop3A_310 = tpu.vector_load %arg16[%parallel_loop3A_308, %parallel_loop3A_309] {strides = array<i32>} : memref<80x128xf32, #tpu.memory_space<vmem>>, vector<1x16xf32>,
          %parallel_loop3A_311 = vector.shape_cast %parallel_loop3A_310 : vector<1x16xf32> to vector<16xf32>
          %parallel_loop3A_312 = arith.addf %parallel_loop3A_307, %parallel_loop3A_311 : vector<16xf32>
          %parallel_loop3A_313 = arith.index_cast %parallel_loop3A_219 : i32 to index
          %parallel_loop3A_314 = arith.constant 96 : index
          %parallel_loop3A_315 = tpu.vector_load %arg17[%parallel_loop3A_313, %parallel_loop3A_314] {strides = array<i32>} : memref<80x128xf32, #tpu.memory_space<vmem>>, vector<1x16xf32>,
          %parallel_loop3A_316 = vector.shape_cast %parallel_loop3A_315 : vector<1x16xf32> to vector<16xf32>
          %parallel_loop3A_317 = vector.shape_cast %parallel_loop3A_312 : vector<16xf32> to vector<1x16xf32>
          tpu.vector_store %arg17[%parallel_loop3A_313, %parallel_loop3A_314], %parallel_loop3A_317 {strides = array<i32>} : memref<80x128xf32, #tpu.memory_space<vmem>>, vector<1x16xf32>,
          %parallel_loop3A_318 = arith.index_cast %parallel_loop3A_219 : i32 to index
          %parallel_loop3A_319 = arith.constant 112 : index
          %parallel_loop3A_320 = tpu.vector_load %arg15[%parallel_loop3A_318, %parallel_loop3A_319] {strides = array<i32>} : memref<80x128xf32, #tpu.memory_space<vmem>>, vector<1x16xf32>,
          %parallel_loop3A_321 = vector.shape_cast %parallel_loop3A_320 : vector<1x16xf32> to vector<16xf32>
          %parallel_loop3A_322 = arith.index_cast %parallel_loop3A_219 : i32 to index
          %parallel_loop3A_323 = arith.constant 112 : index
          %parallel_loop3A_324 = tpu.vector_load %arg16[%parallel_loop3A_322, %parallel_loop3A_323] {strides = array<i32>} : memref<80x128xf32, #tpu.memory_space<vmem>>, vector<1x16xf32>,
          %parallel_loop3A_325 = vector.shape_cast %parallel_loop3A_324 : vector<1x16xf32> to vector<16xf32>
          %parallel_loop3A_326 = arith.addf %parallel_loop3A_321, %parallel_loop3A_325 : vector<16xf32>
          %parallel_loop3A_327 = arith.index_cast %parallel_loop3A_219 : i32 to index
          %parallel_loop3A_328 = arith.constant 112 : index
          %parallel_loop3A_329 = tpu.vector_load %arg17[%parallel_loop3A_327, %parallel_loop3A_328] {strides = array<i32>} : memref<80x128xf32, #tpu.memory_space<vmem>>, vector<1x16xf32>,
          %parallel_loop3A_330 = vector.shape_cast %parallel_loop3A_329 : vector<1x16xf32> to vector<16xf32>
          %parallel_loop3A_331 = vector.shape_cast %parallel_loop3A_326 : vector<16xf32> to vector<1x16xf32>
          tpu.vector_store %arg17[%parallel_loop3A_327, %parallel_loop3A_328], %parallel_loop3A_331 {strides = array<i32>} : memref<80x128xf32, #tpu.memory_space<vmem>>, vector<1x16xf32>,
        } {sc.loop_unroll_factor = 2 : i64, sc.parallel_access}
        %mul3A_212 = arith.constant 80 : i32
        %mul3A_213 = arith.muli %add3A_193, %mul3A_212 : i32
        %add3A_214 = arith.addi %mul3A_2, %mul3A_213 : i32
        %dma_start3A_215 = arith.constant 0 : i32
        %dma_start3A_216 = tpu.memref_slice %arg6[%add3A_214, %dma_start3A_215] : memref<320000x128xf32, #tpu.memory_space<hbm>> -> memref<80x128xf32, #tpu.memory_space<hbm>>
        %dma_start3A_217 = arith.constant 0 : i32
        %dma_start3A_218 = tpu.memref_slice %arg6[%add3A_214, %dma_start3A_217] : memref<320000x128xf32, #tpu.memory_space<hbm>> -> memref<80x128xf32, #tpu.memory_space<hbm>>
        tpu.enqueue_dma source(%arg17 : memref<80x128xf32, #tpu.memory_space<vmem>>) target(%dma_start3A_218 : memref<80x128xf32, #tpu.memory_space<hbm>>) target_semaphore(%arg23 : memref<!tpu.dma_semaphore, #tpu.memory_space<semaphore_mem>>)
      } else {
      }
    }
    %scan3A_36 = arith.constant 41 : i32
    %dma_wait3A = arith.constant 9840 : i32
    %dma_wait3A_37 = tpu.memref_slice %arg7[%dma_wait3A] : memref<10000xi32, #tpu.memory_space<vmem>> -> memref<80xi32, #tpu.memory_space<vmem>>
    %dma_wait3A_38 = arith.constant 0 : i32
    %dma_wait3A_39 = arith.constant 0 : i32
    %dma_wait3A_40 = tpu.memref_slice %arg2[%dma_wait3A_38, %dma_wait3A_39] : memref<10000x128xf32, #tpu.memory_space<hbm>> -> memref<10000x128xf32, #tpu.memory_space<hbm>>
    tpu.wait_indirect_dma semaphore(%arg18 : memref<!tpu.dma_semaphore, #tpu.memory_space<semaphore_mem>>) src(%dma_wait3A_40 : memref<10000x128xf32, #tpu.memory_space<hbm>>) dst(%arg9 : memref<80x128xf32, #tpu.memory_space<vmem>>)
    %dma_wait3A_41 = arith.constant 9840 : i32
    %dma_wait3A_42 = tpu.memref_slice %arg8[%dma_wait3A_41] : memref<10000xi32, #tpu.memory_space<vmem>> -> memref<80xi32, #tpu.memory_space<vmem>>
    %dma_wait3A_43 = arith.constant 0 : i32
    %dma_wait3A_44 = arith.constant 0 : i32
    %dma_wait3A_45 = tpu.memref_slice %arg3[%dma_wait3A_43, %dma_wait3A_44] : memref<10000x128xf32, #tpu.memory_space<hbm>> -> memref<10000x128xf32, #tpu.memory_space<hbm>>
    tpu.wait_indirect_dma semaphore(%arg18 : memref<!tpu.dma_semaphore, #tpu.memory_space<semaphore_mem>>) src(%dma_wait3A_45 : memref<10000x128xf32, #tpu.memory_space<hbm>>) dst(%arg10 : memref<80x128xf32, #tpu.memory_space<vmem>>)
    %add3A_46 = arith.constant 9600 : i32
    %add3A_47 = arith.addi %mul3A_2, %add3A_46 : i32
    %dma_wait3A_48 = arith.constant 0 : i32
    %dma_wait3A_49 = tpu.memref_slice %arg6[%add3A_47, %dma_wait3A_48] : memref<320000x128xf32, #tpu.memory_space<hbm>> -> memref<80x128xf32, #tpu.memory_space<hbm>>
    %dma_wait3A_50 = arith.constant 0 : i32
    %dma_wait3A_51 = tpu.memref_slice %arg6[%add3A_47, %dma_wait3A_50] : memref<320000x128xf32, #tpu.memory_space<hbm>> -> memref<80x128xf32, #tpu.memory_space<hbm>>
    tpu.wait_dma2 semaphore(%arg21 : memref<!tpu.dma_semaphore, #tpu.memory_space<semaphore_mem>>) src(%arg11 : memref<80x128xf32, #tpu.memory_space<vmem>>) dst(%dma_wait3A_51 : memref<80x128xf32, #tpu.memory_space<hbm>>)
    %parallel_loop3A = arith.constant 0 : i32
    %parallel_loop3A_52 = arith.constant 80 : i32
    %parallel_loop3A_53 = arith.constant 1 : i32
    scf.for %parallel_loop3A_103 = %parallel_loop3A to %parallel_loop3A_52 step %parallel_loop3A_53  : i32 {
      %parallel_loop3A_104 = arith.index_cast %parallel_loop3A_103 : i32 to index
      %parallel_loop3A_105 = arith.constant 0 : index
      %parallel_loop3A_106 = tpu.vector_load %arg9[%parallel_loop3A_104, %parallel_loop3A_105] {strides = array<i32>} : memref<80x128xf32, #tpu.memory_space<vmem>>, vector<1x16xf32>,
      %parallel_loop3A_107 = vector.shape_cast %parallel_loop3A_106 : vector<1x16xf32> to vector<16xf32>
      %parallel_loop3A_108 = arith.index_cast %parallel_loop3A_103 : i32 to index
      %parallel_loop3A_109 = arith.constant 0 : index
      %parallel_loop3A_110 = tpu.vector_load %arg10[%parallel_loop3A_108, %parallel_loop3A_109] {strides = array<i32>} : memref<80x128xf32, #tpu.memory_space<vmem>>, vector<1x16xf32>,
      %parallel_loop3A_111 = vector.shape_cast %parallel_loop3A_110 : vector<1x16xf32> to vector<16xf32>
      %parallel_loop3A_112 = arith.addf %parallel_loop3A_107, %parallel_loop3A_111 : vector<16xf32>
      %parallel_loop3A_113 = arith.index_cast %parallel_loop3A_103 : i32 to index
      %parallel_loop3A_114 = arith.constant 0 : index
      %parallel_loop3A_115 = tpu.vector_load %arg11[%parallel_loop3A_113, %parallel_loop3A_114] {strides = array<i32>} : memref<80x128xf32, #tpu.memory_space<vmem>>, vector<1x16xf32>,
      %parallel_loop3A_116 = vector.shape_cast %parallel_loop3A_115 : vector<1x16xf32> to vector<16xf32>
      %parallel_loop3A_117 = vector.shape_cast %parallel_loop3A_112 : vector<16xf32> to vector<1x16xf32>
      tpu.vector_store %arg11[%parallel_loop3A_113, %parallel_loop3A_114], %parallel_loop3A_117 {strides = array<i32>} : memref<80x128xf32, #tpu.memory_space<vmem>>, vector<1x16xf32>,
      %parallel_loop3A_118 = arith.index_cast %parallel_loop3A_103 : i32 to index
      %parallel_loop3A_119 = arith.constant 16 : index
      %parallel_loop3A_120 = tpu.vector_load %arg9[%parallel_loop3A_118, %parallel_loop3A_119] {strides = array<i32>} : memref<80x128xf32, #tpu.memory_space<vmem>>, vector<1x16xf32>,
      %parallel_loop3A_121 = vector.shape_cast %parallel_loop3A_120 : vector<1x16xf32> to vector<16xf32>
      %parallel_loop3A_122 = arith.index_cast %parallel_loop3A_103 : i32 to index
      %parallel_loop3A_123 = arith.constant 16 : index
      %parallel_loop3A_124 = tpu.vector_load %arg10[%parallel_loop3A_122, %parallel_loop3A_123] {strides = array<i32>} : memref<80x128xf32, #tpu.memory_space<vmem>>, vector<1x16xf32>,
      %parallel_loop3A_125 = vector.shape_cast %parallel_loop3A_124 : vector<1x16xf32> to vector<16xf32>
      %parallel_loop3A_126 = arith.addf %parallel_loop3A_121, %parallel_loop3A_125 : vector<16xf32>
      %parallel_loop3A_127 = arith.index_cast %parallel_loop3A_103 : i32 to index
      %parallel_loop3A_128 = arith.constant 16 : index
      %parallel_loop3A_129 = tpu.vector_load %arg11[%parallel_loop3A_127, %parallel_loop3A_128] {strides = array<i32>} : memref<80x128xf32, #tpu.memory_space<vmem>>, vector<1x16xf32>,
      %parallel_loop3A_130 = vector.shape_cast %parallel_loop3A_129 : vector<1x16xf32> to vector<16xf32>
      %parallel_loop3A_131 = vector.shape_cast %parallel_loop3A_126 : vector<16xf32> to vector<1x16xf32>
      tpu.vector_store %arg11[%parallel_loop3A_127, %parallel_loop3A_128], %parallel_loop3A_131 {strides = array<i32>} : memref<80x128xf32, #tpu.memory_space<vmem>>, vector<1x16xf32>,
      %parallel_loop3A_132 = arith.index_cast %parallel_loop3A_103 : i32 to index
      %parallel_loop3A_133 = arith.constant 32 : index
      %parallel_loop3A_134 = tpu.vector_load %arg9[%parallel_loop3A_132, %parallel_loop3A_133] {strides = array<i32>} : memref<80x128xf32, #tpu.memory_space<vmem>>, vector<1x16xf32>,
      %parallel_loop3A_135 = vector.shape_cast %parallel_loop3A_134 : vector<1x16xf32> to vector<16xf32>
      %parallel_loop3A_136 = arith.index_cast %parallel_loop3A_103 : i32 to index
      %parallel_loop3A_137 = arith.constant 32 : index
      %parallel_loop3A_138 = tpu.vector_load %arg10[%parallel_loop3A_136, %parallel_loop3A_137] {strides = array<i32>} : memref<80x128xf32, #tpu.memory_space<vmem>>, vector<1x16xf32>,
      %parallel_loop3A_139 = vector.shape_cast %parallel_loop3A_138 : vector<1x16xf32> to vector<16xf32>
      %parallel_loop3A_140 = arith.addf %parallel_loop3A_135, %parallel_loop3A_139 : vector<16xf32>
      %parallel_loop3A_141 = arith.index_cast %parallel_loop3A_103 : i32 to index
      %parallel_loop3A_142 = arith.constant 32 : index
      %parallel_loop3A_143 = tpu.vector_load %arg11[%parallel_loop3A_141, %parallel_loop3A_142] {strides = array<i32>} : memref<80x128xf32, #tpu.memory_space<vmem>>, vector<1x16xf32>,
      %parallel_loop3A_144 = vector.shape_cast %parallel_loop3A_143 : vector<1x16xf32> to vector<16xf32>
      %parallel_loop3A_145 = vector.shape_cast %parallel_loop3A_140 : vector<16xf32> to vector<1x16xf32>
      tpu.vector_store %arg11[%parallel_loop3A_141, %parallel_loop3A_142], %parallel_loop3A_145 {strides = array<i32>} : memref<80x128xf32, #tpu.memory_space<vmem>>, vector<1x16xf32>,
      %parallel_loop3A_146 = arith.index_cast %parallel_loop3A_103 : i32 to index
      %parallel_loop3A_147 = arith.constant 48 : index
      %parallel_loop3A_148 = tpu.vector_load %arg9[%parallel_loop3A_146, %parallel_loop3A_147] {strides = array<i32>} : memref<80x128xf32, #tpu.memory_space<vmem>>, vector<1x16xf32>,
      %parallel_loop3A_149 = vector.shape_cast %parallel_loop3A_148 : vector<1x16xf32> to vector<16xf32>
      %parallel_loop3A_150 = arith.index_cast %parallel_loop3A_103 : i32 to index
      %parallel_loop3A_151 = arith.constant 48 : index
      %parallel_loop3A_152 = tpu.vector_load %arg10[%parallel_loop3A_150, %parallel_loop3A_151] {strides = array<i32>} : memref<80x128xf32, #tpu.memory_space<vmem>>, vector<1x16xf32>,
      %parallel_loop3A_153 = vector.shape_cast %parallel_loop3A_152 : vector<1x16xf32> to vector<16xf32>
      %parallel_loop3A_154 = arith.addf %parallel_loop3A_149, %parallel_loop3A_153 : vector<16xf32>
      %parallel_loop3A_155 = arith.index_cast %parallel_loop3A_103 : i32 to index
      %parallel_loop3A_156 = arith.constant 48 : index
      %parallel_loop3A_157 = tpu.vector_load %arg11[%parallel_loop3A_155, %parallel_loop3A_156] {strides = array<i32>} : memref<80x128xf32, #tpu.memory_space<vmem>>, vector<1x16xf32>,
      %parallel_loop3A_158 = vector.shape_cast %parallel_loop3A_157 : vector<1x16xf32> to vector<16xf32>
      %parallel_loop3A_159 = vector.shape_cast %parallel_loop3A_154 : vector<16xf32> to vector<1x16xf32>
      tpu.vector_store %arg11[%parallel_loop3A_155, %parallel_loop3A_156], %parallel_loop3A_159 {strides = array<i32>} : memref<80x128xf32, #tpu.memory_space<vmem>>, vector<1x16xf32>,
      %parallel_loop3A_160 = arith.index_cast %parallel_loop3A_103 : i32 to index
      %parallel_loop3A_161 = arith.constant 64 : index
      %parallel_loop3A_162 = tpu.vector_load %arg9[%parallel_loop3A_160, %parallel_loop3A_161] {strides = array<i32>} : memref<80x128xf32, #tpu.memory_space<vmem>>, vector<1x16xf32>,
      %parallel_loop3A_163 = vector.shape_cast %parallel_loop3A_162 : vector<1x16xf32> to vector<16xf32>
      %parallel_loop3A_164 = arith.index_cast %parallel_loop3A_103 : i32 to index
      %parallel_loop3A_165 = arith.constant 64 : index
      %parallel_loop3A_166 = tpu.vector_load %arg10[%parallel_loop3A_164, %parallel_loop3A_165] {strides = array<i32>} : memref<80x128xf32, #tpu.memory_space<vmem>>, vector<1x16xf32>,
      %parallel_loop3A_167 = vector.shape_cast %parallel_loop3A_166 : vector<1x16xf32> to vector<16xf32>
      %parallel_loop3A_168 = arith.addf %parallel_loop3A_163, %parallel_loop3A_167 : vector<16xf32>
      %parallel_loop3A_169 = arith.index_cast %parallel_loop3A_103 : i32 to index
      %parallel_loop3A_170 = arith.constant 64 : index
      %parallel_loop3A_171 = tpu.vector_load %arg11[%parallel_loop3A_169, %parallel_loop3A_170] {strides = array<i32>} : memref<80x128xf32, #tpu.memory_space<vmem>>, vector<1x16xf32>,
      %parallel_loop3A_172 = vector.shape_cast %parallel_loop3A_171 : vector<1x16xf32> to vector<16xf32>
      %parallel_loop3A_173 = vector.shape_cast %parallel_loop3A_168 : vector<16xf32> to vector<1x16xf32>
      tpu.vector_store %arg11[%parallel_loop3A_169, %parallel_loop3A_170], %parallel_loop3A_173 {strides = array<i32>} : memref<80x128xf32, #tpu.memory_space<vmem>>, vector<1x16xf32>,
      %parallel_loop3A_174 = arith.index_cast %parallel_loop3A_103 : i32 to index
      %parallel_loop3A_175 = arith.constant 80 : index
      %parallel_loop3A_176 = tpu.vector_load %arg9[%parallel_loop3A_174, %parallel_loop3A_175] {strides = array<i32>} : memref<80x128xf32, #tpu.memory_space<vmem>>, vector<1x16xf32>,
      %parallel_loop3A_177 = vector.shape_cast %parallel_loop3A_176 : vector<1x16xf32> to vector<16xf32>
      %parallel_loop3A_178 = arith.index_cast %parallel_loop3A_103 : i32 to index
      %parallel_loop3A_179 = arith.constant 80 : index
      %parallel_loop3A_180 = tpu.vector_load %arg10[%parallel_loop3A_178, %parallel_loop3A_179] {strides = array<i32>} : memref<80x128xf32, #tpu.memory_space<vmem>>, vector<1x16xf32>,
      %parallel_loop3A_181 = vector.shape_cast %parallel_loop3A_180 : vector<1x16xf32> to vector<16xf32>
      %parallel_loop3A_182 = arith.addf %parallel_loop3A_177, %parallel_loop3A_181 : vector<16xf32>
      %parallel_loop3A_183 = arith.index_cast %parallel_loop3A_103 : i32 to index
      %parallel_loop3A_184 = arith.constant 80 : index
      %parallel_loop3A_185 = tpu.vector_load %arg11[%parallel_loop3A_183, %parallel_loop3A_184] {strides = array<i32>} : memref<80x128xf32, #tpu.memory_space<vmem>>, vector<1x16xf32>,
      %parallel_loop3A_186 = vector.shape_cast %parallel_loop3A_185 : vector<1x16xf32> to vector<16xf32>
      %parallel_loop3A_187 = vector.shape_cast %parallel_loop3A_182 : vector<16xf32> to vector<1x16xf32>
      tpu.vector_store %arg11[%parallel_loop3A_183, %parallel_loop3A_184], %parallel_loop3A_187 {strides = array<i32>} : memref<80x128xf32, #tpu.memory_space<vmem>>, vector<1x16xf32>,
      %parallel_loop3A_188 = arith.index_cast %parallel_loop3A_103 : i32 to index
      %parallel_loop3A_189 = arith.constant 96 : index
      %parallel_loop3A_190 = tpu.vector_load %arg9[%parallel_loop3A_188, %parallel_loop3A_189] {strides = array<i32>} : memref<80x128xf32, #tpu.memory_space<vmem>>, vector<1x16xf32>,
      %parallel_loop3A_191 = vector.shape_cast %parallel_loop3A_190 : vector<1x16xf32> to vector<16xf32>
      %parallel_loop3A_192 = arith.index_cast %parallel_loop3A_103 : i32 to index
      %parallel_loop3A_193 = arith.constant 96 : index
      %parallel_loop3A_194 = tpu.vector_load %arg10[%parallel_loop3A_192, %parallel_loop3A_193] {strides = array<i32>} : memref<80x128xf32, #tpu.memory_space<vmem>>, vector<1x16xf32>,
      %parallel_loop3A_195 = vector.shape_cast %parallel_loop3A_194 : vector<1x16xf32> to vector<16xf32>
      %parallel_loop3A_196 = arith.addf %parallel_loop3A_191, %parallel_loop3A_195 : vector<16xf32>
      %parallel_loop3A_197 = arith.index_cast %parallel_loop3A_103 : i32 to index
      %parallel_loop3A_198 = arith.constant 96 : index
      %parallel_loop3A_199 = tpu.vector_load %arg11[%parallel_loop3A_197, %parallel_loop3A_198] {strides = array<i32>} : memref<80x128xf32, #tpu.memory_space<vmem>>, vector<1x16xf32>,
      %parallel_loop3A_200 = vector.shape_cast %parallel_loop3A_199 : vector<1x16xf32> to vector<16xf32>
      %parallel_loop3A_201 = vector.shape_cast %parallel_loop3A_196 : vector<16xf32> to vector<1x16xf32>
      tpu.vector_store %arg11[%parallel_loop3A_197, %parallel_loop3A_198], %parallel_loop3A_201 {strides = array<i32>} : memref<80x128xf32, #tpu.memory_space<vmem>>, vector<1x16xf32>,
      %parallel_loop3A_202 = arith.index_cast %parallel_loop3A_103 : i32 to index
      %parallel_loop3A_203 = arith.constant 112 : index
      %parallel_loop3A_204 = tpu.vector_load %arg9[%parallel_loop3A_202, %parallel_loop3A_203] {strides = array<i32>} : memref<80x128xf32, #tpu.memory_space<vmem>>, vector<1x16xf32>,
      %parallel_loop3A_205 = vector.shape_cast %parallel_loop3A_204 : vector<1x16xf32> to vector<16xf32>
      %parallel_loop3A_206 = arith.index_cast %parallel_loop3A_103 : i32 to index
      %parallel_loop3A_207 = arith.constant 112 : index
      %parallel_loop3A_208 = tpu.vector_load %arg10[%parallel_loop3A_206, %parallel_loop3A_207] {strides = array<i32>} : memref<80x128xf32, #tpu.memory_space<vmem>>, vector<1x16xf32>,
      %parallel_loop3A_209 = vector.shape_cast %parallel_loop3A_208 : vector<1x16xf32> to vector<16xf32>
      %parallel_loop3A_210 = arith.addf %parallel_loop3A_205, %parallel_loop3A_209 : vector<16xf32>
      %parallel_loop3A_211 = arith.index_cast %parallel_loop3A_103 : i32 to index
      %parallel_loop3A_212 = arith.constant 112 : index
      %parallel_loop3A_213 = tpu.vector_load %arg11[%parallel_loop3A_211, %parallel_loop3A_212] {strides = array<i32>} : memref<80x128xf32, #tpu.memory_space<vmem>>, vector<1x16xf32>,
      %parallel_loop3A_214 = vector.shape_cast %parallel_loop3A_213 : vector<1x16xf32> to vector<16xf32>
      %parallel_loop3A_215 = vector.shape_cast %parallel_loop3A_210 : vector<16xf32> to vector<1x16xf32>
      tpu.vector_store %arg11[%parallel_loop3A_211, %parallel_loop3A_212], %parallel_loop3A_215 {strides = array<i32>} : memref<80x128xf32, #tpu.memory_space<vmem>>, vector<1x16xf32>,
    } {sc.loop_unroll_factor = 2 : i64, sc.parallel_access}
    %add3A_54 = arith.constant 9840 : i32
    %add3A_55 = arith.addi %mul3A_2, %add3A_54 : i32
    %dma_start3A_56 = arith.constant 0 : i32
    %dma_start3A_57 = tpu.memref_slice %arg6[%add3A_55, %dma_start3A_56] : memref<320000x128xf32, #tpu.memory_space<hbm>> -> memref<80x128xf32, #tpu.memory_space<hbm>>
    %dma_start3A_58 = arith.constant 0 : i32
    %dma_start3A_59 = tpu.memref_slice %arg6[%add3A_55, %dma_start3A_58] : memref<320000x128xf32, #tpu.memory_space<hbm>> -> memref<80x128xf32, #tpu.memory_space<hbm>>
    tpu.enqueue_dma source(%arg11 : memref<80x128xf32, #tpu.memory_space<vmem>>) target(%dma_start3A_59 : memref<80x128xf32, #tpu.memory_space<hbm>>) target_semaphore(%arg21 : memref<!tpu.dma_semaphore, #tpu.memory_space<semaphore_mem>>)
    %dma_wait3A_60 = arith.constant 9920 : i32
    %dma_wait3A_61 = tpu.memref_slice %arg7[%dma_wait3A_60] : memref<10000xi32, #tpu.memory_space<vmem>> -> memref<80xi32, #tpu.memory_space<vmem>>
    %dma_wait3A_62 = arith.constant 0 : i32
    %dma_wait3A_63 = arith.constant 0 : i32
    %dma_wait3A_64 = tpu.memref_slice %arg2[%dma_wait3A_62, %dma_wait3A_63] : memref<10000x128xf32, #tpu.memory_space<hbm>> -> memref<10000x128xf32, #tpu.memory_space<hbm>>
    tpu.wait_indirect_dma semaphore(%arg19 : memref<!tpu.dma_semaphore, #tpu.memory_space<semaphore_mem>>) src(%dma_wait3A_64 : memref<10000x128xf32, #tpu.memory_space<hbm>>) dst(%arg12 : memref<80x128xf32, #tpu.memory_space<vmem>>)
    %dma_wait3A_65 = arith.constant 9920 : i32
    %dma_wait3A_66 = tpu.memref_slice %arg8[%dma_wait3A_65] : memref<10000xi32, #tpu.memory_space<vmem>> -> memref<80xi32, #tpu.memory_space<vmem>>
    %dma_wait3A_67 = arith.constant 0 : i32
    %dma_wait3A_68 = arith.constant 0 : i32
    %dma_wait3A_69 = tpu.memref_slice %arg3[%dma_wait3A_67, %dma_wait3A_68] : memref<10000x128xf32, #tpu.memory_space<hbm>> -> memref<10000x128xf32, #tpu.memory_space<hbm>>
    tpu.wait_indirect_dma semaphore(%arg19 : memref<!tpu.dma_semaphore, #tpu.memory_space<semaphore_mem>>) src(%dma_wait3A_69 : memref<10000x128xf32, #tpu.memory_space<hbm>>) dst(%arg13 : memref<80x128xf32, #tpu.memory_space<vmem>>)
    %add3A_70 = arith.constant 9680 : i32
    %add3A_71 = arith.addi %mul3A_2, %add3A_70 : i32
    %dma_wait3A_72 = arith.constant 0 : i32
    %dma_wait3A_73 = tpu.memref_slice %arg6[%add3A_71, %dma_wait3A_72] : memref<320000x128xf32, #tpu.memory_space<hbm>> -> memref<80x128xf32, #tpu.memory_space<hbm>>
    %dma_wait3A_74 = arith.constant 0 : i32
    %dma_wait3A_75 = tpu.memref_slice %arg6[%add3A_71, %dma_wait3A_74] : memref<320000x128xf32, #tpu.memory_space<hbm>> -> memref<80x128xf32, #tpu.memory_space<hbm>>
    tpu.wait_dma2 semaphore(%arg22 : memref<!tpu.dma_semaphore, #tpu.memory_space<semaphore_mem>>) src(%arg14 : memref<80x128xf32, #tpu.memory_space<vmem>>) dst(%dma_wait3A_75 : memref<80x128xf32, #tpu.memory_space<hbm>>)
    %parallel_loop3A_76 = arith.constant 0 : i32
    %parallel_loop3A_77 = arith.constant 80 : i32
    %parallel_loop3A_78 = arith.constant 1 : i32
    scf.for %parallel_loop3A_103 = %parallel_loop3A_76 to %parallel_loop3A_77 step %parallel_loop3A_78  : i32 {
      %parallel_loop3A_104 = arith.index_cast %parallel_loop3A_103 : i32 to index
      %parallel_loop3A_105 = arith.constant 0 : index
      %parallel_loop3A_106 = tpu.vector_load %arg12[%parallel_loop3A_104, %parallel_loop3A_105] {strides = array<i32>} : memref<80x128xf32, #tpu.memory_space<vmem>>, vector<1x16xf32>,
      %parallel_loop3A_107 = vector.shape_cast %parallel_loop3A_106 : vector<1x16xf32> to vector<16xf32>
      %parallel_loop3A_108 = arith.index_cast %parallel_loop3A_103 : i32 to index
      %parallel_loop3A_109 = arith.constant 0 : index
      %parallel_loop3A_110 = tpu.vector_load %arg13[%parallel_loop3A_108, %parallel_loop3A_109] {strides = array<i32>} : memref<80x128xf32, #tpu.memory_space<vmem>>, vector<1x16xf32>,
      %parallel_loop3A_111 = vector.shape_cast %parallel_loop3A_110 : vector<1x16xf32> to vector<16xf32>
      %parallel_loop3A_112 = arith.addf %parallel_loop3A_107, %parallel_loop3A_111 : vector<16xf32>
      %parallel_loop3A_113 = arith.index_cast %parallel_loop3A_103 : i32 to index
      %parallel_loop3A_114 = arith.constant 0 : index
      %parallel_loop3A_115 = tpu.vector_load %arg14[%parallel_loop3A_113, %parallel_loop3A_114] {strides = array<i32>} : memref<80x128xf32, #tpu.memory_space<vmem>>, vector<1x16xf32>,
      %parallel_loop3A_116 = vector.shape_cast %parallel_loop3A_115 : vector<1x16xf32> to vector<16xf32>
      %parallel_loop3A_117 = vector.shape_cast %parallel_loop3A_112 : vector<16xf32> to vector<1x16xf32>
      tpu.vector_store %arg14[%parallel_loop3A_113, %parallel_loop3A_114], %parallel_loop3A_117 {strides = array<i32>} : memref<80x128xf32, #tpu.memory_space<vmem>>, vector<1x16xf32>,
      %parallel_loop3A_118 = arith.index_cast %parallel_loop3A_103 : i32 to index
      %parallel_loop3A_119 = arith.constant 16 : index
      %parallel_loop3A_120 = tpu.vector_load %arg12[%parallel_loop3A_118, %parallel_loop3A_119] {strides = array<i32>} : memref<80x128xf32, #tpu.memory_space<vmem>>, vector<1x16xf32>,
      %parallel_loop3A_121 = vector.shape_cast %parallel_loop3A_120 : vector<1x16xf32> to vector<16xf32>
      %parallel_loop3A_122 = arith.index_cast %parallel_loop3A_103 : i32 to index
      %parallel_loop3A_123 = arith.constant 16 : index
      %parallel_loop3A_124 = tpu.vector_load %arg13[%parallel_loop3A_122, %parallel_loop3A_123] {strides = array<i32>} : memref<80x128xf32, #tpu.memory_space<vmem>>, vector<1x16xf32>,
      %parallel_loop3A_125 = vector.shape_cast %parallel_loop3A_124 : vector<1x16xf32> to vector<16xf32>
      %parallel_loop3A_126 = arith.addf %parallel_loop3A_121, %parallel_loop3A_125 : vector<16xf32>
      %parallel_loop3A_127 = arith.index_cast %parallel_loop3A_103 : i32 to index
      %parallel_loop3A_128 = arith.constant 16 : index
      %parallel_loop3A_129 = tpu.vector_load %arg14[%parallel_loop3A_127, %parallel_loop3A_128] {strides = array<i32>} : memref<80x128xf32, #tpu.memory_space<vmem>>, vector<1x16xf32>,
      %parallel_loop3A_130 = vector.shape_cast %parallel_loop3A_129 : vector<1x16xf32> to vector<16xf32>
      %parallel_loop3A_131 = vector.shape_cast %parallel_loop3A_126 : vector<16xf32> to vector<1x16xf32>
      tpu.vector_store %arg14[%parallel_loop3A_127, %parallel_loop3A_128], %parallel_loop3A_131 {strides = array<i32>} : memref<80x128xf32, #tpu.memory_space<vmem>>, vector<1x16xf32>,
      %parallel_loop3A_132 = arith.index_cast %parallel_loop3A_103 : i32 to index
      %parallel_loop3A_133 = arith.constant 32 : index
      %parallel_loop3A_134 = tpu.vector_load %arg12[%parallel_loop3A_132, %parallel_loop3A_133] {strides = array<i32>} : memref<80x128xf32, #tpu.memory_space<vmem>>, vector<1x16xf32>,
      %parallel_loop3A_135 = vector.shape_cast %parallel_loop3A_134 : vector<1x16xf32> to vector<16xf32>
      %parallel_loop3A_136 = arith.index_cast %parallel_loop3A_103 : i32 to index
      %parallel_loop3A_137 = arith.constant 32 : index
      %parallel_loop3A_138 = tpu.vector_load %arg13[%parallel_loop3A_136, %parallel_loop3A_137] {strides = array<i32>} : memref<80x128xf32, #tpu.memory_space<vmem>>, vector<1x16xf32>,
      %parallel_loop3A_139 = vector.shape_cast %parallel_loop3A_138 : vector<1x16xf32> to vector<16xf32>
      %parallel_loop3A_140 = arith.addf %parallel_loop3A_135, %parallel_loop3A_139 : vector<16xf32>
      %parallel_loop3A_141 = arith.index_cast %parallel_loop3A_103 : i32 to index
      %parallel_loop3A_142 = arith.constant 32 : index
      %parallel_loop3A_143 = tpu.vector_load %arg14[%parallel_loop3A_141, %parallel_loop3A_142] {strides = array<i32>} : memref<80x128xf32, #tpu.memory_space<vmem>>, vector<1x16xf32>,
      %parallel_loop3A_144 = vector.shape_cast %parallel_loop3A_143 : vector<1x16xf32> to vector<16xf32>
      %parallel_loop3A_145 = vector.shape_cast %parallel_loop3A_140 : vector<16xf32> to vector<1x16xf32>
      tpu.vector_store %arg14[%parallel_loop3A_141, %parallel_loop3A_142], %parallel_loop3A_145 {strides = array<i32>} : memref<80x128xf32, #tpu.memory_space<vmem>>, vector<1x16xf32>,
      %parallel_loop3A_146 = arith.index_cast %parallel_loop3A_103 : i32 to index
      %parallel_loop3A_147 = arith.constant 48 : index
      %parallel_loop3A_148 = tpu.vector_load %arg12[%parallel_loop3A_146, %parallel_loop3A_147] {strides = array<i32>} : memref<80x128xf32, #tpu.memory_space<vmem>>, vector<1x16xf32>,
      %parallel_loop3A_149 = vector.shape_cast %parallel_loop3A_148 : vector<1x16xf32> to vector<16xf32>
      %parallel_loop3A_150 = arith.index_cast %parallel_loop3A_103 : i32 to index
      %parallel_loop3A_151 = arith.constant 48 : index
      %parallel_loop3A_152 = tpu.vector_load %arg13[%parallel_loop3A_150, %parallel_loop3A_151] {strides = array<i32>} : memref<80x128xf32, #tpu.memory_space<vmem>>, vector<1x16xf32>,
      %parallel_loop3A_153 = vector.shape_cast %parallel_loop3A_152 : vector<1x16xf32> to vector<16xf32>
      %parallel_loop3A_154 = arith.addf %parallel_loop3A_149, %parallel_loop3A_153 : vector<16xf32>
      %parallel_loop3A_155 = arith.index_cast %parallel_loop3A_103 : i32 to index
      %parallel_loop3A_156 = arith.constant 48 : index
      %parallel_loop3A_157 = tpu.vector_load %arg14[%parallel_loop3A_155, %parallel_loop3A_156] {strides = array<i32>} : memref<80x128xf32, #tpu.memory_space<vmem>>, vector<1x16xf32>,
      %parallel_loop3A_158 = vector.shape_cast %parallel_loop3A_157 : vector<1x16xf32> to vector<16xf32>
      %parallel_loop3A_159 = vector.shape_cast %parallel_loop3A_154 : vector<16xf32> to vector<1x16xf32>
      tpu.vector_store %arg14[%parallel_loop3A_155, %parallel_loop3A_156], %parallel_loop3A_159 {strides = array<i32>} : memref<80x128xf32, #tpu.memory_space<vmem>>, vector<1x16xf32>,
      %parallel_loop3A_160 = arith.index_cast %parallel_loop3A_103 : i32 to index
      %parallel_loop3A_161 = arith.constant 64 : index
      %parallel_loop3A_162 = tpu.vector_load %arg12[%parallel_loop3A_160, %parallel_loop3A_161] {strides = array<i32>} : memref<80x128xf32, #tpu.memory_space<vmem>>, vector<1x16xf32>,
      %parallel_loop3A_163 = vector.shape_cast %parallel_loop3A_162 : vector<1x16xf32> to vector<16xf32>
      %parallel_loop3A_164 = arith.index_cast %parallel_loop3A_103 : i32 to index
      %parallel_loop3A_165 = arith.constant 64 : index
      %parallel_loop3A_166 = tpu.vector_load %arg13[%parallel_loop3A_164, %parallel_loop3A_165] {strides = array<i32>} : memref<80x128xf32, #tpu.memory_space<vmem>>, vector<1x16xf32>,
      %parallel_loop3A_167 = vector.shape_cast %parallel_loop3A_166 : vector<1x16xf32> to vector<16xf32>
      %parallel_loop3A_168 = arith.addf %parallel_loop3A_163, %parallel_loop3A_167 : vector<16xf32>
      %parallel_loop3A_169 = arith.index_cast %parallel_loop3A_103 : i32 to index
      %parallel_loop3A_170 = arith.constant 64 : index
      %parallel_loop3A_171 = tpu.vector_load %arg14[%parallel_loop3A_169, %parallel_loop3A_170] {strides = array<i32>} : memref<80x128xf32, #tpu.memory_space<vmem>>, vector<1x16xf32>,
      %parallel_loop3A_172 = vector.shape_cast %parallel_loop3A_171 : vector<1x16xf32> to vector<16xf32>
      %parallel_loop3A_173 = vector.shape_cast %parallel_loop3A_168 : vector<16xf32> to vector<1x16xf32>
      tpu.vector_store %arg14[%parallel_loop3A_169, %parallel_loop3A_170], %parallel_loop3A_173 {strides = array<i32>} : memref<80x128xf32, #tpu.memory_space<vmem>>, vector<1x16xf32>,
      %parallel_loop3A_174 = arith.index_cast %parallel_loop3A_103 : i32 to index
      %parallel_loop3A_175 = arith.constant 80 : index
      %parallel_loop3A_176 = tpu.vector_load %arg12[%parallel_loop3A_174, %parallel_loop3A_175] {strides = array<i32>} : memref<80x128xf32, #tpu.memory_space<vmem>>, vector<1x16xf32>,
      %parallel_loop3A_177 = vector.shape_cast %parallel_loop3A_176 : vector<1x16xf32> to vector<16xf32>
      %parallel_loop3A_178 = arith.index_cast %parallel_loop3A_103 : i32 to index
      %parallel_loop3A_179 = arith.constant 80 : index
      %parallel_loop3A_180 = tpu.vector_load %arg13[%parallel_loop3A_178, %parallel_loop3A_179] {strides = array<i32>} : memref<80x128xf32, #tpu.memory_space<vmem>>, vector<1x16xf32>,
      %parallel_loop3A_181 = vector.shape_cast %parallel_loop3A_180 : vector<1x16xf32> to vector<16xf32>
      %parallel_loop3A_182 = arith.addf %parallel_loop3A_177, %parallel_loop3A_181 : vector<16xf32>
      %parallel_loop3A_183 = arith.index_cast %parallel_loop3A_103 : i32 to index
      %parallel_loop3A_184 = arith.constant 80 : index
      %parallel_loop3A_185 = tpu.vector_load %arg14[%parallel_loop3A_183, %parallel_loop3A_184] {strides = array<i32>} : memref<80x128xf32, #tpu.memory_space<vmem>>, vector<1x16xf32>,
      %parallel_loop3A_186 = vector.shape_cast %parallel_loop3A_185 : vector<1x16xf32> to vector<16xf32>
      %parallel_loop3A_187 = vector.shape_cast %parallel_loop3A_182 : vector<16xf32> to vector<1x16xf32>
      tpu.vector_store %arg14[%parallel_loop3A_183, %parallel_loop3A_184], %parallel_loop3A_187 {strides = array<i32>} : memref<80x128xf32, #tpu.memory_space<vmem>>, vector<1x16xf32>,
      %parallel_loop3A_188 = arith.index_cast %parallel_loop3A_103 : i32 to index
      %parallel_loop3A_189 = arith.constant 96 : index
      %parallel_loop3A_190 = tpu.vector_load %arg12[%parallel_loop3A_188, %parallel_loop3A_189] {strides = array<i32>} : memref<80x128xf32, #tpu.memory_space<vmem>>, vector<1x16xf32>,
      %parallel_loop3A_191 = vector.shape_cast %parallel_loop3A_190 : vector<1x16xf32> to vector<16xf32>
      %parallel_loop3A_192 = arith.index_cast %parallel_loop3A_103 : i32 to index
      %parallel_loop3A_193 = arith.constant 96 : index
      %parallel_loop3A_194 = tpu.vector_load %arg13[%parallel_loop3A_192, %parallel_loop3A_193] {strides = array<i32>} : memref<80x128xf32, #tpu.memory_space<vmem>>, vector<1x16xf32>,
      %parallel_loop3A_195 = vector.shape_cast %parallel_loop3A_194 : vector<1x16xf32> to vector<16xf32>
      %parallel_loop3A_196 = arith.addf %parallel_loop3A_191, %parallel_loop3A_195 : vector<16xf32>
      %parallel_loop3A_197 = arith.index_cast %parallel_loop3A_103 : i32 to index
      %parallel_loop3A_198 = arith.constant 96 : index
      %parallel_loop3A_199 = tpu.vector_load %arg14[%parallel_loop3A_197, %parallel_loop3A_198] {strides = array<i32>} : memref<80x128xf32, #tpu.memory_space<vmem>>, vector<1x16xf32>,
      %parallel_loop3A_200 = vector.shape_cast %parallel_loop3A_199 : vector<1x16xf32> to vector<16xf32>
      %parallel_loop3A_201 = vector.shape_cast %parallel_loop3A_196 : vector<16xf32> to vector<1x16xf32>
      tpu.vector_store %arg14[%parallel_loop3A_197, %parallel_loop3A_198], %parallel_loop3A_201 {strides = array<i32>} : memref<80x128xf32, #tpu.memory_space<vmem>>, vector<1x16xf32>,
      %parallel_loop3A_202 = arith.index_cast %parallel_loop3A_103 : i32 to index
      %parallel_loop3A_203 = arith.constant 112 : index
      %parallel_loop3A_204 = tpu.vector_load %arg12[%parallel_loop3A_202, %parallel_loop3A_203] {strides = array<i32>} : memref<80x128xf32, #tpu.memory_space<vmem>>, vector<1x16xf32>,
      %parallel_loop3A_205 = vector.shape_cast %parallel_loop3A_204 : vector<1x16xf32> to vector<16xf32>
      %parallel_loop3A_206 = arith.index_cast %parallel_loop3A_103 : i32 to index
      %parallel_loop3A_207 = arith.constant 112 : index
      %parallel_loop3A_208 = tpu.vector_load %arg13[%parallel_loop3A_206, %parallel_loop3A_207] {strides = array<i32>} : memref<80x128xf32, #tpu.memory_space<vmem>>, vector<1x16xf32>,
      %parallel_loop3A_209 = vector.shape_cast %parallel_loop3A_208 : vector<1x16xf32> to vector<16xf32>
      %parallel_loop3A_210 = arith.addf %parallel_loop3A_205, %parallel_loop3A_209 : vector<16xf32>
      %parallel_loop3A_211 = arith.index_cast %parallel_loop3A_103 : i32 to index
      %parallel_loop3A_212 = arith.constant 112 : index
      %parallel_loop3A_213 = tpu.vector_load %arg14[%parallel_loop3A_211, %parallel_loop3A_212] {strides = array<i32>} : memref<80x128xf32, #tpu.memory_space<vmem>>, vector<1x16xf32>,
      %parallel_loop3A_214 = vector.shape_cast %parallel_loop3A_213 : vector<1x16xf32> to vector<16xf32>
      %parallel_loop3A_215 = vector.shape_cast %parallel_loop3A_210 : vector<16xf32> to vector<1x16xf32>
      tpu.vector_store %arg14[%parallel_loop3A_211, %parallel_loop3A_212], %parallel_loop3A_215 {strides = array<i32>} : memref<80x128xf32, #tpu.memory_space<vmem>>, vector<1x16xf32>,
    } {sc.loop_unroll_factor = 2 : i64, sc.parallel_access}
    %add3A_79 = arith.constant 9920 : i32
    %add3A_80 = arith.addi %mul3A_2, %add3A_79 : i32
    %dma_start3A_81 = arith.constant 0 : i32
    %dma_start3A_82 = tpu.memref_slice %arg6[%add3A_80, %dma_start3A_81] : memref<320000x128xf32, #tpu.memory_space<hbm>> -> memref<80x128xf32, #tpu.memory_space<hbm>>
    %dma_start3A_83 = arith.constant 0 : i32
    %dma_start3A_84 = tpu.memref_slice %arg6[%add3A_80, %dma_start3A_83] : memref<320000x128xf32, #tpu.memory_space<hbm>> -> memref<80x128xf32, #tpu.memory_space<hbm>>
    tpu.enqueue_dma source(%arg14 : memref<80x128xf32, #tpu.memory_space<vmem>>) target(%dma_start3A_84 : memref<80x128xf32, #tpu.memory_space<hbm>>) target_semaphore(%arg22 : memref<!tpu.dma_semaphore, #tpu.memory_space<semaphore_mem>>)
    %add3A_85 = arith.constant 9760 : i32
    %add3A_86 = arith.addi %mul3A_2, %add3A_85 : i32
    %dma_wait3A_87 = arith.constant 0 : i32
    %dma_wait3A_88 = tpu.memref_slice %arg6[%add3A_86, %dma_wait3A_87] : memref<320000x128xf32, #tpu.memory_space<hbm>> -> memref<80x128xf32, #tpu.memory_space<hbm>>
    %dma_wait3A_89 = arith.constant 0 : i32
    %dma_wait3A_90 = tpu.memref_slice %arg6[%add3A_86, %dma_wait3A_89] : memref<320000x128xf32, #tpu.memory_space<hbm>> -> memref<80x128xf32, #tpu.memory_space<hbm>>
    tpu.wait_dma2 semaphore(%arg23 : memref<!tpu.dma_semaphore, #tpu.memory_space<semaphore_mem>>) src(%arg17 : memref<80x128xf32, #tpu.memory_space<vmem>>) dst(%dma_wait3A_90 : memref<80x128xf32, #tpu.memory_space<hbm>>)
    %add3A_91 = arith.constant 9840 : i32
    %add3A_92 = arith.addi %mul3A_2, %add3A_91 : i32
    %dma_wait3A_93 = arith.constant 0 : i32
    %dma_wait3A_94 = tpu.memref_slice %arg6[%add3A_92, %dma_wait3A_93] : memref<320000x128xf32, #tpu.memory_space<hbm>> -> memref<80x128xf32, #tpu.memory_space<hbm>>
    %dma_wait3A_95 = arith.constant 0 : i32
    %dma_wait3A_96 = tpu.memref_slice %arg6[%add3A_92, %dma_wait3A_95] : memref<320000x128xf32, #tpu.memory_space<hbm>> -> memref<80x128xf32, #tpu.memory_space<hbm>>
    tpu.wait_dma2 semaphore(%arg21 : memref<!tpu.dma_semaphore, #tpu.memory_space<semaphore_mem>>) src(%arg11 : memref<80x128xf32, #tpu.memory_space<vmem>>) dst(%dma_wait3A_96 : memref<80x128xf32, #tpu.memory_space<hbm>>)
    %add3A_97 = arith.constant 9920 : i32
    %add3A_98 = arith.addi %mul3A_2, %add3A_97 : i32
    %dma_wait3A_99 = arith.constant 0 : i32
    %dma_wait3A_100 = tpu.memref_slice %arg6[%add3A_98, %dma_wait3A_99] : memref<320000x128xf32, #tpu.memory_space<hbm>> -> memref<80x128xf32, #tpu.memory_space<hbm>>
    %dma_wait3A_101 = arith.constant 0 : i32
    %dma_wait3A_102 = tpu.memref_slice %arg6[%add3A_98, %dma_wait3A_101] : memref<320000x128xf32, #tpu.memory_space<hbm>> -> memref<80x128xf32, #tpu.memory_space<hbm>>
    tpu.wait_dma2 semaphore(%arg22 : memref<!tpu.dma_semaphore, #tpu.memory_space<semaphore_mem>>) src(%arg14 : memref<80x128xf32, #tpu.memory_space<vmem>>) dst(%dma_wait3A_102 : memref<80x128xf32, #tpu.memory_space<hbm>>)
    return
  }
}

module attributes {stable_mosaic.version = 14 : i64} {
  func.func @_edge_out_body(%arg0: i32, %arg1: memref<12800x128xf32, #tpu.memory_space<vmem>>, %arg2: memref<16x12800xf32, #tpu.memory_space<vmem>>, %arg3: memref<16x128xf32, #tpu.memory_space<vmem>>, %arg4: memref<1x128xf32, #tpu.memory_space<vmem>>, %arg5: memref<12800x128xf32, #tpu.memory_space<vmem>>) attributes {dimension_semantics = [#tpu.dimension_semantics<arbitrary>], iteration_bounds = array<i64: 25>, scalar_prefetch = 0 : i64, scratch_operands = 0 : i64, tpu.core_type = #tpu.core_type<tc>, window_params = [{transform_indices = @transform_0, window_bounds = array<i64: 12800, 128>}, {transform_indices = @transform_1, window_bounds = array<i64: 16, 12800>}, {pipeline_mode = #tpu.pipeline_mode<synchronous>, transform_indices = @transform_2, window_bounds = array<i64: 16, 128>}, {pipeline_mode = #tpu.pipeline_mode<synchronous>, transform_indices = @transform_3, window_bounds = array<i64: 1, 128>}, {transform_indices = @transform_4, window_bounds = array<i64: 12800, 128>}]} {
    %get3A = arith.constant 0 : index
    %get3A_0 = arith.constant 0 : index
    %get3A_1 = vector.load %arg1[%get3A, %get3A_0] : memref<12800x128xf32, #tpu.memory_space<vmem>>, vector<12800x128xf32>
    %get3A_2 = arith.constant 0 : index
    %get3A_3 = arith.constant 0 : index
    %get3A_4 = vector.load %arg2[%get3A_2, %get3A_3] : memref<16x12800xf32, #tpu.memory_space<vmem>>, vector<16x12800xf32>
    %get3A_5 = arith.constant 0 : index
    %get3A_6 = arith.constant 0 : index
    %get3A_7 = vector.load %arg3[%get3A_5, %get3A_6] : memref<16x128xf32, #tpu.memory_space<vmem>>, vector<16x128xf32>
    %dot_general3A = arith.constant dense<0.000000e+00> : vector<12800x128xf32>
    %dot_general3A_8 = tpu.matmul %get3A_4, %get3A_7, %dot_general3A {dimension_numbers = #tpu.dot_dimension_numbers<[0], [0], [1], [1], [0, 1, 1, 1], [], []>, transpose_lhs_hint = false} : vector<16x12800xf32>, vector<16x128xf32>, vector<12800x128xf32> -> vector<12800x128xf32>
    %add3A = arith.addf %get3A_1, %dot_general3A_8 : vector<12800x128xf32>
    %get3A_9 = arith.constant 0 : index
    %get3A_10 = arith.constant 0 : index
    %get3A_11 = vector.load %arg4[%get3A_9, %get3A_10] : memref<1x128xf32, #tpu.memory_space<vmem>>, vector<1x128xf32>
    %add3A_12 = vector.broadcast %get3A_11 : vector<1x128xf32> to vector<12800x128xf32>
    %add3A_13 = arith.addf %add3A, %add3A_12 : vector<12800x128xf32>
    %swap3A = arith.constant 0 : index
    %swap3A_14 = arith.constant 0 : index
    %swap3A_15 = vector.load %arg5[%swap3A, %swap3A_14] : memref<12800x128xf32, #tpu.memory_space<vmem>>, vector<12800x128xf32>
    tpu.vector_store %arg5[%swap3A, %swap3A_14], %add3A_13 {strides = array<i32>} : memref<12800x128xf32, #tpu.memory_space<vmem>>, vector<12800x128xf32>,
    return
  }
  func.func @transform_0(%arg0: i32) -> (i32, i32) {
    %c0_i32 = arith.constant 0 : i32
    %c0_i32_0 = arith.constant 0 : i32
    return %arg0, %c0_i32 : i32, i32
  }
  func.func @transform_1(%arg0: i32) -> (i32, i32) {
    %c0_i32 = arith.constant 0 : i32
    %c0_i32_0 = arith.constant 0 : i32
    return %c0_i32, %arg0 : i32, i32
  }
  func.func @transform_2(%arg0: i32) -> (i32, i32) {
    %c0_i32 = arith.constant 0 : i32
    %c0_i32_0 = arith.constant 0 : i32
    %c0_i32_1 = arith.constant 0 : i32
    return %c0_i32, %c0_i32_0 : i32, i32
  }
  func.func @transform_3(%arg0: i32) -> (i32, i32) {
    %c0_i32 = arith.constant 0 : i32
    %c0_i32_0 = arith.constant 0 : i32
    %c0_i32_1 = arith.constant 0 : i32
    return %c0_i32, %c0_i32_0 : i32, i32
  }
  func.func @transform_4(%arg0: i32) -> (i32, i32) {
    %c0_i32 = arith.constant 0 : i32
    %c0_i32_0 = arith.constant 0 : i32
    return %arg0, %c0_i32 : i32, i32
  }
}

module attributes {stable_mosaic.version = 14 : i64} {
  func.func @_node_mm_body(%arg0: memref<10000x128xf32, #tpu.memory_space<vmem>>, %arg1: memref<128x128xf32, #tpu.memory_space<vmem>>, %arg2: memref<128x128xf32, #tpu.memory_space<vmem>>, %arg3: memref<10000x128xf32, #tpu.memory_space<vmem>>, %arg4: memref<10000x128xf32, #tpu.memory_space<vmem>>) attributes {dimension_semantics = [], scalar_prefetch = 0 : i64, scratch_operands = 0 : i64, tpu.core_type = #tpu.core_type<tc>} {
    %get3A = arith.constant 0 : index
    %get3A_0 = arith.constant 0 : index
    %get3A_1 = vector.load %arg0[%get3A, %get3A_0] : memref<10000x128xf32, #tpu.memory_space<vmem>>, vector<10000x128xf32>
    %get3A_2 = arith.constant 0 : index
    %get3A_3 = arith.constant 0 : index
    %get3A_4 = vector.load %arg1[%get3A_2, %get3A_3] : memref<128x128xf32, #tpu.memory_space<vmem>>, vector<128x128xf32>
    %dot_general3A = arith.constant dense<0.000000e+00> : vector<10000x128xf32>
    %dot_general3A_5 = tpu.matmul %get3A_1, %get3A_4, %dot_general3A {dimension_numbers = #tpu.dot_dimension_numbers<[1], [0], [0], [1], [0, 0, 1, 1], [], []>, transpose_lhs_hint = false} : vector<10000x128xf32>, vector<128x128xf32>, vector<10000x128xf32> -> vector<10000x128xf32>
    %swap3A = arith.constant 0 : index
    %swap3A_6 = arith.constant 0 : index
    %swap3A_7 = vector.load %arg3[%swap3A, %swap3A_6] : memref<10000x128xf32, #tpu.memory_space<vmem>>, vector<10000x128xf32>
    tpu.vector_store %arg3[%swap3A, %swap3A_6], %dot_general3A_5 {strides = array<i32>} : memref<10000x128xf32, #tpu.memory_space<vmem>>, vector<10000x128xf32>,
    %get3A_8 = arith.constant 0 : index
    %get3A_9 = arith.constant 0 : index
    %get3A_10 = vector.load %arg2[%get3A_8, %get3A_9] : memref<128x128xf32, #tpu.memory_space<vmem>>, vector<128x128xf32>
    %dot_general3A_11 = arith.constant dense<0.000000e+00> : vector<10000x128xf32>
    %dot_general3A_12 = tpu.matmul %get3A_1, %get3A_10, %dot_general3A_11 {dimension_numbers = #tpu.dot_dimension_numbers<[1], [0], [0], [1], [0, 0, 1, 1], [], []>, transpose_lhs_hint = false} : vector<10000x128xf32>, vector<128x128xf32>, vector<10000x128xf32> -> vector<10000x128xf32>
    %swap3A_13 = arith.constant 0 : index
    %swap3A_14 = arith.constant 0 : index
    %swap3A_15 = vector.load %arg4[%swap3A_13, %swap3A_14] : memref<10000x128xf32, #tpu.memory_space<vmem>>, vector<10000x128xf32>
    tpu.vector_store %arg4[%swap3A_13, %swap3A_14], %dot_general3A_12 {strides = array<i32>} : memref<10000x128xf32, #tpu.memory_space<vmem>>, vector<10000x128xf32>,
    return
  }
}

</mosaic_0001>

<sc_bundles>
// kernel: kernel.5.cloned.1.call-start
scs
__scs_entry_jumppad:
0x0: {  	(pc) =	sbr.rel $0x88, $3  }
0x1: {  	(tag) =	ssettag $0x0;
	lr =	simm.s32 $0x1  }
0x2: {  	[smem:$0x3F9C] =	sst lr;
	_ =	strace $0xD0000000  }
0x3: {  	_ = 	snop  }
0x4: {  	_ = 	snop  }
0x5: {  	_ = 	snop  }
0x6: {  	_ = 	snop  }
0x7: {  	_ = 	snop  }
__scs_overlays_trampoline_lowered:
0x8: {  	[smem:$0x3FAB] =	sst s0  }
0x9: {  	[smem:$0x3FAC] =	sst s1  }
0xa: {  	[smem:$0x3FAD] =	sst s2  }
0xb: {  	[smem:$0x3FAE] =	sst s3  }
0xc: {  	[smem:$0x3FAF] =	sst s4  }
0xd: {  	[smem:$0x3FB0] =	sst s5  }
0xe: {  	[smem:$0x3FB1] =	sst s6  }
0xf: {  	[smem:$0x3FB2] =	sst s7  }
0x10: {  	[smem:$0x3FB3] =	sst s8  }
0x11: {  	[smem:$0x3FB4] =	sst s9;
	s0 =	simm.s32 @!p0 $0x0  }
0x12: {  	s1 =	sld [smem:$0x3F9A];
	s0 =	simm.s32 @p0 $0x1  }
0x13: {  	[smem:$0x3FB5] =	sst s0;
	s0 =	simm.s32 @!p1 $0x0  }
0x14: {  	s2 =	sld [smem:$0x3F99];
	s0 =	simm.s32 @p1 $0x1  }
0x15: {  	[smem:$0x3FB6] =	sst s0;
	s0 =	simm.s32 @!p2 $0x0  }
0x16: {  	s3 =	sld [smem:$0x3FDB];
	s0 =	simm.s32 @p2 $0x1  }
0x17: {  	s4 =	simm.s32 $0x1BF5;
	[smem:$0x3FB8] =	sst s0  }
0x18: {  	s0 =	sld [smem:$0x3F9B];
	_ =	swait.ge [sflag:s4], $0x0  }
0x19: {  	s7 =	sld [smem:$0x3F9C]  }
0x1a: {  	s8 =	sadd.s32 $0xFFFFE003, lr  }
0x1b: {  	s9 =	sadd.s32 $0xFFFFFEF7, lr;
	s5 =	simm.s32 $0xFFFFFFFF;
	p2 =	slt.u32 s8, $0xFFFFF086  }
0x1c: {  	p1 =	slt.u32 s9, $0xF7A;
	s5 =	simm.s32 @!p2 $0x0  }
0x1d: {  	s5 =	simm.s32 @p1 $0x1;
	p0 =	seq.s32 s7, s2  }
0x1e: {  	s7 =	smul.u32 @!p0 $0xF7A, s2;
	p2 =	seq.s32 @!p0 s5, $0x0  }
0x1f: {  	s9 =	smul.u32 $0xF7A, s1;
	s8 =	simm.s32 @!p0 $0x1BF5;
	p2 =	por !p2, p0  }
0x20: {  	[sflag:s8] =	ssyncset.s32 @!p0 $0xFFFFF086;
	s6 =	sadd.s32 @!p0 s3, s7;
	s7 =	simm.s32 @!p0 $0x108  }
0x21: {  	s3 =	sadd.s32 s3, s9;
	s6 =	sadd.s32 @!p0 $0x88, s6;
	s7 =	simm.s32 @p2 $0x1082  }
0x22: {  	[simem:s7], [sflag:s8] =	dma.local @!p0 [hbm:s6], $0xF7A  }
0x23: {  	s9 =	sor.u32 $0xD0000000, s2;
	s6 =	simm.s32 $0x108;
	_ =	swait.ge @!p0 [sflag:s8], $0x0  }
0x24: {  	s3 =	sadd.s32 $0x88, s3;
	s6 =	simm.s32 @!p1 $0x1082;
	[sflag:s4] =	ssyncset.s32 $0xFFFFF086  }
0x25: {  	[simem:s6], [sflag:s4] =	dma.local [hbm:s3], $0xF7A  }
0x26: {  	[smem:$0x3F9C] =	sst s1;
	(tag) =	ssettag s2;
	_ =	strace s9  }
0x27: {  	s1 =	sld [smem:$0x3FAC]  }
0x28: {  	s2 =	sld [smem:$0x3FAD]  }
0x29: {  	s4 =	sld [smem:$0x3FAF]  }
0x2a: {  	p0 =	seq.s32 s5, $0x0;
	s5 =	sld [smem:$0x3FB0]  }
0x2b: {  	s6 =	sld [smem:$0x3FB1]  }
0x2c: {  	s7 =	sld [smem:$0x3FB2]  }
0x2d: {  	s3 =	simm.s32 $0x108;
	s8 =	sld [smem:$0x3FB3]  }
0x2e: {  	s3 =	simm.s32 @!p0 $0x1082;
	s9 =	sld [smem:$0x3FB4]  }
0x2f: {  	lr =	sadd.s32 s0, s3;
	s0 =	sld [smem:$0x3FAB]  }
0x30: {  	s3 =	sld [smem:$0x3FAE]  }
0x31: {  	[smem:$0x3FB7] =	sst s10  }
0x32: {  	s10 =	sld [smem:$0x3FB5];
	_ =	sdelay $0x3  }
0x33: {  	p0 =	seq.s32 s10, $0x1;
	s10 =	sld [smem:$0x3FB7];
	_ =	sdelay $0x3  }
0x34: {  	[smem:$0x3FB7] =	sst s10  }
0x35: {  	s10 =	sld [smem:$0x3FB6];
	_ =	sdelay $0x3  }
0x36: {  	p1 =	seq.s32 s10, $0x1;
	s10 =	sld [smem:$0x3FB7];
	_ =	sdelay $0x3  }
0x37: {  	[smem:$0x3FB7] =	sst s10  }
0x38: {  	s10 =	sld [smem:$0x3FB8]  }
0x39: {  	_ = 	snop;
	(pc) =	sbr.ind lr, $3  }
0x3a: {  	_ = 	snop  }
0x3b: {  	_ = 	snop  }
0x3c: {  	p2 =	seq.s32 s10, $0x1;
	s10 =	sld [smem:$0x3FB7]  }
0x3d: {  	_ =	shalt  }
0x3e: {  	_ =	shalt  }
0x3f: {  	_ =	shalt  }
0x40: {  	_ =	shalt  }
0x41: {  	_ =	shalt  }
0x42: {  	_ =	shalt  }
0x43: {  	_ =	shalt  }
0x44: {  	_ =	shalt  }
0x45: {  	_ =	shalt  }
0x46: {  	_ =	shalt  }
0x47: {  	_ =	shalt  }
0x48: {  	_ =	shalt  }
0x49: {  	_ =	shalt  }
0x4a: {  	_ =	shalt  }
0x4b: {  	_ =	shalt  }
0x4c: {  	_ =	shalt  }
0x4d: {  	_ =	shalt  }
0x4e: {  	_ =	shalt  }
0x4f: {  	_ =	shalt  }
0x50: {  	_ =	shalt  }
0x51: {  	_ =	shalt  }
0x52: {  	_ =	shalt  }
0x53: {  	_ =	shalt  }
0x54: {  	_ =	shalt  }
0x55: {  	_ =	shalt  }
0x56: {  	_ =	shalt  }
0x57: {  	_ =	shalt  }
0x58: {  	_ =	shalt  }
0x59: {  	_ =	shalt  }
0x5a: {  	_ =	shalt  }
0x5b: {  	_ =	shalt  }
0x5c: {  	_ =	shalt  }
0x5d: {  	_ =	shalt  }
0x5e: {  	_ =	shalt  }
0x5f: {  	_ =	shalt  }
0x60: {  	_ =	shalt  }
0x61: {  	_ =	shalt  }
0x62: {  	_ =	shalt  }
0x63: {  	_ =	shalt  }
0x64: {  	_ =	shalt  }
0x65: {  	_ =	shalt  }
0x66: {  	_ =	shalt  }
0x67: {  	_ =	shalt  }
0x68: {  	_ =	shalt  }
0x69: {  	_ =	shalt  }
0x6a: {  	_ =	shalt  }
0x6b: {  	_ =	shalt  }
0x6c: {  	_ =	shalt  }
0x6d: {  	_ =	shalt  }
0x6e: {  	_ =	shalt  }
0x6f: {  	_ =	shalt  }
0x70: {  	_ =	shalt  }
0x71: {  	_ =	shalt  }
0x72: {  	_ =	shalt  }
0x73: {  	_ =	shalt  }
0x74: {  	_ =	shalt  }
0x75: {  	_ =	shalt  }
0x76: {  	_ =	shalt  }
0x77: {  	_ =	shalt  }
0x78: {  	_ =	shalt  }
0x79: {  	_ =	shalt  }
0x7a: {  	_ =	shalt  }
0x7b: {  	_ =	shalt  }
0x7c: {  	_ =	shalt  }
0x7d: {  	_ =	shalt  }
0x7e: {  	_ =	shalt  }
0x7f: {  	_ =	shalt  }
0x80: {  	_ =	shalt  }
0x81: {  	_ =	shalt  }
0x82: {  	_ =	shalt  }
0x83: {  	_ =	shalt  }
0x84: {  	_ =	shalt  }
0x85: {  	_ =	shalt  }
0x86: {  	_ =	shalt  }
0x87: {  	_ =	shalt  }
.Lfunc_end0:
.L_simem_size_0:
called_computation_lowered:
.L_overlay_start_0:
0x88: {  	s2 =	sld [smem:$0x3FD9]  }
0x89: {  	s3 =	sld [smem:$0x3FFE];
	_ =	sdelay $0x1  }
0x8a: {  	s1 =	srdreg.scid  }
0x8b: {  	s0 =	sand.u32 $0x1, s1  }
0x8c: {  	s17 =	sshll.u32 s0, $0xA;
	s2 =	sadd.s32 s3, s2  }
0x8d: {  	s2 =	sadd.s32 s2, s17  }
0x8e: {  	[smem:$0x3FC3] =	sst s2  }
0x8f: {  	_ = 	snop  }
0x90: {  	s2 =	sld [smem:$0x3FD0];
	(tm) =	ssettm $0x1  }
0x91: {  	s18 =	sld [smem:$0x3FFB];
	_ =	sdelay $0x3  }
0x92: {  	_ =	strace s18  }
0x93: {  	s3 =	sld [smem:$0x3FFC];
	_ =	sdelay $0x3  }
0x94: {  	_ =	strace s3  }
0x95: {  	s3 =	sld [smem:$0x3FFD];
	_ =	sdelay $0x3  }
0x96: {  	_ =	strace s3  }
0x97: {  	_ =	strace $0x8FFFFFFF  }
0x98: {  	s19 =	sld [smem:$0x3FDB];
	_ =	sdelay $0x1  }
0x99: {  	s4 =	simm.s32 $_scs_section_size  }
0x9a: {  	s5 =	simm.s32 $_size__tile_overlayer_lowered;
	s6 =	simm.s32 $_tile_overlayer_lowered  }
0x9b: {  	s22 =	simm.s32 $0x1BFF;
	s21 =	sshll.u32 s6, $0x1;
	s3 =	sadd.s32 s4, s19  }
0x9c: {  	s7 =	simm.s32 $0x0;
	s20 =	sshll.u32 s5, $0x1;
	s5 =	sadd.s32 s21, s3  }
0x9d: {  	[timem:s7], [sflag:s22] =	dma.local [hbm:s5], s20  }
0x9e: {  	_ =	swait.ge [sflag:s22], s20  }
0x9f: {  	s4 =	ssub.s32 $0x0, s20;
	[sflag:s22] =	ssyncset.done $0x0  }
0xa0: {  	[sflag:s22] =	ssyncadd.s32 s4;
	_ =	sdelay $0x1  }
0xa1: {  	s23 =	simm.s32 $0x1B8B  }
0xa2: {  	_ =	swait.ge [sflag:s23], $0x1  }
0xa3: {  	[sflag:s23] =	ssyncset.done $0x0  }
0xa4: {  	s25 =	simm.s32 $0x1B8E;
	s24 =	sld [smem:$0x3FFE];
	[sflag:s23] =	ssyncadd.s32 $0xFFFFFFFF  }
0xa5: {  	s26 =	simm.s32 $execute0_lowered;
	[smem:$0x3FD2] =	sst s25  }
0xa6: {  	s5 =	sshll.u32 s26, $0x1;
	_ =	strace $0x80000046;
	[dreg:$0x1] =	wrdreg $0xFFFFFFFF  }
0xa7: {  	s28 =	simm.s32 $_size_execute0_lowered;
	s3 =	sadd.s32 s3, s5;
	[dreg:$0x0] =	wrdreg $0x0  }
0xa8: {  	s5 =	sshll.u32 s28, $0x1;
	[dreg:$0x2] =	wrdreg s3  }
0xa9: {  	[dreg:$0x3] =	wrdreg s5  }
0xaa: {  	[dreg:$0x4] =	wrdreg $0xC0  }
0xab: {  	_ =	task [dreg:s7], $0x5FFFF  }
0xac: {  	[dreg:$0x1] =	wrdreg $0xFFFFFFFF  }
0xad: {  	[dreg:$0x0] =	wrdreg $0x60  }
0xae: {  	[dreg:$0x2] =	wrdreg s2  }
0xaf: {  	[dreg:$0x3] =	wrdreg s24  }
0xb0: {  	[dreg:$0x4] =	wrdreg $0x9  }
0xb1: {  	_ =	task.clear_ibuf [dreg:s7], $0x5FFFF;
	_ =	strace $0x90000046  }
0xb2: {  	s29 =	simm.s32 $0x9;
	_ =	strace $0x80000048  }
0xb3: {  	_ =	swait.ge [sflag:s29], $0x1  }
0xb4: {  	[sflag:s29] =	ssyncadd.s32 $0xFFFFFFFF  }
0xb5: {  	_ =	strace $0x90000048  }
0xb6: {  	_ =	sfence  }
0xb7: {  	s30 =	sld [smem:$0x0];
	_ =	sdelay $0x2  }
0xb8: {  	s31 =	sshll.u32 s1, $0xD;
	s1 =	sshrl.u32 s1, $0x2  }
0xb9: {  	s3 =	sand.u32 $0x4000, s31;
	s1 =	sadd.s32 s1, s30  }
0xba: {  	s0 =	sor.u32 s3, s0;
	s1 =	sshll.u32 s1, $0x11  }
0xbb: {  	s0 =	sor.u32 s1, s0  }
0xbc: {  	s0 =	sadd.s32 $0x8F2B, s0  }
0xbd: {  	[sflag:s0] =	ssyncadd.remote.s32 $0x1  }
0xbe: {  	_ =	sfence.sel $0xFFFF  }
0xbf: {  	[dreg:$0x0] =	wrdreg $0xFFFFFFFF;
	(pc) =	sbr.abs _section_cstart, $3  }
0xc0: {  	[dreg:$0x1] =	wrdreg $0xFFFFFFFF  }
0xc1: {  	_ =	task.clear_ibuf [dreg:s7], $0x2FFFF;
	_ =	strace $0x9FFFFFFF  }
0xc2: {  	(tm) =	ssettm $0x7FFFFFFF  }
0xc3: {  	_ =	shalt  }
tec
execute0_lowered:
.L_overlay_start_1:
0x0: {  	(tag) =	ssettag $0x1  }
0x1: {  	s2 =	rddreg [dreg:$0x0];
	s0 =	srdreg.scid  }
0x2: {  	s3 =	stileid.u32;
	s1 =	rddreg [dreg:$0x1];
	s17 =	simm.s32 $0x50  }
0x3: {  	s18 =	simm.s32 $0x4F00;
	s19 =	simm.s32 $0x7700;
	s20 =	simm.s32 $0xC700  }
0x4: {  	s28 =	simm.s32 $0x1;
	s29 =	simm.s32 $0x9F00;
	s30 =	simm.s32 $0x2  }
0x5: {  	s31 =	simm.s32 $0x11700;
	s0 =	sand.u32 $0x1, s0;
	s4 =	sshll.u32 s3, $0x1  }
0x6: {  	s11 =	simm.s32 $0x0;
	s3 =	simm.s32 $0x0;
	s7 =	sor.u32 s0, s4  }
0x7: {  	s5 =	sadd.s32 $0x14600, s1;
	s0 =	ssub.s32 $0x2, s0;
	s4 =	smul.u32 $0x2710, s7  }
0x8: {  	[smem:$0x7FF] =	sst s3;
	s9 =	sshrl.u32 s0, $0x1;
	s10 =	smul.u32 $0x138800, s7  }
0x9: {  	_ =	strace $0x80000047;
	s21 =	smul.u32 $0x27100, s7;
	s0 =	ssub.s32 s0, s9  }
0xa: {  	s6 =	sshrl.u32 s4, $0x3;
	s24 =	sshrl.u32 s10, $0x3;
	s9 =	sadd.s32 $0x50, s4  }
0xb: {  	s10 =	sadd.s32 $0xA0, s4;
	s0 =	smax.u32 s0, $0x1;
	s8 =	sadd.s32 s6, s1  }
0xc: {  	s6 =	sadd.s32 $0x3B800, s1;
	[dreg:$0x8] =	wrdreg s0;
	s22 =	sadd.s32 $0xA800, s8  }
0xd: {  	s23 =	sadd.s32 $0xA00, s8;
	s1 =	sadd.s32 s21, s6;
	[dreg:$0x3] =	wrdreg s22  }
0xe: {  	s7 =	sadd.s32 s6, s24;
	[dreg:$0x4] =	wrdreg s23;
	s1 =	sadd.s32 $0x26200, s1  }
0xf: {  	s0 =	simm.s32 $0x18F00;
	s25 =	sadd.s32 $0x26700, s7;
	[dreg:$0x5] =	wrdreg s1  }
0x10: {  	s21 =	simm.s32 $0x6;
	s26 =	sadd.s32 $0x26C00, s7;
	[dreg:$0x6] =	wrdreg s25  }
0x11: {  	s22 =	simm.s32 $0xEF00;
	[dreg:$0x7] =	wrdreg s26;
	s1 =	simm.s32 $0x3  }
.LBB2_1:
0x12: {  	[dreg:$0x9] =	wrdreg s11  }
0x13: {  	s7 =	rddreg [dreg:$0x3];
	s8 =	simm.s32 $0x7  }
0x14: {  	[tilespmem:s3], [sflag:$0x7] =	stream.linear.gather [hbm4b:s7+s3], $0x2710, $0x38;
	[tilespmem:$0x1B700] =	vst v63  }
0x15: {  	_ =	swait.ge [sflag:s8], $0x2710  }
0x16: {  	[sflag:s8] =	ssyncset.done $0x0  }
0x17: {  	s15 =	simm.s32 $0x2780;
	s14 =	rddreg [dreg:$0x4];
	[sflag:s8] =	ssyncadd.s32 $0xFFFFD8F0  }
0x18: {  	[tilespmem:s15], [sflag:$0x7] =	stream.linear.gather [hbm4b:s14+s3], $0x2710, $0x38;
	[tilespmem:$0x1B700] =	vst v63  }
0x19: {  	_ =	swait.ge [sflag:s8], $0x2710  }
0x1a: {  	[sflag:s8] =	ssyncset.done $0x0  }
0x1b: {  	[sflag:s8] =	ssyncadd.s32 $0xFFFFD8F0  }
0x1c: {  	[tilespmem:s18], [sflag:$0x1] =	stream.indirect.gather [hbm4b:s2+s17], $0x80, s3, s17, $0xb8;
	[tilespmem:$0x1B700] =	vst v63  }
0x1d: {  	_ = 	snop  }
0x1e: {  	[tilespmem:s19], [sflag:$0x1] =	stream.indirect.gather [hbm4b:s5+s17], $0x80, s15, s17, $0xb8;
	[tilespmem:$0x1B700] =	vst v63  }
0x1f: {  	_ = 	snop  }
0x20: {  	[tilespmem:s20], [sflag:$0x2] =	stream.indirect.gather [hbm4b:s2+s17], $0x80, s17, s17, $0xb8;
	[tilespmem:$0x1B700] =	vst v63  }
0x21: {  	s16 =	simm.s32 $0x27D0  }
0x22: {  	[tilespmem:s22], [sflag:$0x2] =	stream.indirect.gather [hbm4b:s5+s17], $0x80, s16, s17, $0xb8;
	[tilespmem:$0x1B700] =	vst v63  }
0x23: {  	s23 =	simm.s32 $0xA0;
	s24 =	simm.s32 $0x13F00  }
0x24: {  	[tilespmem:s24], [sflag:$0x3] =	stream.indirect.gather [hbm4b:s2+s17], $0x80, s23, s17, $0xb8;
	[tilespmem:$0x1B700] =	vst v63  }
0x25: {  	s25 =	simm.s32 $0x2820;
	s26 =	simm.s32 $0x16700;
	s7 =	simm.s32 $0x0  }
0x26: {  	[tilespmem:s26], [sflag:$0x3] =	stream.indirect.gather [hbm4b:s5+s17], $0x80, s25, s17, $0xb8;
	[tilespmem:$0x1B700] =	vst v63  }
.LBB2_2:
0x27: {  	_ =	swait.ge [sflag:s28], $0x2800  }
0x28: {  	[sflag:s28] =	ssyncset.done $0x0  }
0x29: {  	[sflag:s28] =	ssyncadd.s32 $0xFFFFD800  }
0x2a: {  	_ =	swait.ge [sflag:s28], $0x2800  }
0x2b: {  	p0 =	seq.s32 s7, $0x0;
	[sflag:s28] =	ssyncset.done $0x0  }
0x2c: {  	s8 =	simm.s32 @!p0 $0x4;
	[sflag:s28] =	ssyncadd.s32 $0xFFFFD800  }
0x2d: {  	_ =	swait.ge @!p0 [sflag:s8], $0x2800  }
0x2e: {  	[sflag:s8] =	ssyncset.done @!p0 $0x0  }
0x2f: {  	s25 =	simm.s32 $0x4F80;
	[sflag:s8] =	ssyncadd.s32 @!p0 $0xFFFFD800  }
0x30: {  	s16 =	simm.s32 $0x7780;
	v0 =	vld [tilespmem:s25+$0x0]  }
0x31: {  	v1 =	vld [tilespmem:s16+$0x0];
	_ =	sdelay $0x4  }
0x32: {  	v0 =	vadd.f32 v1, v0  }
0x33: {  	s8 =	simm.s32 $0x9F80  }
0x34: {  	[tilespmem:s8+$0x0] =	vst v0  }
0x35: {  	v0 =	vld [tilespmem:s25+$0x10]  }
0x36: {  	v1 =	vld [tilespmem:s16+$0x10]  }
0x37: {  	v2 =	vld [tilespmem:s16+$0xFFFFFF80]  }
0x38: {  	v3 =	vld [tilespmem:s25+$0xFFFFFF80];
	_ =	sdelay $0x2  }
0x39: {  	v0 =	vadd.f32 v1, v0;
	_ =	sdelay $0x1  }
0x3a: {  	[tilespmem:s8+$0x10] =	vst v0;
	v0 =	vadd.f32 v2, v3  }
0x3b: {  	v1 =	vld [tilespmem:s25+$0x20]  }
0x3c: {  	v2 =	vld [tilespmem:s16+$0x20];
	[tilespmem:s8+$0xFFFFFF80] =	vst v0  }
0x3d: {  	v0 =	vld [tilespmem:s25+$0xFFFFFF90]  }
0x3e: {  	v3 =	vld [tilespmem:s16+$0xFFFFFF90];
	_ =	sdelay $0x2  }
0x3f: {  	v1 =	vadd.f32 v2, v1;
	_ =	sdelay $0x1  }
0x40: {  	[tilespmem:s8+$0x20] =	vst v1;
	v0 =	vadd.f32 v3, v0  }
0x41: {  	v1 =	vld [tilespmem:s25+$0x30]  }
0x42: {  	v2 =	vld [tilespmem:s16+$0x30];
	[tilespmem:s8+$0xFFFFFF90] =	vst v0  }
0x43: {  	v0 =	vld [tilespmem:s25+$0xFFFFFFA0]  }
0x44: {  	s12 =	simm.s32 $0x5080;
	v3 =	vld [tilespmem:s16+$0xFFFFFFA0]  }
0x45: {  	s13 =	simm.s32 $0x7880;
	v4 =	vld [tilespmem:s12+$0x0]  }
0x46: {  	v5 =	vld [tilespmem:s13+$0x0]  }
0x47: {  	v6 =	vld [tilespmem:s12+$0xFFFFFF80];
	v1 =	vadd.f32 v2, v1  }
0x48: {  	v2 =	vld [tilespmem:s13+$0xFFFFFF80]  }
0x49: {  	[tilespmem:s8+$0x30] =	vst v1;
	v0 =	vadd.f32 v3, v0  }
0x4a: {  	v1 =	vld [tilespmem:s25+$0x40]  }
0x4b: {  	v3 =	vld [tilespmem:s16+$0x40];
	[tilespmem:s8+$0xFFFFFFA0] =	vst v0;
	v0 =	vadd.f32 v5, v4  }
0x4c: {  	s11 =	simm.s32 $0xA080;
	v4 =	vld [tilespmem:s25+$0xFFFFFFB0]  }
0x4d: {  	v5 =	vld [tilespmem:s16+$0xFFFFFFB0];
	v2 =	vadd.f32 v2, v6;
	[tilespmem:s11+$0x0] =	vst v0  }
0x4e: {  	v0 =	vld [tilespmem:s12+$0x10]  }
0x4f: {  	[tilespmem:s11+$0xFFFFFF80] =	vst v2;
	v2 =	vld [tilespmem:s13+$0x10]  }
0x50: {  	v1 =	vadd.f32 v3, v1;
	v3 =	vld [tilespmem:s12+$0xFFFFFF90]  }
0x51: {  	v6 =	vld [tilespmem:s13+$0xFFFFFF90]  }
0x52: {  	[tilespmem:s8+$0x40] =	vst v1;
	v1 =	vadd.f32 v5, v4  }
0x53: {  	v4 =	vld [tilespmem:s25+$0x50]  }
0x54: {  	v5 =	vld [tilespmem:s16+$0x50];
	[tilespmem:s8+$0xFFFFFFB0] =	vst v1;
	v0 =	vadd.f32 v2, v0  }
0x55: {  	v1 =	vld [tilespmem:s25+$0xFFFFFFC0]  }
0x56: {  	v2 =	vld [tilespmem:s16+$0xFFFFFFC0];
	v3 =	vadd.f32 v6, v3;
	[tilespmem:s11+$0x10] =	vst v0  }
0x57: {  	v0 =	vld [tilespmem:s12+$0x20]  }
0x58: {  	[tilespmem:s11+$0xFFFFFF90] =	vst v3;
	v3 =	vld [tilespmem:s13+$0x20]  }
0x59: {  	v4 =	vadd.f32 v5, v4;
	v5 =	vld [tilespmem:s12+$0xFFFFFFA0]  }
0x5a: {  	v6 =	vld [tilespmem:s13+$0xFFFFFFA0]  }
0x5b: {  	s23 =	simm.s32 $0x7980  }
0x5c: {  	v8 =	vld [tilespmem:s23+$0x0];
	[tilespmem:s8+$0x50] =	vst v4  }
0x5d: {  	v1 =	vadd.f32 v2, v1;
	v2 =	vld [tilespmem:s25+$0x60];
	v0 =	vadd.f32 v3, v0  }
0x5e: {  	s14 =	simm.s32 $0x5180;
	v4 =	vld [tilespmem:s16+$0x60]  }
0x5f: {  	v9 =	vld [tilespmem:s14+$0xFFFFFF80];
	v5 =	vadd.f32 v6, v5;
	[tilespmem:s11+$0x20] =	vst v0  }
0x60: {  	[tilespmem:s8+$0xFFFFFFC0] =	vst v1;
	v0 =	vld [tilespmem:s12+$0x30]  }
0x61: {  	[tilespmem:s11+$0xFFFFFFA0] =	vst v5;
	v5 =	vld [tilespmem:s13+$0x30]  }
0x62: {  	v1 =	vld [tilespmem:s25+$0xFFFFFFD0]  }
0x63: {  	v3 =	vld [tilespmem:s16+$0xFFFFFFD0];
	v2 =	vadd.f32 v4, v2  }
0x64: {  	v6 =	vld [tilespmem:s14+$0x0]  }
0x65: {  	v4 =	vld [tilespmem:s12+$0xFFFFFFB0];
	[tilespmem:s8+$0x60] =	vst v2  }
0x66: {  	v2 =	vld [tilespmem:s25+$0x70];
	v0 =	vadd.f32 v5, v0  }
0x67: {  	v7 =	vld [tilespmem:s16+$0x70]  }
0x68: {  	v5 =	vld [tilespmem:s23+$0xFFFFFF80];
	[tilespmem:s11+$0x30] =	vst v0  }
0x69: {  	v0 =	vadd.f32 v3, v1;
	v1 =	vld [tilespmem:s12+$0x40]  }
0x6a: {  	v3 =	vld [tilespmem:s13+$0x40]  }
0x6b: {  	[tilespmem:s8+$0xFFFFFFD0] =	vst v0;
	v0 =	vadd.f32 v8, v6;
	v6 =	vld [tilespmem:s13+$0xFFFFFFB0]  }
0x6c: {  	s15 =	simm.s32 $0xA180;
	v8 =	vld [tilespmem:s25+$0xFFFFFFE0]  }
0x6d: {  	v5 =	vadd.f32 v5, v9;
	[tilespmem:s15+$0x0] =	vst v0;
	v0 =	vld [tilespmem:s16+$0xFFFFFFE0]  }
0x6e: {  	v61 =	vld [tilespmem:s14+$0x10]  }
0x6f: {  	[tilespmem:s15+$0xFFFFFF80] =	vst v5;
	v5 =	vld [tilespmem:s23+$0x10];
	v1 =	vadd.f32 v3, v1  }
0x70: {  	v3 =	vld [tilespmem:s14+$0xFFFFFF90]  }
0x71: {  	v4 =	vadd.f32 v6, v4;
	v6 =	vld [tilespmem:s23+$0xFFFFFF90];
	[tilespmem:s11+$0x40] =	vst v1  }
0x72: {  	v1 =	vld [tilespmem:s12+$0x50]  }
0x73: {  	[tilespmem:s11+$0xFFFFFFB0] =	vst v4;
	v0 =	vadd.f32 v0, v8;
	v4 =	vld [tilespmem:s13+$0x50]  }
0x74: {  	v5 =	vadd.f32 v5, v61;
	v8 =	vld [tilespmem:s12+$0xFFFFFFC0]  }
0x75: {  	v62 =	vld [tilespmem:s13+$0xFFFFFFC0];
	[tilespmem:s8+$0xFFFFFFE0] =	vst v0  }
0x76: {  	v3 =	vadd.f32 v6, v3;
	[tilespmem:s15+$0x10] =	vst v5;
	v0 =	vld [tilespmem:s25+$0xFFFFFFF0]  }
0x77: {  	v5 =	vld [tilespmem:s14+$0x20]  }
0x78: {  	[tilespmem:s15+$0xFFFFFF90] =	vst v3;
	v3 =	vld [tilespmem:s23+$0x20];
	v1 =	vadd.f32 v4, v1  }
0x79: {  	v6 =	vld [tilespmem:s14+$0xFFFFFFA0]  }
0x7a: {  	v10 =	vld [tilespmem:s23+$0xFFFFFFA0];
	v4 =	vadd.f32 v62, v8;
	[tilespmem:s11+$0x50] =	vst v1  }
0x7b: {  	v8 =	vld [tilespmem:s12+$0x60]  }
0x7c: {  	[tilespmem:s11+$0xFFFFFFC0] =	vst v4;
	v63 =	vld [tilespmem:s13+$0x60]  }
0x7d: {  	v4 =	vld [tilespmem:s13+$0xFFFFFFD0];
	v1 =	vadd.f32 v3, v5  }
0x7e: {  	v3 =	vld [tilespmem:s12+$0xFFFFFFD0]  }
0x7f: {  	v5 =	vadd.f32 v10, v6;
	[tilespmem:s15+$0x20] =	vst v1;
	v1 =	vld [tilespmem:s16+$0xFFFFFFF0]  }
0x80: {  	v2 =	vadd.f32 v7, v2;
	v6 =	vld [tilespmem:s14+$0x30]  }
0x81: {  	[tilespmem:s15+$0xFFFFFFA0] =	vst v5;
	v7 =	vld [tilespmem:s23+$0x30];
	v5 =	vadd.f32 v63, v8  }
0x82: {  	s24 =	simm.s32 $0x5280;
	[tilespmem:s8+$0x70] =	vst v2;
	s25 =	simm.s32 $0x7980;
	s16 =	simm.s32 $0x4;
	v2 =	vld [tilespmem:s14+$0xFFFFFFB0]  }
.LBB2_3:
0x83: {  	v8 =	vld [tilespmem:s24+$0x0];
	v3 =	vadd.f32 v4, v3;
	[tilespmem:s11+$0x60] =	vst v5  }
0x84: {  	v4 =	vld [tilespmem:s12+$0x70];
	v0 =	vadd.f32 v1, v0  }
0x85: {  	s23 =	sadd.s32 $0x100, s23;
	[tilespmem:s11+$0xFFFFFFD0] =	vst v3;
	v1 =	vld [tilespmem:s13+$0x70]  }
0x86: {  	v3 =	vld [tilespmem:s23+$0x0];
	v5 =	vadd.f32 v7, v6;
	[tilespmem:s8+$0xFFFFFFF0] =	vst v0;
	s8 =	smov.u32 s11;
	s11 =	smov.u32 s15  }
0x87: {  	v0 =	vld [tilespmem:s23+$0xFFFFFF80]  }
0x88: {  	v6 =	vld [tilespmem:s24+$0xFFFFFF80];
	[tilespmem:s15+$0x30] =	vst v5  }
0x89: {  	v5 =	vld [tilespmem:s14+$0x40]  }
0x8a: {  	v7 =	vld [tilespmem:s25+$0x40];
	v1 =	vadd.f32 v1, v4  }
0x8b: {  	v3 =	vadd.f32 v3, v8;
	v4 =	vld [tilespmem:s25+$0xFFFFFFB0]  }
0x8c: {  	s15 =	sadd.s32 $0x100, s15;
	v8 =	vld [tilespmem:s12+$0xFFFFFFE0];
	[tilespmem:s8+$0x70] =	vst v1  }
0x8d: {  	s16 =	sadd.s32 $0x2, s16;
	v0 =	vadd.f32 v0, v6;
	[tilespmem:s15+$0x0] =	vst v3;
	v1 =	vld [tilespmem:s13+$0xFFFFFFE0]  }
0x8e: {  	p1 =	slt.u32 s16, $0x4E;
	v3 =	vld [tilespmem:s24+$0x10]  }
0x8f: {  	[tilespmem:s15+$0xFFFFFF80] =	vst v0;
	v0 =	vld [tilespmem:s23+$0x10];
	v5 =	vadd.f32 v7, v5  }
0x90: {  	v6 =	vld [tilespmem:s24+$0xFFFFFF90];
	v2 =	vadd.f32 v4, v2  }
0x91: {  	v4 =	vld [tilespmem:s23+$0xFFFFFF90];
	[tilespmem:s11+$0x40] =	vst v5  }
0x92: {  	[tilespmem:s11+$0xFFFFFFB0] =	vst v2;
	v2 =	vld [tilespmem:s14+$0x50];
	v1 =	vadd.f32 v1, v8  }
0x93: {  	v5 =	vld [tilespmem:s25+$0x50]  }
0x94: {  	v0 =	vadd.f32 v0, v3;
	v3 =	vld [tilespmem:s14+$0xFFFFFFC0];
	[tilespmem:s8+$0xFFFFFFE0] =	vst v1  }
0x95: {  	v1 =	vld [tilespmem:s25+$0xFFFFFFC0]  }
0x96: {  	v4 =	vadd.f32 v4, v6;
	[tilespmem:s15+$0x10] =	vst v0;
	v0 =	vld [tilespmem:s12+$0xFFFFFFF0];
	s12 =	smov.u32 s14;
	s14 =	smov.u32 s24  }
0x97: {  	v6 =	vld [tilespmem:s24+$0x20]  }
0x98: {  	[tilespmem:s15+$0xFFFFFF90] =	vst v4;
	v4 =	vld [tilespmem:s23+$0x20];
	v2 =	vadd.f32 v5, v2  }
0x99: {  	v5 =	vld [tilespmem:s24+$0xFFFFFFA0]  }
0x9a: {  	v7 =	vld [tilespmem:s23+$0xFFFFFFA0];
	v1 =	vadd.f32 v1, v3;
	[tilespmem:s11+$0x50] =	vst v2  }
0x9b: {  	v2 =	vld [tilespmem:s12+$0x60]  }
0x9c: {  	[tilespmem:s11+$0xFFFFFFC0] =	vst v1;
	v8 =	vld [tilespmem:s25+$0x60]  }
0x9d: {  	v1 =	vadd.f32 v4, v6;
	v3 =	vld [tilespmem:s12+$0xFFFFFFD0]  }
.Ltmp0:
0x9e: {  	v4 =	vld [tilespmem:s25+$0xFFFFFFD0];
	(pc) =	sbr.rel @p1 .LBB2_3-.Ltmp0, $4  }
0x9f: {  	v5 =	vadd.f32 v7, v5;
	[tilespmem:s15+$0x20] =	vst v1;
	v1 =	vld [tilespmem:s13+$0xFFFFFFF0];
	s13 =	smov.u32 s25;
	s25 =	smov.u32 s23  }
0xa0: {  	v6 =	vld [tilespmem:s24+$0x30]  }
0xa1: {  	[tilespmem:s15+$0xFFFFFFA0] =	vst v5;
	v7 =	vld [tilespmem:s23+$0x30];
	v5 =	vadd.f32 v8, v2  }
0xa2: {  	s24 =	sadd.s32 $0x100, s24;
	v2 =	vld [tilespmem:s14+$0xFFFFFFB0]  }
0xa3: {  	v8 =	vld [tilespmem:s25+$0xFFFFFFB0];
	_ =	sdelay $0x2  }
0xa4: {  	v6 =	vadd.f32 v7, v6;
	_ =	sdelay $0x1  }
0xa5: {  	[tilespmem:s15+$0x30] =	vst v6;
	v2 =	vadd.f32 v8, v2  }
0xa6: {  	v6 =	vld [tilespmem:s14+$0x40]  }
0xa7: {  	v7 =	vld [tilespmem:s25+$0x40];
	[tilespmem:s15+$0xFFFFFFB0] =	vst v2  }
0xa8: {  	v2 =	vld [tilespmem:s14+$0xFFFFFFC0]  }
0xa9: {  	v8 =	vld [tilespmem:s25+$0xFFFFFFC0];
	_ =	sdelay $0x2  }
0xaa: {  	v6 =	vadd.f32 v7, v6;
	_ =	sdelay $0x1  }
0xab: {  	[tilespmem:s15+$0x40] =	vst v6;
	v2 =	vadd.f32 v8, v2  }
0xac: {  	v6 =	vld [tilespmem:s14+$0x50]  }
0xad: {  	v7 =	vld [tilespmem:s25+$0x50];
	[tilespmem:s15+$0xFFFFFFC0] =	vst v2  }
0xae: {  	v2 =	vld [tilespmem:s14+$0xFFFFFFD0]  }
0xaf: {  	v8 =	vld [tilespmem:s25+$0xFFFFFFD0]  }
0xb0: {  	v3 =	vadd.f32 v4, v3;
	_ =	sdelay $0x1  }
0xb1: {  	[tilespmem:s11+$0xFFFFFFD0] =	vst v3;
	v3 =	vadd.f32 v7, v6  }
0xb2: {  	v4 =	vld [tilespmem:s12+$0xFFFFFFE0]  }
0xb3: {  	v6 =	vld [tilespmem:s13+$0xFFFFFFE0];
	[tilespmem:s15+$0x50] =	vst v3;
	v2 =	vadd.f32 v8, v2  }
0xb4: {  	v3 =	vld [tilespmem:s14+$0x60]  }
0xb5: {  	v7 =	vld [tilespmem:s25+$0x60];
	[tilespmem:s15+$0xFFFFFFD0] =	vst v2  }
0xb6: {  	v2 =	vld [tilespmem:s14+$0xFFFFFFE0]  }
0xb7: {  	v8 =	vld [tilespmem:s25+$0xFFFFFFE0]  }
0xb8: {  	[tilespmem:s11+$0x60] =	vst v5;
	v4 =	vadd.f32 v6, v4  }
0xb9: {  	v5 =	vld [tilespmem:s12+$0x70]  }
0xba: {  	v6 =	vld [tilespmem:s13+$0x70];
	[tilespmem:s11+$0xFFFFFFE0] =	vst v4;
	v3 =	vadd.f32 v7, v3  }
0xbb: {  	v4 =	vld [tilespmem:s12+$0xFFFFFFF0]  }
0xbc: {  	v7 =	vld [tilespmem:s13+$0xFFFFFFF0];
	[tilespmem:s15+$0x60] =	vst v3;
	v2 =	vadd.f32 v8, v2  }
0xbd: {  	v3 =	vld [tilespmem:s14+$0x70]  }
0xbe: {  	v8 =	vld [tilespmem:s25+$0x70];
	[tilespmem:s15+$0xFFFFFFE0] =	vst v2  }
0xbf: {  	v2 =	vld [tilespmem:s14+$0xFFFFFFF0]  }
0xc0: {  	v9 =	vld [tilespmem:s25+$0xFFFFFFF0]  }
0xc1: {  	v0 =	vadd.f32 v1, v0  }
0xc2: {  	v1 =	vadd.f32 v6, v5  }
0xc3: {  	[tilespmem:s8+$0xFFFFFFF0] =	vst v0;
	s8 =	smul.u32 $0xF0, s7;
	v0 =	vadd.f32 v7, v4  }
0xc4: {  	[tilespmem:s11+$0x70] =	vst v1;
	v1 =	vadd.f32 v8, v3  }
0xc5: {  	s24 =	sadd.s32 s4, s8;
	[tilespmem:s11+$0xFFFFFFF0] =	vst v0;
	v0 =	vadd.f32 v9, v2  }
0xc6: {  	s11 =	sshll.u32 s24, $0x4;
	[tilespmem:s15+$0x70] =	vst v1  }
0xc7: {  	s11 =	sadd.s32 s6, s11;
	[tilespmem:s15+$0xFFFFFFF0] =	vst v0  }
0xc8: {  	[hbm4b:s11+s3] =	stream.linear.scatter [tilespmem:s29], [sflag:$0x4], $0x2800, $0x38;
	[tilespmem:$0x1B700] =	vst v63  }
0xc9: {  	s25 =	sadd.s32 $0xF0, s8  }
0xca: {  	[tilespmem:s18], [sflag:$0x1] =	stream.indirect.gather [hbm4b:s2+s17], $0x80, s25, s17, $0xb8;
	[tilespmem:$0x1B700] =	vst v63  }
0xcb: {  	s26 =	sadd.s32 $0x2870, s8  }
0xcc: {  	[tilespmem:s19], [sflag:$0x1] =	stream.indirect.gather [hbm4b:s5+s17], $0x80, s26, s17, $0xb8;
	[tilespmem:$0x1B700] =	vst v63  }
0xcd: {  	_ =	swait.ge [sflag:s30], $0x2800  }
0xce: {  	[sflag:s30] =	ssyncset.done $0x0  }
0xcf: {  	[sflag:s30] =	ssyncadd.s32 $0xFFFFD800  }
0xd0: {  	_ =	swait.ge [sflag:s30], $0x2800  }
0xd1: {  	[sflag:s30] =	ssyncset.done $0x0  }
0xd2: {  	s11 =	simm.s32 @!p0 $0x5;
	[sflag:s30] =	ssyncadd.s32 $0xFFFFD800  }
0xd3: {  	_ =	swait.ge @!p0 [sflag:s11], $0x2800  }
0xd4: {  	[sflag:s11] =	ssyncset.done @!p0 $0x0  }
0xd5: {  	s24 =	simm.s32 $0xC780;
	[sflag:s11] =	ssyncadd.s32 @!p0 $0xFFFFD800  }
0xd6: {  	s16 =	simm.s32 $0xEF80;
	v0 =	vld [tilespmem:s24+$0x0]  }
0xd7: {  	v1 =	vld [tilespmem:s16+$0x0];
	_ =	sdelay $0x4  }
0xd8: {  	v0 =	vadd.f32 v1, v0  }
0xd9: {  	s11 =	simm.s32 $0x11780  }
0xda: {  	[tilespmem:s11+$0x0] =	vst v0  }
0xdb: {  	v0 =	vld [tilespmem:s24+$0x10]  }
0xdc: {  	v1 =	vld [tilespmem:s16+$0x10]  }
0xdd: {  	v2 =	vld [tilespmem:s16+$0xFFFFFF80]  }
0xde: {  	v3 =	vld [tilespmem:s24+$0xFFFFFF80];
	_ =	sdelay $0x2  }
0xdf: {  	v0 =	vadd.f32 v1, v0;
	_ =	sdelay $0x1  }
0xe0: {  	[tilespmem:s11+$0x10] =	vst v0;
	v0 =	vadd.f32 v2, v3  }
0xe1: {  	v1 =	vld [tilespmem:s24+$0x20]  }
0xe2: {  	v2 =	vld [tilespmem:s16+$0x20];
	[tilespmem:s11+$0xFFFFFF80] =	vst v0  }
0xe3: {  	v0 =	vld [tilespmem:s24+$0xFFFFFF90]  }
0xe4: {  	v3 =	vld [tilespmem:s16+$0xFFFFFF90];
	_ =	sdelay $0x2  }
0xe5: {  	v1 =	vadd.f32 v2, v1;
	_ =	sdelay $0x1  }
0xe6: {  	[tilespmem:s11+$0x20] =	vst v1;
	v0 =	vadd.f32 v3, v0  }
0xe7: {  	v1 =	vld [tilespmem:s24+$0x30]  }
0xe8: {  	v2 =	vld [tilespmem:s16+$0x30];
	[tilespmem:s11+$0xFFFFFF90] =	vst v0  }
0xe9: {  	v0 =	vld [tilespmem:s24+$0xFFFFFFA0]  }
0xea: {  	s13 =	simm.s32 $0xC880;
	v3 =	vld [tilespmem:s16+$0xFFFFFFA0]  }
0xeb: {  	s14 =	simm.s32 $0xF080;
	v4 =	vld [tilespmem:s13+$0x0]  }
0xec: {  	v5 =	vld [tilespmem:s14+$0x0]  }
0xed: {  	v6 =	vld [tilespmem:s13+$0xFFFFFF80];
	v1 =	vadd.f32 v2, v1  }
0xee: {  	v2 =	vld [tilespmem:s14+$0xFFFFFF80]  }
0xef: {  	[tilespmem:s11+$0x30] =	vst v1;
	v0 =	vadd.f32 v3, v0  }
0xf0: {  	v1 =	vld [tilespmem:s24+$0x40]  }
0xf1: {  	v3 =	vld [tilespmem:s16+$0x40];
	[tilespmem:s11+$0xFFFFFFA0] =	vst v0;
	v0 =	vadd.f32 v5, v4  }
0xf2: {  	s12 =	simm.s32 $0x11880;
	v4 =	vld [tilespmem:s24+$0xFFFFFFB0]  }
0xf3: {  	v5 =	vld [tilespmem:s16+$0xFFFFFFB0];
	v2 =	vadd.f32 v2, v6;
	[tilespmem:s12+$0x0] =	vst v0  }
0xf4: {  	v0 =	vld [tilespmem:s13+$0x10]  }
0xf5: {  	[tilespmem:s12+$0xFFFFFF80] =	vst v2;
	v2 =	vld [tilespmem:s14+$0x10]  }
0xf6: {  	v1 =	vadd.f32 v3, v1;
	v3 =	vld [tilespmem:s13+$0xFFFFFF90]  }
0xf7: {  	v6 =	vld [tilespmem:s14+$0xFFFFFF90]  }
0xf8: {  	[tilespmem:s11+$0x40] =	vst v1;
	v1 =	vadd.f32 v5, v4  }
0xf9: {  	v4 =	vld [tilespmem:s24+$0x50]  }
0xfa: {  	v5 =	vld [tilespmem:s16+$0x50];
	[tilespmem:s11+$0xFFFFFFB0] =	vst v1;
	v0 =	vadd.f32 v2, v0  }
0xfb: {  	v1 =	vld [tilespmem:s24+$0xFFFFFFC0]  }
0xfc: {  	v2 =	vld [tilespmem:s16+$0xFFFFFFC0];
	v3 =	vadd.f32 v6, v3;
	[tilespmem:s12+$0x10] =	vst v0  }
0xfd: {  	v0 =	vld [tilespmem:s13+$0x20]  }
0xfe: {  	[tilespmem:s12+$0xFFFFFF90] =	vst v3;
	v3 =	vld [tilespmem:s14+$0x20]  }
0xff: {  	v4 =	vadd.f32 v5, v4;
	v5 =	vld [tilespmem:s13+$0xFFFFFFA0]  }
0x100: {  	v6 =	vld [tilespmem:s14+$0xFFFFFFA0]  }
0x101: {  	s25 =	simm.s32 $0xF180  }
0x102: {  	v8 =	vld [tilespmem:s25+$0x0];
	[tilespmem:s11+$0x50] =	vst v4  }
0x103: {  	v1 =	vadd.f32 v2, v1;
	v2 =	vld [tilespmem:s24+$0x60];
	v0 =	vadd.f32 v3, v0  }
0x104: {  	s15 =	simm.s32 $0xC980;
	v4 =	vld [tilespmem:s16+$0x60]  }
0x105: {  	v60 =	vld [tilespmem:s15+$0xFFFFFF80];
	v5 =	vadd.f32 v6, v5;
	[tilespmem:s12+$0x20] =	vst v0  }
0x106: {  	[tilespmem:s11+$0xFFFFFFC0] =	vst v1;
	v0 =	vld [tilespmem:s13+$0x30]  }
0x107: {  	[tilespmem:s12+$0xFFFFFFA0] =	vst v5;
	v5 =	vld [tilespmem:s14+$0x30]  }
0x108: {  	v1 =	vld [tilespmem:s24+$0xFFFFFFD0]  }
0x109: {  	v3 =	vld [tilespmem:s16+$0xFFFFFFD0];
	v2 =	vadd.f32 v4, v2  }
0x10a: {  	v6 =	vld [tilespmem:s15+$0x0]  }
0x10b: {  	v4 =	vld [tilespmem:s13+$0xFFFFFFB0];
	[tilespmem:s11+$0x60] =	vst v2  }
0x10c: {  	v2 =	vld [tilespmem:s24+$0x70];
	v0 =	vadd.f32 v5, v0  }
0x10d: {  	v7 =	vld [tilespmem:s16+$0x70]  }
0x10e: {  	v5 =	vld [tilespmem:s25+$0xFFFFFF80];
	[tilespmem:s12+$0x30] =	vst v0  }
0x10f: {  	v0 =	vadd.f32 v3, v1;
	v1 =	vld [tilespmem:s13+$0x40]  }
0x110: {  	v3 =	vld [tilespmem:s14+$0x40]  }
0x111: {  	[tilespmem:s11+$0xFFFFFFD0] =	vst v0;
	v0 =	vadd.f32 v8, v6;
	v6 =	vld [tilespmem:s14+$0xFFFFFFB0]  }
0x112: {  	s23 =	simm.s32 $0x11980;
	v8 =	vld [tilespmem:s24+$0xFFFFFFE0]  }
0x113: {  	v5 =	vadd.f32 v5, v60;
	[tilespmem:s23+$0x0] =	vst v0;
	v0 =	vld [tilespmem:s16+$0xFFFFFFE0]  }
0x114: {  	v61 =	vld [tilespmem:s15+$0x10]  }
0x115: {  	[tilespmem:s23+$0xFFFFFF80] =	vst v5;
	v5 =	vld [tilespmem:s25+$0x10];
	v1 =	vadd.f32 v3, v1  }
0x116: {  	v3 =	vld [tilespmem:s15+$0xFFFFFF90]  }
0x117: {  	v4 =	vadd.f32 v6, v4;
	v6 =	vld [tilespmem:s25+$0xFFFFFF90];
	[tilespmem:s12+$0x40] =	vst v1  }
0x118: {  	v1 =	vld [tilespmem:s13+$0x50]  }
0x119: {  	[tilespmem:s12+$0xFFFFFFB0] =	vst v4;
	v0 =	vadd.f32 v0, v8;
	v4 =	vld [tilespmem:s14+$0x50]  }
0x11a: {  	v5 =	vadd.f32 v5, v61;
	v8 =	vld [tilespmem:s13+$0xFFFFFFC0]  }
0x11b: {  	v62 =	vld [tilespmem:s14+$0xFFFFFFC0];
	[tilespmem:s11+$0xFFFFFFE0] =	vst v0  }
0x11c: {  	v3 =	vadd.f32 v6, v3;
	[tilespmem:s23+$0x10] =	vst v5;
	v0 =	vld [tilespmem:s24+$0xFFFFFFF0]  }
0x11d: {  	v5 =	vld [tilespmem:s15+$0x20]  }
0x11e: {  	[tilespmem:s23+$0xFFFFFF90] =	vst v3;
	v3 =	vld [tilespmem:s25+$0x20];
	v1 =	vadd.f32 v4, v1  }
0x11f: {  	v6 =	vld [tilespmem:s15+$0xFFFFFFA0]  }
0x120: {  	v10 =	vld [tilespmem:s25+$0xFFFFFFA0];
	v4 =	vadd.f32 v62, v8;
	[tilespmem:s12+$0x50] =	vst v1  }
0x121: {  	v8 =	vld [tilespmem:s13+$0x60]  }
0x122: {  	[tilespmem:s12+$0xFFFFFFC0] =	vst v4;
	v63 =	vld [tilespmem:s14+$0x60]  }
0x123: {  	v4 =	vld [tilespmem:s14+$0xFFFFFFD0];
	v1 =	vadd.f32 v3, v5  }
0x124: {  	v3 =	vld [tilespmem:s13+$0xFFFFFFD0]  }
0x125: {  	v5 =	vadd.f32 v10, v6;
	[tilespmem:s23+$0x20] =	vst v1;
	v1 =	vld [tilespmem:s16+$0xFFFFFFF0]  }
0x126: {  	v2 =	vadd.f32 v7, v2;
	v6 =	vld [tilespmem:s15+$0x30]  }
0x127: {  	[tilespmem:s23+$0xFFFFFFA0] =	vst v5;
	v7 =	vld [tilespmem:s25+$0x30];
	v5 =	vadd.f32 v63, v8  }
0x128: {  	s26 =	simm.s32 $0xCA80;
	[tilespmem:s11+$0x70] =	vst v2;
	s24 =	simm.s32 $0x4;
	s16 =	simm.s32 $0xF180;
	v2 =	vld [tilespmem:s15+$0xFFFFFFB0]  }
.LBB2_5:
0x129: {  	v8 =	vld [tilespmem:s26+$0x0];
	v3 =	vadd.f32 v4, v3;
	[tilespmem:s12+$0x60] =	vst v5  }
0x12a: {  	v4 =	vld [tilespmem:s13+$0x70];
	v0 =	vadd.f32 v1, v0  }
0x12b: {  	s25 =	sadd.s32 $0x100, s25;
	[tilespmem:s12+$0xFFFFFFD0] =	vst v3;
	v1 =	vld [tilespmem:s14+$0x70]  }
0x12c: {  	v3 =	vld [tilespmem:s25+$0x0];
	v5 =	vadd.f32 v7, v6;
	[tilespmem:s11+$0xFFFFFFF0] =	vst v0;
	s11 =	smov.u32 s12;
	s12 =	smov.u32 s23  }
0x12d: {  	v0 =	vld [tilespmem:s25+$0xFFFFFF80]  }
0x12e: {  	v6 =	vld [tilespmem:s26+$0xFFFFFF80];
	[tilespmem:s23+$0x30] =	vst v5  }
0x12f: {  	v5 =	vld [tilespmem:s15+$0x40]  }
0x130: {  	v7 =	vld [tilespmem:s16+$0x40];
	v1 =	vadd.f32 v1, v4  }
0x131: {  	v3 =	vadd.f32 v3, v8;
	v4 =	vld [tilespmem:s16+$0xFFFFFFB0]  }
0x132: {  	s23 =	sadd.s32 $0x100, s23;
	v8 =	vld [tilespmem:s13+$0xFFFFFFE0];
	[tilespmem:s11+$0x70] =	vst v1  }
0x133: {  	s24 =	sadd.s32 $0x2, s24;
	v0 =	vadd.f32 v0, v6;
	[tilespmem:s23+$0x0] =	vst v3;
	v1 =	vld [tilespmem:s14+$0xFFFFFFE0]  }
0x134: {  	p1 =	slt.u32 s24, $0x4E;
	v3 =	vld [tilespmem:s26+$0x10]  }
0x135: {  	[tilespmem:s23+$0xFFFFFF80] =	vst v0;
	v0 =	vld [tilespmem:s25+$0x10];
	v5 =	vadd.f32 v7, v5  }
0x136: {  	v6 =	vld [tilespmem:s26+$0xFFFFFF90];
	v2 =	vadd.f32 v4, v2  }
0x137: {  	v4 =	vld [tilespmem:s25+$0xFFFFFF90];
	[tilespmem:s12+$0x40] =	vst v5  }
0x138: {  	[tilespmem:s12+$0xFFFFFFB0] =	vst v2;
	v2 =	vld [tilespmem:s15+$0x50];
	v1 =	vadd.f32 v1, v8  }
0x139: {  	v5 =	vld [tilespmem:s16+$0x50]  }
0x13a: {  	v0 =	vadd.f32 v0, v3;
	v3 =	vld [tilespmem:s15+$0xFFFFFFC0];
	[tilespmem:s11+$0xFFFFFFE0] =	vst v1  }
0x13b: {  	v1 =	vld [tilespmem:s16+$0xFFFFFFC0]  }
0x13c: {  	v4 =	vadd.f32 v4, v6;
	[tilespmem:s23+$0x10] =	vst v0;
	v0 =	vld [tilespmem:s13+$0xFFFFFFF0];
	s13 =	smov.u32 s15;
	s15 =	smov.u32 s26  }
0x13d: {  	v6 =	vld [tilespmem:s26+$0x20]  }
0x13e: {  	[tilespmem:s23+$0xFFFFFF90] =	vst v4;
	v4 =	vld [tilespmem:s25+$0x20];
	v2 =	vadd.f32 v5, v2  }
0x13f: {  	v5 =	vld [tilespmem:s26+$0xFFFFFFA0]  }
0x140: {  	v7 =	vld [tilespmem:s25+$0xFFFFFFA0];
	v1 =	vadd.f32 v1, v3;
	[tilespmem:s12+$0x50] =	vst v2  }
0x141: {  	v2 =	vld [tilespmem:s13+$0x60]  }
0x142: {  	[tilespmem:s12+$0xFFFFFFC0] =	vst v1;
	v8 =	vld [tilespmem:s16+$0x60]  }
0x143: {  	v1 =	vadd.f32 v4, v6;
	v3 =	vld [tilespmem:s13+$0xFFFFFFD0]  }
.Ltmp1:
0x144: {  	v4 =	vld [tilespmem:s16+$0xFFFFFFD0];
	(pc) =	sbr.rel @p1 .LBB2_5-.Ltmp1, $4  }
0x145: {  	v5 =	vadd.f32 v7, v5;
	[tilespmem:s23+$0x20] =	vst v1;
	v1 =	vld [tilespmem:s14+$0xFFFFFFF0];
	s14 =	smov.u32 s16;
	s16 =	smov.u32 s25  }
0x146: {  	v6 =	vld [tilespmem:s26+$0x30]  }
0x147: {  	[tilespmem:s23+$0xFFFFFFA0] =	vst v5;
	v7 =	vld [tilespmem:s25+$0x30];
	v5 =	vadd.f32 v8, v2  }
0x148: {  	s26 =	sadd.s32 $0x100, s26;
	v2 =	vld [tilespmem:s15+$0xFFFFFFB0]  }
0x149: {  	v8 =	vld [tilespmem:s16+$0xFFFFFFB0];
	_ =	sdelay $0x2  }
0x14a: {  	v6 =	vadd.f32 v7, v6;
	_ =	sdelay $0x1  }
0x14b: {  	[tilespmem:s23+$0x30] =	vst v6;
	v2 =	vadd.f32 v8, v2  }
0x14c: {  	v6 =	vld [tilespmem:s15+$0x40]  }
0x14d: {  	v48 =	vld [tilespmem:s16+$0x40];
	[tilespmem:s23+$0xFFFFFFB0] =	vst v2  }
0x14e: {  	v2 =	vld [tilespmem:s15+$0xFFFFFFC0]  }
0x14f: {  	v49 =	vld [tilespmem:s16+$0xFFFFFFC0];
	_ =	sdelay $0x2  }
0x150: {  	v6 =	vadd.f32 v48, v6;
	_ =	sdelay $0x1  }
0x151: {  	[tilespmem:s23+$0x40] =	vst v6;
	v2 =	vadd.f32 v49, v2  }
0x152: {  	v6 =	vld [tilespmem:s15+$0x50]  }
0x153: {  	v50 =	vld [tilespmem:s16+$0x50];
	[tilespmem:s23+$0xFFFFFFC0] =	vst v2  }
0x154: {  	v2 =	vld [tilespmem:s15+$0xFFFFFFD0]  }
0x155: {  	v51 =	vld [tilespmem:s16+$0xFFFFFFD0]  }
0x156: {  	v3 =	vadd.f32 v4, v3;
	_ =	sdelay $0x1  }
0x157: {  	[tilespmem:s12+$0xFFFFFFD0] =	vst v3;
	v52 =	vadd.f32 v50, v6  }
0x158: {  	v53 =	vld [tilespmem:s13+$0xFFFFFFE0]  }
0x159: {  	v54 =	vld [tilespmem:s14+$0xFFFFFFE0];
	[tilespmem:s23+$0x50] =	vst v52;
	v2 =	vadd.f32 v51, v2  }
0x15a: {  	v3 =	vld [tilespmem:s15+$0x60]  }
0x15b: {  	v55 =	vld [tilespmem:s16+$0x60];
	[tilespmem:s23+$0xFFFFFFD0] =	vst v2  }
0x15c: {  	v2 =	vld [tilespmem:s15+$0xFFFFFFE0]  }
0x15d: {  	v56 =	vld [tilespmem:s16+$0xFFFFFFE0]  }
0x15e: {  	[tilespmem:s12+$0x60] =	vst v5;
	v4 =	vadd.f32 v54, v53  }
0x15f: {  	v5 =	vld [tilespmem:s13+$0x70]  }
0x160: {  	v57 =	vld [tilespmem:s14+$0x70];
	[tilespmem:s12+$0xFFFFFFE0] =	vst v4;
	v3 =	vadd.f32 v55, v3  }
0x161: {  	v4 =	vld [tilespmem:s13+$0xFFFFFFF0]  }
0x162: {  	v58 =	vld [tilespmem:s14+$0xFFFFFFF0];
	[tilespmem:s23+$0x60] =	vst v3;
	v2 =	vadd.f32 v56, v2  }
0x163: {  	v3 =	vld [tilespmem:s15+$0x70]  }
0x164: {  	v59 =	vld [tilespmem:s16+$0x70];
	[tilespmem:s23+$0xFFFFFFE0] =	vst v2  }
0x165: {  	v2 =	vld [tilespmem:s15+$0xFFFFFFF0]  }
0x166: {  	v9 =	vld [tilespmem:s16+$0xFFFFFFF0]  }
0x167: {  	v0 =	vadd.f32 v1, v0  }
0x168: {  	v60 =	vadd.f32 v57, v5  }
0x169: {  	[tilespmem:s11+$0xFFFFFFF0] =	vst v0;
	v61 =	vadd.f32 v58, v4  }
0x16a: {  	[tilespmem:s12+$0x70] =	vst v60;
	v62 =	vadd.f32 v59, v3  }
0x16b: {  	s24 =	sadd.s32 s8, s9;
	[tilespmem:s12+$0xFFFFFFF0] =	vst v61;
	v63 =	vadd.f32 v9, v2  }
0x16c: {  	s11 =	sshll.u32 s24, $0x4;
	[tilespmem:s23+$0x70] =	vst v62  }
0x16d: {  	s11 =	sadd.s32 s6, s11;
	[tilespmem:s23+$0xFFFFFFF0] =	vst v63  }
0x16e: {  	[hbm4b:s11+s3] =	stream.linear.scatter [tilespmem:s31], [sflag:$0x5], $0x2800, $0x38;
	[tilespmem:$0x1B700] =	vst v63  }
0x16f: {  	s25 =	sadd.s32 $0x140, s8  }
0x170: {  	[tilespmem:s20], [sflag:$0x2] =	stream.indirect.gather [hbm4b:s2+s17], $0x80, s25, s17, $0xb8;
	[tilespmem:$0x1B700] =	vst v63  }
0x171: {  	s26 =	sadd.s32 $0x28C0, s8  }
0x172: {  	[tilespmem:s22], [sflag:$0x2] =	stream.indirect.gather [hbm4b:s5+s17], $0x80, s26, s17, $0xb8;
	[tilespmem:$0x1B700] =	vst v63  }
0x173: {  	_ =	swait.ge [sflag:s1], $0x2800  }
.Ltmp2:
0x174: {  	[sflag:s1] =	ssyncset.done $0x0;
	(pc) =	sbr.rel @p0 .LBB2_9-.Ltmp2, $4  }
0x175: {  	[sflag:s1] =	ssyncadd.s32 $0xFFFFD800  }
0x176: {  	_ =	swait.ge [sflag:s1], $0x2800  }
0x177: {  	[sflag:s1] =	ssyncset.done $0x0  }
0x178: {  	[sflag:s1] =	ssyncadd.s32 $0xFFFFD800  }
0x179: {  	p0 =	seq.s32 s7, $0x28  }
.Ltmp3:
0x17a: {  	_ = 	snop;
	(pc) =	sbr.rel @p0 .LBB2_12-.Ltmp3, $1  }
0x17b: {  	_ =	sdelay $0x3  }
0x17c: {  	_ =	swait.ge [sflag:s21], $0x2800  }
0x17d: {  	[sflag:s21] =	ssyncset.done $0x0  }
0x17e: {  	[sflag:s21] =	ssyncadd.s32 $0xFFFFD800  }
.LBB2_9:
0x17f: {  	s24 =	simm.s32 $0x13F80  }
0x180: {  	s16 =	simm.s32 $0x16780;
	v0 =	vld [tilespmem:s24+$0x0]  }
0x181: {  	v1 =	vld [tilespmem:s16+$0x0];
	_ =	sdelay $0x4  }
0x182: {  	v0 =	vadd.f32 v1, v0  }
0x183: {  	s11 =	simm.s32 $0x18F80  }
0x184: {  	[tilespmem:s11+$0x0] =	vst v0  }
0x185: {  	v0 =	vld [tilespmem:s24+$0x10]  }
0x186: {  	v1 =	vld [tilespmem:s16+$0x10]  }
0x187: {  	v2 =	vld [tilespmem:s16+$0xFFFFFF80]  }
0x188: {  	v3 =	vld [tilespmem:s24+$0xFFFFFF80];
	_ =	sdelay $0x2  }
0x189: {  	v0 =	vadd.f32 v1, v0;
	_ =	sdelay $0x1  }
0x18a: {  	[tilespmem:s11+$0x10] =	vst v0;
	v0 =	vadd.f32 v2, v3  }
0x18b: {  	v1 =	vld [tilespmem:s24+$0x20]  }
0x18c: {  	v2 =	vld [tilespmem:s16+$0x20];
	[tilespmem:s11+$0xFFFFFF80] =	vst v0  }
0x18d: {  	v0 =	vld [tilespmem:s24+$0xFFFFFF90]  }
0x18e: {  	v3 =	vld [tilespmem:s16+$0xFFFFFF90];
	_ =	sdelay $0x2  }
0x18f: {  	v1 =	vadd.f32 v2, v1;
	_ =	sdelay $0x1  }
0x190: {  	[tilespmem:s11+$0x20] =	vst v1;
	v0 =	vadd.f32 v3, v0  }
0x191: {  	v1 =	vld [tilespmem:s24+$0x30]  }
0x192: {  	v2 =	vld [tilespmem:s16+$0x30];
	[tilespmem:s11+$0xFFFFFF90] =	vst v0  }
0x193: {  	v0 =	vld [tilespmem:s24+$0xFFFFFFA0]  }
0x194: {  	s13 =	simm.s32 $0x14080;
	v3 =	vld [tilespmem:s16+$0xFFFFFFA0]  }
0x195: {  	s14 =	simm.s32 $0x16880;
	v4 =	vld [tilespmem:s13+$0x0]  }
0x196: {  	v5 =	vld [tilespmem:s14+$0x0]  }
0x197: {  	v6 =	vld [tilespmem:s13+$0xFFFFFF80];
	v1 =	vadd.f32 v2, v1  }
0x198: {  	v2 =	vld [tilespmem:s14+$0xFFFFFF80]  }
0x199: {  	[tilespmem:s11+$0x30] =	vst v1;
	v0 =	vadd.f32 v3, v0  }
0x19a: {  	v1 =	vld [tilespmem:s24+$0x40]  }
0x19b: {  	v3 =	vld [tilespmem:s16+$0x40];
	[tilespmem:s11+$0xFFFFFFA0] =	vst v0;
	v0 =	vadd.f32 v5, v4  }
0x19c: {  	s12 =	simm.s32 $0x19080;
	v4 =	vld [tilespmem:s24+$0xFFFFFFB0]  }
0x19d: {  	v5 =	vld [tilespmem:s16+$0xFFFFFFB0];
	v2 =	vadd.f32 v2, v6;
	[tilespmem:s12+$0x0] =	vst v0  }
0x19e: {  	v0 =	vld [tilespmem:s13+$0x10]  }
0x19f: {  	[tilespmem:s12+$0xFFFFFF80] =	vst v2;
	v2 =	vld [tilespmem:s14+$0x10]  }
0x1a0: {  	v1 =	vadd.f32 v3, v1;
	v3 =	vld [tilespmem:s13+$0xFFFFFF90]  }
0x1a1: {  	v6 =	vld [tilespmem:s14+$0xFFFFFF90]  }
0x1a2: {  	[tilespmem:s11+$0x40] =	vst v1;
	v1 =	vadd.f32 v5, v4  }
0x1a3: {  	v4 =	vld [tilespmem:s24+$0x50]  }
0x1a4: {  	v5 =	vld [tilespmem:s16+$0x50];
	[tilespmem:s11+$0xFFFFFFB0] =	vst v1;
	v0 =	vadd.f32 v2, v0  }
0x1a5: {  	v1 =	vld [tilespmem:s24+$0xFFFFFFC0]  }
0x1a6: {  	v2 =	vld [tilespmem:s16+$0xFFFFFFC0];
	v3 =	vadd.f32 v6, v3;
	[tilespmem:s12+$0x10] =	vst v0  }
0x1a7: {  	v0 =	vld [tilespmem:s13+$0x20]  }
0x1a8: {  	[tilespmem:s12+$0xFFFFFF90] =	vst v3;
	v3 =	vld [tilespmem:s14+$0x20]  }
0x1a9: {  	v4 =	vadd.f32 v5, v4;
	v5 =	vld [tilespmem:s13+$0xFFFFFFA0]  }
0x1aa: {  	v6 =	vld [tilespmem:s14+$0xFFFFFFA0]  }
0x1ab: {  	s25 =	simm.s32 $0x16980  }
0x1ac: {  	v8 =	vld [tilespmem:s25+$0x0];
	[tilespmem:s11+$0x50] =	vst v4  }
0x1ad: {  	v1 =	vadd.f32 v2, v1;
	v2 =	vld [tilespmem:s24+$0x60];
	v0 =	vadd.f32 v3, v0  }
0x1ae: {  	s15 =	simm.s32 $0x14180;
	v4 =	vld [tilespmem:s16+$0x60]  }
0x1af: {  	v9 =	vld [tilespmem:s15+$0xFFFFFF80];
	v5 =	vadd.f32 v6, v5;
	[tilespmem:s12+$0x20] =	vst v0  }
0x1b0: {  	[tilespmem:s11+$0xFFFFFFC0] =	vst v1;
	v0 =	vld [tilespmem:s13+$0x30]  }
0x1b1: {  	[tilespmem:s12+$0xFFFFFFA0] =	vst v5;
	v5 =	vld [tilespmem:s14+$0x30]  }
0x1b2: {  	v1 =	vld [tilespmem:s24+$0xFFFFFFD0]  }
0x1b3: {  	v3 =	vld [tilespmem:s16+$0xFFFFFFD0];
	v2 =	vadd.f32 v4, v2  }
0x1b4: {  	v6 =	vld [tilespmem:s15+$0x0]  }
0x1b5: {  	v4 =	vld [tilespmem:s13+$0xFFFFFFB0];
	[tilespmem:s11+$0x60] =	vst v2  }
0x1b6: {  	v2 =	vld [tilespmem:s24+$0x70];
	v0 =	vadd.f32 v5, v0  }
0x1b7: {  	v7 =	vld [tilespmem:s16+$0x70]  }
0x1b8: {  	v5 =	vld [tilespmem:s25+$0xFFFFFF80];
	[tilespmem:s12+$0x30] =	vst v0  }
0x1b9: {  	v0 =	vadd.f32 v3, v1;
	v1 =	vld [tilespmem:s13+$0x40]  }
0x1ba: {  	v3 =	vld [tilespmem:s14+$0x40]  }
0x1bb: {  	[tilespmem:s11+$0xFFFFFFD0] =	vst v0;
	v0 =	vadd.f32 v8, v6;
	v6 =	vld [tilespmem:s14+$0xFFFFFFB0]  }
0x1bc: {  	s23 =	simm.s32 $0x19180;
	v8 =	vld [tilespmem:s24+$0xFFFFFFE0]  }
0x1bd: {  	v5 =	vadd.f32 v5, v9;
	[tilespmem:s23+$0x0] =	vst v0;
	v0 =	vld [tilespmem:s16+$0xFFFFFFE0]  }
0x1be: {  	v61 =	vld [tilespmem:s15+$0x10]  }
0x1bf: {  	[tilespmem:s23+$0xFFFFFF80] =	vst v5;
	v5 =	vld [tilespmem:s25+$0x10];
	v1 =	vadd.f32 v3, v1  }
0x1c0: {  	v3 =	vld [tilespmem:s15+$0xFFFFFF90]  }
0x1c1: {  	v4 =	vadd.f32 v6, v4;
	v6 =	vld [tilespmem:s25+$0xFFFFFF90];
	[tilespmem:s12+$0x40] =	vst v1  }
0x1c2: {  	v1 =	vld [tilespmem:s13+$0x50]  }
0x1c3: {  	[tilespmem:s12+$0xFFFFFFB0] =	vst v4;
	v0 =	vadd.f32 v0, v8;
	v4 =	vld [tilespmem:s14+$0x50]  }
0x1c4: {  	v5 =	vadd.f32 v5, v61;
	v8 =	vld [tilespmem:s13+$0xFFFFFFC0]  }
0x1c5: {  	v62 =	vld [tilespmem:s14+$0xFFFFFFC0];
	[tilespmem:s11+$0xFFFFFFE0] =	vst v0  }
0x1c6: {  	v3 =	vadd.f32 v6, v3;
	[tilespmem:s23+$0x10] =	vst v5;
	v0 =	vld [tilespmem:s24+$0xFFFFFFF0]  }
0x1c7: {  	v5 =	vld [tilespmem:s15+$0x20]  }
0x1c8: {  	[tilespmem:s23+$0xFFFFFF90] =	vst v3;
	v3 =	vld [tilespmem:s25+$0x20];
	v1 =	vadd.f32 v4, v1  }
0x1c9: {  	v6 =	vld [tilespmem:s15+$0xFFFFFFA0]  }
0x1ca: {  	v10 =	vld [tilespmem:s25+$0xFFFFFFA0];
	v4 =	vadd.f32 v62, v8;
	[tilespmem:s12+$0x50] =	vst v1  }
0x1cb: {  	v8 =	vld [tilespmem:s13+$0x60]  }
0x1cc: {  	[tilespmem:s12+$0xFFFFFFC0] =	vst v4;
	v63 =	vld [tilespmem:s14+$0x60]  }
0x1cd: {  	v4 =	vld [tilespmem:s14+$0xFFFFFFD0];
	v1 =	vadd.f32 v3, v5  }
0x1ce: {  	v3 =	vld [tilespmem:s13+$0xFFFFFFD0]  }
0x1cf: {  	v5 =	vadd.f32 v10, v6;
	[tilespmem:s23+$0x20] =	vst v1;
	v1 =	vld [tilespmem:s16+$0xFFFFFFF0]  }
0x1d0: {  	v2 =	vadd.f32 v7, v2;
	v6 =	vld [tilespmem:s15+$0x30]  }
0x1d1: {  	[tilespmem:s23+$0xFFFFFFA0] =	vst v5;
	v7 =	vld [tilespmem:s25+$0x30];
	v5 =	vadd.f32 v63, v8  }
0x1d2: {  	s26 =	simm.s32 $0x14280;
	[tilespmem:s11+$0x70] =	vst v2;
	s24 =	simm.s32 $0x4;
	s16 =	simm.s32 $0x16980;
	v2 =	vld [tilespmem:s15+$0xFFFFFFB0]  }
.LBB2_10:
0x1d3: {  	v8 =	vld [tilespmem:s26+$0x0];
	v3 =	vadd.f32 v4, v3;
	[tilespmem:s12+$0x60] =	vst v5  }
0x1d4: {  	v4 =	vld [tilespmem:s13+$0x70];
	v0 =	vadd.f32 v1, v0  }
0x1d5: {  	s25 =	sadd.s32 $0x100, s25;
	[tilespmem:s12+$0xFFFFFFD0] =	vst v3;
	v1 =	vld [tilespmem:s14+$0x70]  }
0x1d6: {  	v3 =	vld [tilespmem:s25+$0x0];
	v5 =	vadd.f32 v7, v6;
	[tilespmem:s11+$0xFFFFFFF0] =	vst v0;
	s11 =	smov.u32 s12;
	s12 =	smov.u32 s23  }
0x1d7: {  	v0 =	vld [tilespmem:s25+$0xFFFFFF80]  }
0x1d8: {  	v6 =	vld [tilespmem:s26+$0xFFFFFF80];
	[tilespmem:s23+$0x30] =	vst v5  }
0x1d9: {  	v5 =	vld [tilespmem:s15+$0x40]  }
0x1da: {  	v7 =	vld [tilespmem:s16+$0x40];
	v1 =	vadd.f32 v1, v4  }
0x1db: {  	v3 =	vadd.f32 v3, v8;
	v4 =	vld [tilespmem:s16+$0xFFFFFFB0]  }
0x1dc: {  	s23 =	sadd.s32 $0x100, s23;
	v8 =	vld [tilespmem:s13+$0xFFFFFFE0];
	[tilespmem:s11+$0x70] =	vst v1  }
0x1dd: {  	s24 =	sadd.s32 $0x2, s24;
	v0 =	vadd.f32 v0, v6;
	[tilespmem:s23+$0x0] =	vst v3;
	v1 =	vld [tilespmem:s14+$0xFFFFFFE0]  }
0x1de: {  	p0 =	slt.u32 s24, $0x4E;
	v3 =	vld [tilespmem:s26+$0x10]  }
0x1df: {  	[tilespmem:s23+$0xFFFFFF80] =	vst v0;
	v0 =	vld [tilespmem:s25+$0x10];
	v5 =	vadd.f32 v7, v5  }
0x1e0: {  	v6 =	vld [tilespmem:s26+$0xFFFFFF90];
	v2 =	vadd.f32 v4, v2  }
0x1e1: {  	v4 =	vld [tilespmem:s25+$0xFFFFFF90];
	[tilespmem:s12+$0x40] =	vst v5  }
0x1e2: {  	[tilespmem:s12+$0xFFFFFFB0] =	vst v2;
	v2 =	vld [tilespmem:s15+$0x50];
	v1 =	vadd.f32 v1, v8  }
0x1e3: {  	v5 =	vld [tilespmem:s16+$0x50]  }
0x1e4: {  	v0 =	vadd.f32 v0, v3;
	v3 =	vld [tilespmem:s15+$0xFFFFFFC0];
	[tilespmem:s11+$0xFFFFFFE0] =	vst v1  }
0x1e5: {  	v1 =	vld [tilespmem:s16+$0xFFFFFFC0]  }
0x1e6: {  	v4 =	vadd.f32 v4, v6;
	[tilespmem:s23+$0x10] =	vst v0;
	v0 =	vld [tilespmem:s13+$0xFFFFFFF0];
	s13 =	smov.u32 s15;
	s15 =	smov.u32 s26  }
0x1e7: {  	v6 =	vld [tilespmem:s26+$0x20]  }
0x1e8: {  	[tilespmem:s23+$0xFFFFFF90] =	vst v4;
	v4 =	vld [tilespmem:s25+$0x20];
	v2 =	vadd.f32 v5, v2  }
0x1e9: {  	v5 =	vld [tilespmem:s26+$0xFFFFFFA0]  }
0x1ea: {  	v7 =	vld [tilespmem:s25+$0xFFFFFFA0];
	v1 =	vadd.f32 v1, v3;
	[tilespmem:s12+$0x50] =	vst v2  }
0x1eb: {  	v2 =	vld [tilespmem:s13+$0x60]  }
0x1ec: {  	[tilespmem:s12+$0xFFFFFFC0] =	vst v1;
	v8 =	vld [tilespmem:s16+$0x60]  }
0x1ed: {  	v1 =	vadd.f32 v4, v6;
	v3 =	vld [tilespmem:s13+$0xFFFFFFD0]  }
.Ltmp4:
0x1ee: {  	v4 =	vld [tilespmem:s16+$0xFFFFFFD0];
	(pc) =	sbr.rel @p0 .LBB2_10-.Ltmp4, $4  }
0x1ef: {  	v5 =	vadd.f32 v7, v5;
	[tilespmem:s23+$0x20] =	vst v1;
	v1 =	vld [tilespmem:s14+$0xFFFFFFF0];
	s14 =	smov.u32 s16;
	s16 =	smov.u32 s25  }
0x1f0: {  	v6 =	vld [tilespmem:s26+$0x30]  }
0x1f1: {  	[tilespmem:s23+$0xFFFFFFA0] =	vst v5;
	v7 =	vld [tilespmem:s25+$0x30];
	v5 =	vadd.f32 v8, v2  }
0x1f2: {  	s26 =	sadd.s32 $0x100, s26;
	v2 =	vld [tilespmem:s15+$0xFFFFFFB0]  }
0x1f3: {  	v8 =	vld [tilespmem:s16+$0xFFFFFFB0];
	_ =	sdelay $0x2  }
0x1f4: {  	v6 =	vadd.f32 v7, v6;
	_ =	sdelay $0x1  }
0x1f5: {  	[tilespmem:s23+$0x30] =	vst v6;
	v2 =	vadd.f32 v8, v2  }
0x1f6: {  	v6 =	vld [tilespmem:s15+$0x40]  }
0x1f7: {  	v48 =	vld [tilespmem:s16+$0x40];
	[tilespmem:s23+$0xFFFFFFB0] =	vst v2  }
0x1f8: {  	v2 =	vld [tilespmem:s15+$0xFFFFFFC0]  }
0x1f9: {  	v49 =	vld [tilespmem:s16+$0xFFFFFFC0];
	_ =	sdelay $0x2  }
0x1fa: {  	v6 =	vadd.f32 v48, v6;
	_ =	sdelay $0x1  }
0x1fb: {  	[tilespmem:s23+$0x40] =	vst v6;
	v2 =	vadd.f32 v49, v2  }
0x1fc: {  	v6 =	vld [tilespmem:s15+$0x50]  }
0x1fd: {  	v50 =	vld [tilespmem:s16+$0x50];
	[tilespmem:s23+$0xFFFFFFC0] =	vst v2  }
0x1fe: {  	v2 =	vld [tilespmem:s15+$0xFFFFFFD0]  }
0x1ff: {  	v51 =	vld [tilespmem:s16+$0xFFFFFFD0]  }
0x200: {  	v3 =	vadd.f32 v4, v3;
	_ =	sdelay $0x1  }
0x201: {  	[tilespmem:s12+$0xFFFFFFD0] =	vst v3;
	v52 =	vadd.f32 v50, v6  }
0x202: {  	v53 =	vld [tilespmem:s13+$0xFFFFFFE0]  }
0x203: {  	v54 =	vld [tilespmem:s14+$0xFFFFFFE0];
	[tilespmem:s23+$0x50] =	vst v52;
	v2 =	vadd.f32 v51, v2  }
0x204: {  	v3 =	vld [tilespmem:s15+$0x60]  }
0x205: {  	v55 =	vld [tilespmem:s16+$0x60];
	[tilespmem:s23+$0xFFFFFFD0] =	vst v2  }
0x206: {  	v2 =	vld [tilespmem:s15+$0xFFFFFFE0]  }
0x207: {  	v56 =	vld [tilespmem:s16+$0xFFFFFFE0]  }
0x208: {  	[tilespmem:s12+$0x60] =	vst v5;
	v4 =	vadd.f32 v54, v53  }
0x209: {  	v5 =	vld [tilespmem:s13+$0x70]  }
0x20a: {  	v57 =	vld [tilespmem:s14+$0x70];
	[tilespmem:s12+$0xFFFFFFE0] =	vst v4;
	v3 =	vadd.f32 v55, v3  }
0x20b: {  	v4 =	vld [tilespmem:s13+$0xFFFFFFF0]  }
0x20c: {  	v58 =	vld [tilespmem:s14+$0xFFFFFFF0];
	[tilespmem:s23+$0x60] =	vst v3;
	v2 =	vadd.f32 v56, v2  }
0x20d: {  	v3 =	vld [tilespmem:s15+$0x70]  }
0x20e: {  	v59 =	vld [tilespmem:s16+$0x70];
	[tilespmem:s23+$0xFFFFFFE0] =	vst v2  }
0x20f: {  	v2 =	vld [tilespmem:s15+$0xFFFFFFF0]  }
0x210: {  	v9 =	vld [tilespmem:s16+$0xFFFFFFF0]  }
0x211: {  	v0 =	vadd.f32 v1, v0  }
0x212: {  	v60 =	vadd.f32 v57, v5  }
0x213: {  	[tilespmem:s11+$0xFFFFFFF0] =	vst v0;
	v61 =	vadd.f32 v58, v4  }
0x214: {  	[tilespmem:s12+$0x70] =	vst v60;
	v62 =	vadd.f32 v59, v3  }
0x215: {  	[tilespmem:s12+$0xFFFFFFF0] =	vst v61;
	s16 =	sadd.s32 s8, s10;
	v63 =	vadd.f32 v9, v2  }
0x216: {  	s11 =	sshll.u32 s16, $0x4;
	[tilespmem:s23+$0x70] =	vst v62  }
0x217: {  	s11 =	sadd.s32 s6, s11;
	[tilespmem:s23+$0xFFFFFFF0] =	vst v63  }
0x218: {  	[hbm4b:s11+s3] =	stream.linear.scatter [tilespmem:s0], [sflag:$0x6], $0x2800, $0x38;
	[tilespmem:$0x1B700] =	vst v63  }
.Ltmp5:
0x219: {  	_ = 	snop;
	(pc) =	sbr.rel .LBB2_2-.Ltmp5, $4  }
0x21a: {  	s24 =	simm.s32 $0x13F00;
	s23 =	sadd.s32 $0x190, s8  }
0x21b: {  	[tilespmem:s24], [sflag:$0x3] =	stream.indirect.gather [hbm4b:s2+s17], $0x80, s23, s17, $0xb8;
	[tilespmem:$0x1B700] =	vst v63  }
0x21c: {  	s25 =	sadd.s32 $0x2910, s8;
	s26 =	simm.s32 $0x16700;
	s7 =	sadd.s32 $0x1, s7  }
0x21d: {  	[tilespmem:s26], [sflag:$0x3] =	stream.indirect.gather [hbm4b:s5+s17], $0x80, s25, s17, $0xb8;
	[tilespmem:$0x1B700] =	vst v63  }
.LBB2_12:
0x21e: {  	_ =	swait.ge [sflag:s21], $0x2800  }
0x21f: {  	[sflag:s21] =	ssyncset.done $0x0  }
0x220: {  	s23 =	simm.s32 $0x13F80;
	[sflag:s21] =	ssyncadd.s32 $0xFFFFD800  }
0x221: {  	s16 =	simm.s32 $0x16780;
	v0 =	vld [tilespmem:s23+$0x0]  }
0x222: {  	v1 =	vld [tilespmem:s16+$0x0];
	_ =	sdelay $0x4  }
0x223: {  	v0 =	vadd.f32 v1, v0  }
0x224: {  	s7 =	simm.s32 $0x18F80  }
0x225: {  	[tilespmem:s7+$0x0] =	vst v0  }
0x226: {  	v0 =	vld [tilespmem:s23+$0x10]  }
0x227: {  	v1 =	vld [tilespmem:s16+$0x10]  }
0x228: {  	v2 =	vld [tilespmem:s16+$0xFFFFFF80]  }
0x229: {  	v3 =	vld [tilespmem:s23+$0xFFFFFF80];
	_ =	sdelay $0x2  }
0x22a: {  	v0 =	vadd.f32 v1, v0;
	_ =	sdelay $0x1  }
0x22b: {  	[tilespmem:s7+$0x10] =	vst v0;
	v0 =	vadd.f32 v2, v3  }
0x22c: {  	v1 =	vld [tilespmem:s23+$0x20]  }
0x22d: {  	v2 =	vld [tilespmem:s16+$0x20];
	[tilespmem:s7+$0xFFFFFF80] =	vst v0  }
0x22e: {  	v0 =	vld [tilespmem:s23+$0xFFFFFF90]  }
0x22f: {  	v3 =	vld [tilespmem:s16+$0xFFFFFF90];
	_ =	sdelay $0x2  }
0x230: {  	v1 =	vadd.f32 v2, v1;
	_ =	sdelay $0x1  }
0x231: {  	[tilespmem:s7+$0x20] =	vst v1;
	v0 =	vadd.f32 v3, v0  }
0x232: {  	v1 =	vld [tilespmem:s23+$0x30]  }
0x233: {  	v2 =	vld [tilespmem:s16+$0x30];
	[tilespmem:s7+$0xFFFFFF90] =	vst v0  }
0x234: {  	v0 =	vld [tilespmem:s23+$0xFFFFFFA0]  }
0x235: {  	s11 =	simm.s32 $0x14080;
	v3 =	vld [tilespmem:s16+$0xFFFFFFA0]  }
0x236: {  	s12 =	simm.s32 $0x16880;
	v4 =	vld [tilespmem:s11+$0x0]  }
0x237: {  	v5 =	vld [tilespmem:s12+$0x0]  }
0x238: {  	v6 =	vld [tilespmem:s11+$0xFFFFFF80];
	v1 =	vadd.f32 v2, v1  }
0x239: {  	v2 =	vld [tilespmem:s12+$0xFFFFFF80]  }
0x23a: {  	[tilespmem:s7+$0x30] =	vst v1;
	v0 =	vadd.f32 v3, v0  }
0x23b: {  	v1 =	vld [tilespmem:s23+$0x40]  }
0x23c: {  	v3 =	vld [tilespmem:s16+$0x40];
	[tilespmem:s7+$0xFFFFFFA0] =	vst v0;
	v0 =	vadd.f32 v5, v4  }
0x23d: {  	s8 =	simm.s32 $0x19080;
	v4 =	vld [tilespmem:s23+$0xFFFFFFB0]  }
0x23e: {  	v5 =	vld [tilespmem:s16+$0xFFFFFFB0];
	v2 =	vadd.f32 v2, v6;
	[tilespmem:s8+$0x0] =	vst v0  }
0x23f: {  	v0 =	vld [tilespmem:s11+$0x10]  }
0x240: {  	[tilespmem:s8+$0xFFFFFF80] =	vst v2;
	v2 =	vld [tilespmem:s12+$0x10]  }
0x241: {  	v1 =	vadd.f32 v3, v1;
	v3 =	vld [tilespmem:s11+$0xFFFFFF90]  }
0x242: {  	v6 =	vld [tilespmem:s12+$0xFFFFFF90]  }
0x243: {  	[tilespmem:s7+$0x40] =	vst v1;
	v1 =	vadd.f32 v5, v4  }
0x244: {  	v4 =	vld [tilespmem:s23+$0x50]  }
0x245: {  	v5 =	vld [tilespmem:s16+$0x50];
	[tilespmem:s7+$0xFFFFFFB0] =	vst v1;
	v0 =	vadd.f32 v2, v0  }
0x246: {  	v1 =	vld [tilespmem:s23+$0xFFFFFFC0]  }
0x247: {  	v2 =	vld [tilespmem:s16+$0xFFFFFFC0];
	v3 =	vadd.f32 v6, v3;
	[tilespmem:s8+$0x10] =	vst v0  }
0x248: {  	v0 =	vld [tilespmem:s11+$0x20]  }
0x249: {  	[tilespmem:s8+$0xFFFFFF90] =	vst v3;
	v3 =	vld [tilespmem:s12+$0x20]  }
0x24a: {  	v4 =	vadd.f32 v5, v4;
	v5 =	vld [tilespmem:s11+$0xFFFFFFA0]  }
0x24b: {  	v6 =	vld [tilespmem:s12+$0xFFFFFFA0]  }
0x24c: {  	s15 =	simm.s32 $0x16980  }
0x24d: {  	v8 =	vld [tilespmem:s15+$0x0];
	[tilespmem:s7+$0x50] =	vst v4  }
0x24e: {  	v1 =	vadd.f32 v2, v1;
	v2 =	vld [tilespmem:s23+$0x60];
	v0 =	vadd.f32 v3, v0  }
0x24f: {  	s13 =	simm.s32 $0x14180;
	v4 =	vld [tilespmem:s16+$0x60]  }
0x250: {  	v9 =	vld [tilespmem:s13+$0xFFFFFF80];
	v5 =	vadd.f32 v6, v5;
	[tilespmem:s8+$0x20] =	vst v0  }
0x251: {  	[tilespmem:s7+$0xFFFFFFC0] =	vst v1;
	v0 =	vld [tilespmem:s11+$0x30]  }
0x252: {  	[tilespmem:s8+$0xFFFFFFA0] =	vst v5;
	v5 =	vld [tilespmem:s12+$0x30]  }
0x253: {  	v1 =	vld [tilespmem:s23+$0xFFFFFFD0]  }
0x254: {  	v3 =	vld [tilespmem:s16+$0xFFFFFFD0];
	v2 =	vadd.f32 v4, v2  }
0x255: {  	v6 =	vld [tilespmem:s13+$0x0]  }
0x256: {  	v4 =	vld [tilespmem:s11+$0xFFFFFFB0];
	[tilespmem:s7+$0x60] =	vst v2  }
0x257: {  	v2 =	vld [tilespmem:s23+$0x70];
	v0 =	vadd.f32 v5, v0  }
0x258: {  	v7 =	vld [tilespmem:s16+$0x70]  }
0x259: {  	v5 =	vld [tilespmem:s15+$0xFFFFFF80];
	[tilespmem:s8+$0x30] =	vst v0  }
0x25a: {  	v0 =	vadd.f32 v3, v1;
	v1 =	vld [tilespmem:s11+$0x40]  }
0x25b: {  	v3 =	vld [tilespmem:s12+$0x40]  }
0x25c: {  	[tilespmem:s7+$0xFFFFFFD0] =	vst v0;
	v0 =	vadd.f32 v8, v6;
	v6 =	vld [tilespmem:s12+$0xFFFFFFB0]  }
0x25d: {  	s14 =	simm.s32 $0x19180;
	v8 =	vld [tilespmem:s23+$0xFFFFFFE0]  }
0x25e: {  	v5 =	vadd.f32 v5, v9;
	[tilespmem:s14+$0x0] =	vst v0;
	v0 =	vld [tilespmem:s16+$0xFFFFFFE0]  }
0x25f: {  	v61 =	vld [tilespmem:s13+$0x10]  }
0x260: {  	[tilespmem:s14+$0xFFFFFF80] =	vst v5;
	v5 =	vld [tilespmem:s15+$0x10];
	v1 =	vadd.f32 v3, v1  }
0x261: {  	v3 =	vld [tilespmem:s13+$0xFFFFFF90]  }
0x262: {  	v4 =	vadd.f32 v6, v4;
	v6 =	vld [tilespmem:s15+$0xFFFFFF90];
	[tilespmem:s8+$0x40] =	vst v1  }
0x263: {  	v1 =	vld [tilespmem:s11+$0x50]  }
0x264: {  	[tilespmem:s8+$0xFFFFFFB0] =	vst v4;
	v0 =	vadd.f32 v0, v8;
	v4 =	vld [tilespmem:s12+$0x50]  }
0x265: {  	v5 =	vadd.f32 v5, v61;
	v8 =	vld [tilespmem:s11+$0xFFFFFFC0]  }
0x266: {  	v62 =	vld [tilespmem:s12+$0xFFFFFFC0];
	[tilespmem:s7+$0xFFFFFFE0] =	vst v0  }
0x267: {  	v3 =	vadd.f32 v6, v3;
	[tilespmem:s14+$0x10] =	vst v5;
	v0 =	vld [tilespmem:s23+$0xFFFFFFF0]  }
0x268: {  	v5 =	vld [tilespmem:s13+$0x20]  }
0x269: {  	[tilespmem:s14+$0xFFFFFF90] =	vst v3;
	v3 =	vld [tilespmem:s15+$0x20];
	v1 =	vadd.f32 v4, v1  }
0x26a: {  	v6 =	vld [tilespmem:s13+$0xFFFFFFA0]  }
0x26b: {  	v10 =	vld [tilespmem:s15+$0xFFFFFFA0];
	v4 =	vadd.f32 v62, v8;
	[tilespmem:s8+$0x50] =	vst v1  }
0x26c: {  	v8 =	vld [tilespmem:s11+$0x60]  }
0x26d: {  	[tilespmem:s8+$0xFFFFFFC0] =	vst v4;
	v63 =	vld [tilespmem:s12+$0x60]  }
0x26e: {  	v4 =	vld [tilespmem:s12+$0xFFFFFFD0];
	v1 =	vadd.f32 v3, v5  }
0x26f: {  	v3 =	vld [tilespmem:s11+$0xFFFFFFD0]  }
0x270: {  	v5 =	vadd.f32 v10, v6;
	[tilespmem:s14+$0x20] =	vst v1;
	v1 =	vld [tilespmem:s16+$0xFFFFFFF0]  }
0x271: {  	v2 =	vadd.f32 v7, v2;
	v6 =	vld [tilespmem:s13+$0x30]  }
0x272: {  	[tilespmem:s14+$0xFFFFFFA0] =	vst v5;
	v7 =	vld [tilespmem:s15+$0x30];
	v5 =	vadd.f32 v63, v8  }
0x273: {  	s24 =	simm.s32 $0x14280;
	[tilespmem:s7+$0x70] =	vst v2;
	s23 =	simm.s32 $0x4;
	s16 =	simm.s32 $0x16980;
	v2 =	vld [tilespmem:s13+$0xFFFFFFB0]  }
.LBB2_13:
0x274: {  	v8 =	vld [tilespmem:s24+$0x0];
	v3 =	vadd.f32 v4, v3;
	[tilespmem:s8+$0x60] =	vst v5  }
0x275: {  	v4 =	vld [tilespmem:s11+$0x70];
	v0 =	vadd.f32 v1, v0  }
0x276: {  	s15 =	sadd.s32 $0x100, s15;
	[tilespmem:s8+$0xFFFFFFD0] =	vst v3;
	v1 =	vld [tilespmem:s12+$0x70]  }
0x277: {  	v3 =	vld [tilespmem:s15+$0x0];
	v5 =	vadd.f32 v7, v6;
	[tilespmem:s7+$0xFFFFFFF0] =	vst v0;
	s7 =	smov.u32 s8;
	s8 =	smov.u32 s14  }
0x278: {  	v0 =	vld [tilespmem:s15+$0xFFFFFF80]  }
0x279: {  	v6 =	vld [tilespmem:s24+$0xFFFFFF80];
	[tilespmem:s14+$0x30] =	vst v5  }
0x27a: {  	v5 =	vld [tilespmem:s13+$0x40]  }
0x27b: {  	v7 =	vld [tilespmem:s16+$0x40];
	v1 =	vadd.f32 v1, v4  }
0x27c: {  	v3 =	vadd.f32 v3, v8;
	v4 =	vld [tilespmem:s16+$0xFFFFFFB0]  }
0x27d: {  	s14 =	sadd.s32 $0x100, s14;
	v8 =	vld [tilespmem:s11+$0xFFFFFFE0];
	[tilespmem:s7+$0x70] =	vst v1  }
0x27e: {  	s23 =	sadd.s32 $0x2, s23;
	v0 =	vadd.f32 v0, v6;
	[tilespmem:s14+$0x0] =	vst v3;
	v1 =	vld [tilespmem:s12+$0xFFFFFFE0]  }
0x27f: {  	p0 =	slt.u32 s23, $0x4E;
	v3 =	vld [tilespmem:s24+$0x10]  }
0x280: {  	[tilespmem:s14+$0xFFFFFF80] =	vst v0;
	v0 =	vld [tilespmem:s15+$0x10];
	v5 =	vadd.f32 v7, v5  }
0x281: {  	v6 =	vld [tilespmem:s24+$0xFFFFFF90];
	v2 =	vadd.f32 v4, v2  }
0x282: {  	v4 =	vld [tilespmem:s15+$0xFFFFFF90];
	[tilespmem:s8+$0x40] =	vst v5  }
0x283: {  	[tilespmem:s8+$0xFFFFFFB0] =	vst v2;
	v2 =	vld [tilespmem:s13+$0x50];
	v1 =	vadd.f32 v1, v8  }
0x284: {  	v5 =	vld [tilespmem:s16+$0x50]  }
0x285: {  	v0 =	vadd.f32 v0, v3;
	v3 =	vld [tilespmem:s13+$0xFFFFFFC0];
	[tilespmem:s7+$0xFFFFFFE0] =	vst v1  }
0x286: {  	v1 =	vld [tilespmem:s16+$0xFFFFFFC0]  }
0x287: {  	v4 =	vadd.f32 v4, v6;
	[tilespmem:s14+$0x10] =	vst v0;
	v0 =	vld [tilespmem:s11+$0xFFFFFFF0];
	s11 =	smov.u32 s13;
	s13 =	smov.u32 s24  }
0x288: {  	v6 =	vld [tilespmem:s24+$0x20]  }
0x289: {  	[tilespmem:s14+$0xFFFFFF90] =	vst v4;
	v4 =	vld [tilespmem:s15+$0x20];
	v2 =	vadd.f32 v5, v2  }
0x28a: {  	v5 =	vld [tilespmem:s24+$0xFFFFFFA0]  }
0x28b: {  	v7 =	vld [tilespmem:s15+$0xFFFFFFA0];
	v1 =	vadd.f32 v1, v3;
	[tilespmem:s8+$0x50] =	vst v2  }
0x28c: {  	v2 =	vld [tilespmem:s11+$0x60]  }
0x28d: {  	[tilespmem:s8+$0xFFFFFFC0] =	vst v1;
	v8 =	vld [tilespmem:s16+$0x60]  }
0x28e: {  	v1 =	vadd.f32 v4, v6;
	v3 =	vld [tilespmem:s11+$0xFFFFFFD0]  }
.Ltmp6:
0x28f: {  	v4 =	vld [tilespmem:s16+$0xFFFFFFD0];
	(pc) =	sbr.rel @p0 .LBB2_13-.Ltmp6, $4  }
0x290: {  	v5 =	vadd.f32 v7, v5;
	[tilespmem:s14+$0x20] =	vst v1;
	v1 =	vld [tilespmem:s12+$0xFFFFFFF0];
	s12 =	smov.u32 s16;
	s16 =	smov.u32 s15  }
0x291: {  	v6 =	vld [tilespmem:s24+$0x30]  }
0x292: {  	[tilespmem:s14+$0xFFFFFFA0] =	vst v5;
	v7 =	vld [tilespmem:s15+$0x30];
	v5 =	vadd.f32 v8, v2  }
0x293: {  	s24 =	sadd.s32 $0x100, s24;
	v2 =	vld [tilespmem:s13+$0xFFFFFFB0]  }
0x294: {  	v8 =	vld [tilespmem:s16+$0xFFFFFFB0];
	_ =	sdelay $0x2  }
0x295: {  	v6 =	vadd.f32 v7, v6;
	_ =	sdelay $0x1  }
0x296: {  	[tilespmem:s14+$0x30] =	vst v6;
	v2 =	vadd.f32 v8, v2  }
0x297: {  	v6 =	vld [tilespmem:s13+$0x40]  }
0x298: {  	v7 =	vld [tilespmem:s16+$0x40];
	[tilespmem:s14+$0xFFFFFFB0] =	vst v2  }
0x299: {  	v2 =	vld [tilespmem:s13+$0xFFFFFFC0]  }
0x29a: {  	v8 =	vld [tilespmem:s16+$0xFFFFFFC0];
	_ =	sdelay $0x2  }
0x29b: {  	v6 =	vadd.f32 v7, v6;
	_ =	sdelay $0x1  }
0x29c: {  	[tilespmem:s14+$0x40] =	vst v6;
	v2 =	vadd.f32 v8, v2  }
0x29d: {  	v6 =	vld [tilespmem:s13+$0x50]  }
0x29e: {  	v7 =	vld [tilespmem:s16+$0x50];
	[tilespmem:s14+$0xFFFFFFC0] =	vst v2  }
0x29f: {  	v2 =	vld [tilespmem:s13+$0xFFFFFFD0]  }
0x2a0: {  	v8 =	vld [tilespmem:s16+$0xFFFFFFD0]  }
0x2a1: {  	v3 =	vadd.f32 v4, v3;
	_ =	sdelay $0x1  }
0x2a2: {  	[tilespmem:s8+$0xFFFFFFD0] =	vst v3;
	v3 =	vadd.f32 v7, v6  }
0x2a3: {  	v4 =	vld [tilespmem:s11+$0xFFFFFFE0]  }
0x2a4: {  	v6 =	vld [tilespmem:s12+$0xFFFFFFE0];
	[tilespmem:s14+$0x50] =	vst v3;
	v2 =	vadd.f32 v8, v2  }
0x2a5: {  	v3 =	vld [tilespmem:s13+$0x60]  }
0x2a6: {  	v7 =	vld [tilespmem:s16+$0x60];
	[tilespmem:s14+$0xFFFFFFD0] =	vst v2  }
0x2a7: {  	v2 =	vld [tilespmem:s13+$0xFFFFFFE0]  }
0x2a8: {  	v8 =	vld [tilespmem:s16+$0xFFFFFFE0]  }
0x2a9: {  	[tilespmem:s8+$0x60] =	vst v5;
	v4 =	vadd.f32 v6, v4  }
0x2aa: {  	v5 =	vld [tilespmem:s11+$0x70]  }
0x2ab: {  	v6 =	vld [tilespmem:s12+$0x70];
	[tilespmem:s8+$0xFFFFFFE0] =	vst v4;
	v3 =	vadd.f32 v7, v3  }
0x2ac: {  	v4 =	vld [tilespmem:s11+$0xFFFFFFF0]  }
0x2ad: {  	v7 =	vld [tilespmem:s12+$0xFFFFFFF0];
	[tilespmem:s14+$0x60] =	vst v3;
	v2 =	vadd.f32 v8, v2  }
0x2ae: {  	v3 =	vld [tilespmem:s13+$0x70]  }
0x2af: {  	v8 =	vld [tilespmem:s16+$0x70];
	[tilespmem:s14+$0xFFFFFFE0] =	vst v2  }
0x2b0: {  	v2 =	vld [tilespmem:s13+$0xFFFFFFF0]  }
0x2b1: {  	v9 =	vld [tilespmem:s16+$0xFFFFFFF0]  }
0x2b2: {  	v0 =	vadd.f32 v1, v0  }
0x2b3: {  	v1 =	vadd.f32 v6, v5  }
0x2b4: {  	[tilespmem:s7+$0xFFFFFFF0] =	vst v0;
	v0 =	vadd.f32 v7, v4  }
0x2b5: {  	[tilespmem:s8+$0x70] =	vst v1;
	v1 =	vadd.f32 v8, v3  }
0x2b6: {  	[tilespmem:s8+$0xFFFFFFF0] =	vst v0;
	v0 =	vadd.f32 v9, v2  }
0x2b7: {  	[tilespmem:s14+$0x70] =	vst v1  }
0x2b8: {  	[tilespmem:s14+$0xFFFFFFF0] =	vst v0  }
0x2b9: {  	s7 =	rddreg [dreg:$0x5]  }
0x2ba: {  	[hbm4b:s7+s3] =	stream.linear.scatter [tilespmem:s0], [sflag:$0x6], $0x2800, $0x38;
	[tilespmem:$0x1B700] =	vst v63  }
0x2bb: {  	_ =	swait.ge [sflag:s28], $0x2800  }
0x2bc: {  	[sflag:s28] =	ssyncset.done $0x0  }
0x2bd: {  	[sflag:s28] =	ssyncadd.s32 $0xFFFFD800  }
0x2be: {  	_ =	swait.ge [sflag:s28], $0x2800  }
0x2bf: {  	[sflag:s28] =	ssyncset.done $0x0  }
0x2c0: {  	s25 =	simm.s32 $0x4;
	[sflag:s28] =	ssyncadd.s32 $0xFFFFD800  }
0x2c1: {  	_ =	swait.ge [sflag:s25], $0x2800  }
0x2c2: {  	[sflag:s25] =	ssyncset.done $0x0  }
0x2c3: {  	s23 =	simm.s32 $0x4F80;
	[sflag:s25] =	ssyncadd.s32 $0xFFFFD800  }
0x2c4: {  	s26 =	simm.s32 $0x7780;
	v0 =	vld [tilespmem:s23+$0x0]  }
0x2c5: {  	v1 =	vld [tilespmem:s26+$0x0];
	_ =	sdelay $0x4  }
0x2c6: {  	v0 =	vadd.f32 v1, v0  }
0x2c7: {  	s7 =	simm.s32 $0x9F80  }
0x2c8: {  	[tilespmem:s7+$0x0] =	vst v0  }
0x2c9: {  	v0 =	vld [tilespmem:s23+$0x10]  }
0x2ca: {  	v1 =	vld [tilespmem:s26+$0x10]  }
0x2cb: {  	v2 =	vld [tilespmem:s26+$0xFFFFFF80]  }
0x2cc: {  	v3 =	vld [tilespmem:s23+$0xFFFFFF80];
	_ =	sdelay $0x2  }
0x2cd: {  	v0 =	vadd.f32 v1, v0;
	_ =	sdelay $0x1  }
0x2ce: {  	[tilespmem:s7+$0x10] =	vst v0;
	v0 =	vadd.f32 v2, v3  }
0x2cf: {  	v1 =	vld [tilespmem:s23+$0x20]  }
0x2d0: {  	v2 =	vld [tilespmem:s26+$0x20];
	[tilespmem:s7+$0xFFFFFF80] =	vst v0  }
0x2d1: {  	v0 =	vld [tilespmem:s23+$0xFFFFFF90]  }
0x2d2: {  	v3 =	vld [tilespmem:s26+$0xFFFFFF90];
	_ =	sdelay $0x2  }
0x2d3: {  	v1 =	vadd.f32 v2, v1;
	_ =	sdelay $0x1  }
0x2d4: {  	[tilespmem:s7+$0x20] =	vst v1;
	v0 =	vadd.f32 v3, v0  }
0x2d5: {  	v1 =	vld [tilespmem:s23+$0x30]  }
0x2d6: {  	v2 =	vld [tilespmem:s26+$0x30];
	[tilespmem:s7+$0xFFFFFF90] =	vst v0  }
0x2d7: {  	v0 =	vld [tilespmem:s23+$0xFFFFFFA0]  }
0x2d8: {  	s11 =	simm.s32 $0x5080;
	v3 =	vld [tilespmem:s26+$0xFFFFFFA0]  }
0x2d9: {  	s12 =	simm.s32 $0x7880;
	v4 =	vld [tilespmem:s11+$0x0]  }
0x2da: {  	v5 =	vld [tilespmem:s12+$0x0]  }
0x2db: {  	v6 =	vld [tilespmem:s11+$0xFFFFFF80];
	v1 =	vadd.f32 v2, v1  }
0x2dc: {  	v2 =	vld [tilespmem:s12+$0xFFFFFF80]  }
0x2dd: {  	[tilespmem:s7+$0x30] =	vst v1;
	v0 =	vadd.f32 v3, v0  }
0x2de: {  	v1 =	vld [tilespmem:s23+$0x40]  }
0x2df: {  	v3 =	vld [tilespmem:s26+$0x40];
	[tilespmem:s7+$0xFFFFFFA0] =	vst v0;
	v0 =	vadd.f32 v5, v4  }
0x2e0: {  	s8 =	simm.s32 $0xA080;
	v4 =	vld [tilespmem:s23+$0xFFFFFFB0]  }
0x2e1: {  	v5 =	vld [tilespmem:s26+$0xFFFFFFB0];
	v2 =	vadd.f32 v2, v6;
	[tilespmem:s8+$0x0] =	vst v0  }
0x2e2: {  	v0 =	vld [tilespmem:s11+$0x10]  }
0x2e3: {  	[tilespmem:s8+$0xFFFFFF80] =	vst v2;
	v2 =	vld [tilespmem:s12+$0x10]  }
0x2e4: {  	v1 =	vadd.f32 v3, v1;
	v3 =	vld [tilespmem:s11+$0xFFFFFF90]  }
0x2e5: {  	v6 =	vld [tilespmem:s12+$0xFFFFFF90]  }
0x2e6: {  	[tilespmem:s7+$0x40] =	vst v1;
	v1 =	vadd.f32 v5, v4  }
0x2e7: {  	v4 =	vld [tilespmem:s23+$0x50]  }
0x2e8: {  	v5 =	vld [tilespmem:s26+$0x50];
	[tilespmem:s7+$0xFFFFFFB0] =	vst v1;
	v0 =	vadd.f32 v2, v0  }
0x2e9: {  	v1 =	vld [tilespmem:s23+$0xFFFFFFC0]  }
0x2ea: {  	v2 =	vld [tilespmem:s26+$0xFFFFFFC0];
	v3 =	vadd.f32 v6, v3;
	[tilespmem:s8+$0x10] =	vst v0  }
0x2eb: {  	v0 =	vld [tilespmem:s11+$0x20]  }
0x2ec: {  	[tilespmem:s8+$0xFFFFFF90] =	vst v3;
	v3 =	vld [tilespmem:s12+$0x20]  }
0x2ed: {  	v4 =	vadd.f32 v5, v4;
	v5 =	vld [tilespmem:s11+$0xFFFFFFA0]  }
0x2ee: {  	v6 =	vld [tilespmem:s12+$0xFFFFFFA0]  }
0x2ef: {  	s15 =	simm.s32 $0x7980  }
0x2f0: {  	v8 =	vld [tilespmem:s15+$0x0];
	[tilespmem:s7+$0x50] =	vst v4  }
0x2f1: {  	v1 =	vadd.f32 v2, v1;
	v2 =	vld [tilespmem:s23+$0x60];
	v0 =	vadd.f32 v3, v0  }
0x2f2: {  	s13 =	simm.s32 $0x5180;
	v4 =	vld [tilespmem:s26+$0x60]  }
0x2f3: {  	v60 =	vld [tilespmem:s13+$0xFFFFFF80];
	v5 =	vadd.f32 v6, v5;
	[tilespmem:s8+$0x20] =	vst v0  }
0x2f4: {  	[tilespmem:s7+$0xFFFFFFC0] =	vst v1;
	v0 =	vld [tilespmem:s11+$0x30]  }
0x2f5: {  	[tilespmem:s8+$0xFFFFFFA0] =	vst v5;
	v5 =	vld [tilespmem:s12+$0x30]  }
0x2f6: {  	v1 =	vld [tilespmem:s23+$0xFFFFFFD0]  }
0x2f7: {  	v3 =	vld [tilespmem:s26+$0xFFFFFFD0];
	v2 =	vadd.f32 v4, v2  }
0x2f8: {  	v6 =	vld [tilespmem:s13+$0x0]  }
0x2f9: {  	v4 =	vld [tilespmem:s11+$0xFFFFFFB0];
	[tilespmem:s7+$0x60] =	vst v2  }
0x2fa: {  	v2 =	vld [tilespmem:s23+$0x70];
	v0 =	vadd.f32 v5, v0  }
0x2fb: {  	v7 =	vld [tilespmem:s26+$0x70]  }
0x2fc: {  	v5 =	vld [tilespmem:s15+$0xFFFFFF80];
	[tilespmem:s8+$0x30] =	vst v0  }
0x2fd: {  	v0 =	vadd.f32 v3, v1;
	v1 =	vld [tilespmem:s11+$0x40]  }
0x2fe: {  	v3 =	vld [tilespmem:s12+$0x40]  }
0x2ff: {  	[tilespmem:s7+$0xFFFFFFD0] =	vst v0;
	v0 =	vadd.f32 v8, v6;
	v6 =	vld [tilespmem:s12+$0xFFFFFFB0]  }
0x300: {  	s14 =	simm.s32 $0xA180;
	v8 =	vld [tilespmem:s23+$0xFFFFFFE0]  }
0x301: {  	v5 =	vadd.f32 v5, v60;
	[tilespmem:s14+$0x0] =	vst v0;
	v0 =	vld [tilespmem:s26+$0xFFFFFFE0]  }
0x302: {  	v61 =	vld [tilespmem:s13+$0x10]  }
0x303: {  	[tilespmem:s14+$0xFFFFFF80] =	vst v5;
	v5 =	vld [tilespmem:s15+$0x10];
	v1 =	vadd.f32 v3, v1  }
0x304: {  	v3 =	vld [tilespmem:s13+$0xFFFFFF90]  }
0x305: {  	v4 =	vadd.f32 v6, v4;
	v6 =	vld [tilespmem:s15+$0xFFFFFF90];
	[tilespmem:s8+$0x40] =	vst v1  }
0x306: {  	v1 =	vld [tilespmem:s11+$0x50]  }
0x307: {  	[tilespmem:s8+$0xFFFFFFB0] =	vst v4;
	v0 =	vadd.f32 v0, v8;
	v4 =	vld [tilespmem:s12+$0x50]  }
0x308: {  	v5 =	vadd.f32 v5, v61;
	v8 =	vld [tilespmem:s11+$0xFFFFFFC0]  }
0x309: {  	v62 =	vld [tilespmem:s12+$0xFFFFFFC0];
	[tilespmem:s7+$0xFFFFFFE0] =	vst v0  }
0x30a: {  	v3 =	vadd.f32 v6, v3;
	[tilespmem:s14+$0x10] =	vst v5;
	v0 =	vld [tilespmem:s23+$0xFFFFFFF0]  }
0x30b: {  	v5 =	vld [tilespmem:s13+$0x20]  }
0x30c: {  	[tilespmem:s14+$0xFFFFFF90] =	vst v3;
	v3 =	vld [tilespmem:s15+$0x20];
	v1 =	vadd.f32 v4, v1  }
0x30d: {  	v6 =	vld [tilespmem:s13+$0xFFFFFFA0]  }
0x30e: {  	v10 =	vld [tilespmem:s15+$0xFFFFFFA0];
	v4 =	vadd.f32 v62, v8;
	[tilespmem:s8+$0x50] =	vst v1  }
0x30f: {  	v8 =	vld [tilespmem:s11+$0x60]  }
0x310: {  	[tilespmem:s8+$0xFFFFFFC0] =	vst v4;
	v63 =	vld [tilespmem:s12+$0x60]  }
0x311: {  	v4 =	vld [tilespmem:s12+$0xFFFFFFD0];
	v1 =	vadd.f32 v3, v5  }
0x312: {  	v3 =	vld [tilespmem:s11+$0xFFFFFFD0]  }
0x313: {  	v5 =	vadd.f32 v10, v6;
	[tilespmem:s14+$0x20] =	vst v1;
	v1 =	vld [tilespmem:s26+$0xFFFFFFF0]  }
0x314: {  	v2 =	vadd.f32 v7, v2;
	v6 =	vld [tilespmem:s13+$0x30]  }
0x315: {  	[tilespmem:s14+$0xFFFFFFA0] =	vst v5;
	v7 =	vld [tilespmem:s15+$0x30];
	v5 =	vadd.f32 v63, v8  }
0x316: {  	s24 =	simm.s32 $0x5280;
	s16 =	simm.s32 $0x7980;
	[tilespmem:s7+$0x70] =	vst v2;
	s23 =	simm.s32 $0x4;
	v2 =	vld [tilespmem:s13+$0xFFFFFFB0]  }
.LBB2_15:
0x317: {  	v8 =	vld [tilespmem:s24+$0x0];
	v3 =	vadd.f32 v4, v3;
	[tilespmem:s8+$0x60] =	vst v5  }
0x318: {  	v4 =	vld [tilespmem:s11+$0x70];
	v0 =	vadd.f32 v1, v0  }
0x319: {  	s15 =	sadd.s32 $0x100, s15;
	[tilespmem:s8+$0xFFFFFFD0] =	vst v3;
	v1 =	vld [tilespmem:s12+$0x70]  }
0x31a: {  	v3 =	vld [tilespmem:s15+$0x0];
	v5 =	vadd.f32 v7, v6;
	[tilespmem:s7+$0xFFFFFFF0] =	vst v0;
	s7 =	smov.u32 s8;
	s8 =	smov.u32 s14  }
0x31b: {  	v0 =	vld [tilespmem:s15+$0xFFFFFF80]  }
0x31c: {  	v6 =	vld [tilespmem:s24+$0xFFFFFF80];
	[tilespmem:s14+$0x30] =	vst v5  }
0x31d: {  	v5 =	vld [tilespmem:s13+$0x40]  }
0x31e: {  	v7 =	vld [tilespmem:s16+$0x40];
	v1 =	vadd.f32 v1, v4  }
0x31f: {  	v3 =	vadd.f32 v3, v8;
	v4 =	vld [tilespmem:s16+$0xFFFFFFB0]  }
0x320: {  	s14 =	sadd.s32 $0x100, s14;
	v8 =	vld [tilespmem:s11+$0xFFFFFFE0];
	[tilespmem:s7+$0x70] =	vst v1  }
0x321: {  	s23 =	sadd.s32 $0x2, s23;
	v0 =	vadd.f32 v0, v6;
	[tilespmem:s14+$0x0] =	vst v3;
	v1 =	vld [tilespmem:s12+$0xFFFFFFE0]  }
0x322: {  	p0 =	slt.u32 s23, $0x4E;
	v3 =	vld [tilespmem:s24+$0x10]  }
0x323: {  	[tilespmem:s14+$0xFFFFFF80] =	vst v0;
	v0 =	vld [tilespmem:s15+$0x10];
	v5 =	vadd.f32 v7, v5  }
0x324: {  	v6 =	vld [tilespmem:s24+$0xFFFFFF90];
	v2 =	vadd.f32 v4, v2  }
0x325: {  	v4 =	vld [tilespmem:s15+$0xFFFFFF90];
	[tilespmem:s8+$0x40] =	vst v5  }
0x326: {  	[tilespmem:s8+$0xFFFFFFB0] =	vst v2;
	v2 =	vld [tilespmem:s13+$0x50];
	v1 =	vadd.f32 v1, v8  }
0x327: {  	v5 =	vld [tilespmem:s16+$0x50]  }
0x328: {  	v0 =	vadd.f32 v0, v3;
	v3 =	vld [tilespmem:s13+$0xFFFFFFC0];
	[tilespmem:s7+$0xFFFFFFE0] =	vst v1  }
0x329: {  	v1 =	vld [tilespmem:s16+$0xFFFFFFC0]  }
0x32a: {  	v4 =	vadd.f32 v4, v6;
	[tilespmem:s14+$0x10] =	vst v0;
	v0 =	vld [tilespmem:s11+$0xFFFFFFF0];
	s11 =	smov.u32 s13;
	s13 =	smov.u32 s24  }
0x32b: {  	v6 =	vld [tilespmem:s24+$0x20]  }
0x32c: {  	[tilespmem:s14+$0xFFFFFF90] =	vst v4;
	v4 =	vld [tilespmem:s15+$0x20];
	v2 =	vadd.f32 v5, v2  }
0x32d: {  	v5 =	vld [tilespmem:s24+$0xFFFFFFA0]  }
0x32e: {  	v7 =	vld [tilespmem:s15+$0xFFFFFFA0];
	v1 =	vadd.f32 v1, v3;
	[tilespmem:s8+$0x50] =	vst v2  }
0x32f: {  	v2 =	vld [tilespmem:s11+$0x60]  }
0x330: {  	[tilespmem:s8+$0xFFFFFFC0] =	vst v1;
	v8 =	vld [tilespmem:s16+$0x60]  }
0x331: {  	v1 =	vadd.f32 v4, v6;
	v3 =	vld [tilespmem:s11+$0xFFFFFFD0]  }
.Ltmp7:
0x332: {  	v4 =	vld [tilespmem:s16+$0xFFFFFFD0];
	(pc) =	sbr.rel @p0 .LBB2_15-.Ltmp7, $4  }
0x333: {  	v5 =	vadd.f32 v7, v5;
	[tilespmem:s14+$0x20] =	vst v1;
	v1 =	vld [tilespmem:s12+$0xFFFFFFF0];
	s12 =	smov.u32 s16;
	s16 =	smov.u32 s15  }
0x334: {  	v6 =	vld [tilespmem:s24+$0x30]  }
0x335: {  	[tilespmem:s14+$0xFFFFFFA0] =	vst v5;
	v7 =	vld [tilespmem:s15+$0x30];
	v5 =	vadd.f32 v8, v2  }
0x336: {  	s24 =	sadd.s32 $0x100, s24;
	v2 =	vld [tilespmem:s13+$0xFFFFFFB0]  }
0x337: {  	v8 =	vld [tilespmem:s16+$0xFFFFFFB0];
	_ =	sdelay $0x2  }
0x338: {  	v6 =	vadd.f32 v7, v6;
	_ =	sdelay $0x1  }
0x339: {  	[tilespmem:s14+$0x30] =	vst v6;
	v2 =	vadd.f32 v8, v2  }
0x33a: {  	v6 =	vld [tilespmem:s13+$0x40]  }
0x33b: {  	v7 =	vld [tilespmem:s16+$0x40];
	[tilespmem:s14+$0xFFFFFFB0] =	vst v2  }
0x33c: {  	v2 =	vld [tilespmem:s13+$0xFFFFFFC0]  }
0x33d: {  	v8 =	vld [tilespmem:s16+$0xFFFFFFC0];
	_ =	sdelay $0x2  }
0x33e: {  	v6 =	vadd.f32 v7, v6;
	_ =	sdelay $0x1  }
0x33f: {  	[tilespmem:s14+$0x40] =	vst v6;
	v2 =	vadd.f32 v8, v2  }
0x340: {  	v6 =	vld [tilespmem:s13+$0x50]  }
0x341: {  	v7 =	vld [tilespmem:s16+$0x50];
	[tilespmem:s14+$0xFFFFFFC0] =	vst v2  }
0x342: {  	v2 =	vld [tilespmem:s13+$0xFFFFFFD0]  }
0x343: {  	v8 =	vld [tilespmem:s16+$0xFFFFFFD0]  }
0x344: {  	v3 =	vadd.f32 v4, v3;
	_ =	sdelay $0x1  }
0x345: {  	[tilespmem:s8+$0xFFFFFFD0] =	vst v3;
	v3 =	vadd.f32 v7, v6  }
0x346: {  	v4 =	vld [tilespmem:s11+$0xFFFFFFE0]  }
0x347: {  	v6 =	vld [tilespmem:s12+$0xFFFFFFE0];
	[tilespmem:s14+$0x50] =	vst v3;
	v2 =	vadd.f32 v8, v2  }
0x348: {  	v3 =	vld [tilespmem:s13+$0x60]  }
0x349: {  	v7 =	vld [tilespmem:s16+$0x60];
	[tilespmem:s14+$0xFFFFFFD0] =	vst v2  }
0x34a: {  	v2 =	vld [tilespmem:s13+$0xFFFFFFE0]  }
0x34b: {  	v8 =	vld [tilespmem:s16+$0xFFFFFFE0]  }
0x34c: {  	[tilespmem:s8+$0x60] =	vst v5;
	v4 =	vadd.f32 v6, v4  }
0x34d: {  	v5 =	vld [tilespmem:s11+$0x70]  }
0x34e: {  	v6 =	vld [tilespmem:s12+$0x70];
	[tilespmem:s8+$0xFFFFFFE0] =	vst v4;
	v3 =	vadd.f32 v7, v3  }
0x34f: {  	v4 =	vld [tilespmem:s11+$0xFFFFFFF0]  }
0x350: {  	v7 =	vld [tilespmem:s12+$0xFFFFFFF0];
	[tilespmem:s14+$0x60] =	vst v3;
	v2 =	vadd.f32 v8, v2  }
0x351: {  	v3 =	vld [tilespmem:s13+$0x70]  }
0x352: {  	v8 =	vld [tilespmem:s16+$0x70];
	[tilespmem:s14+$0xFFFFFFE0] =	vst v2  }
0x353: {  	v2 =	vld [tilespmem:s13+$0xFFFFFFF0]  }
0x354: {  	v9 =	vld [tilespmem:s16+$0xFFFFFFF0]  }
0x355: {  	v0 =	vadd.f32 v1, v0  }
0x356: {  	v1 =	vadd.f32 v6, v5  }
0x357: {  	[tilespmem:s7+$0xFFFFFFF0] =	vst v0;
	v0 =	vadd.f32 v7, v4  }
0x358: {  	[tilespmem:s8+$0x70] =	vst v1;
	v1 =	vadd.f32 v8, v3  }
0x359: {  	[tilespmem:s8+$0xFFFFFFF0] =	vst v0;
	v0 =	vadd.f32 v9, v2  }
0x35a: {  	[tilespmem:s14+$0x70] =	vst v1  }
0x35b: {  	[tilespmem:s14+$0xFFFFFFF0] =	vst v0  }
0x35c: {  	s7 =	rddreg [dreg:$0x6]  }
0x35d: {  	[hbm4b:s7+s3] =	stream.linear.scatter [tilespmem:s29], [sflag:$0x4], $0x2800, $0x38;
	[tilespmem:$0x1B700] =	vst v63  }
0x35e: {  	_ =	swait.ge [sflag:s30], $0x2800  }
0x35f: {  	[sflag:s30] =	ssyncset.done $0x0  }
0x360: {  	[sflag:s30] =	ssyncadd.s32 $0xFFFFD800  }
0x361: {  	_ =	swait.ge [sflag:s30], $0x2800  }
0x362: {  	[sflag:s30] =	ssyncset.done $0x0  }
0x363: {  	s24 =	simm.s32 $0x5;
	[sflag:s30] =	ssyncadd.s32 $0xFFFFD800  }
0x364: {  	_ =	swait.ge [sflag:s24], $0x2800  }
0x365: {  	[sflag:s24] =	ssyncset.done $0x0  }
0x366: {  	s23 =	simm.s32 $0xC780;
	[sflag:s24] =	ssyncadd.s32 $0xFFFFD800  }
0x367: {  	s26 =	simm.s32 $0xEF80;
	v0 =	vld [tilespmem:s23+$0x0]  }
0x368: {  	v1 =	vld [tilespmem:s26+$0x0];
	_ =	sdelay $0x4  }
0x369: {  	v0 =	vadd.f32 v1, v0  }
0x36a: {  	s7 =	simm.s32 $0x11780  }
0x36b: {  	[tilespmem:s7+$0x0] =	vst v0  }
0x36c: {  	v0 =	vld [tilespmem:s23+$0x10]  }
0x36d: {  	v1 =	vld [tilespmem:s26+$0x10]  }
0x36e: {  	v2 =	vld [tilespmem:s26+$0xFFFFFF80]  }
0x36f: {  	v3 =	vld [tilespmem:s23+$0xFFFFFF80];
	_ =	sdelay $0x2  }
0x370: {  	v0 =	vadd.f32 v1, v0;
	_ =	sdelay $0x1  }
0x371: {  	[tilespmem:s7+$0x10] =	vst v0;
	v0 =	vadd.f32 v2, v3  }
0x372: {  	v1 =	vld [tilespmem:s23+$0x20]  }
0x373: {  	v2 =	vld [tilespmem:s26+$0x20];
	[tilespmem:s7+$0xFFFFFF80] =	vst v0  }
0x374: {  	v0 =	vld [tilespmem:s23+$0xFFFFFF90]  }
0x375: {  	v3 =	vld [tilespmem:s26+$0xFFFFFF90];
	_ =	sdelay $0x2  }
0x376: {  	v1 =	vadd.f32 v2, v1;
	_ =	sdelay $0x1  }
0x377: {  	[tilespmem:s7+$0x20] =	vst v1;
	v0 =	vadd.f32 v3, v0  }
0x378: {  	v1 =	vld [tilespmem:s23+$0x30]  }
0x379: {  	v2 =	vld [tilespmem:s26+$0x30];
	[tilespmem:s7+$0xFFFFFF90] =	vst v0  }
0x37a: {  	v0 =	vld [tilespmem:s23+$0xFFFFFFA0]  }
0x37b: {  	s11 =	simm.s32 $0xC880;
	v3 =	vld [tilespmem:s26+$0xFFFFFFA0]  }
0x37c: {  	s12 =	simm.s32 $0xF080;
	v4 =	vld [tilespmem:s11+$0x0]  }
0x37d: {  	v5 =	vld [tilespmem:s12+$0x0]  }
0x37e: {  	v6 =	vld [tilespmem:s11+$0xFFFFFF80];
	v1 =	vadd.f32 v2, v1  }
0x37f: {  	v2 =	vld [tilespmem:s12+$0xFFFFFF80]  }
0x380: {  	[tilespmem:s7+$0x30] =	vst v1;
	v0 =	vadd.f32 v3, v0  }
0x381: {  	v1 =	vld [tilespmem:s23+$0x40]  }
0x382: {  	v3 =	vld [tilespmem:s26+$0x40];
	[tilespmem:s7+$0xFFFFFFA0] =	vst v0;
	v0 =	vadd.f32 v5, v4  }
0x383: {  	s8 =	simm.s32 $0x11880;
	v4 =	vld [tilespmem:s23+$0xFFFFFFB0]  }
0x384: {  	v5 =	vld [tilespmem:s26+$0xFFFFFFB0];
	v2 =	vadd.f32 v2, v6;
	[tilespmem:s8+$0x0] =	vst v0  }
0x385: {  	v0 =	vld [tilespmem:s11+$0x10]  }
0x386: {  	[tilespmem:s8+$0xFFFFFF80] =	vst v2;
	v2 =	vld [tilespmem:s12+$0x10]  }
0x387: {  	v1 =	vadd.f32 v3, v1;
	v3 =	vld [tilespmem:s11+$0xFFFFFF90]  }
0x388: {  	v6 =	vld [tilespmem:s12+$0xFFFFFF90]  }
0x389: {  	[tilespmem:s7+$0x40] =	vst v1;
	v1 =	vadd.f32 v5, v4  }
0x38a: {  	v4 =	vld [tilespmem:s23+$0x50]  }
0x38b: {  	v5 =	vld [tilespmem:s26+$0x50];
	[tilespmem:s7+$0xFFFFFFB0] =	vst v1;
	v0 =	vadd.f32 v2, v0  }
0x38c: {  	v1 =	vld [tilespmem:s23+$0xFFFFFFC0]  }
0x38d: {  	v2 =	vld [tilespmem:s26+$0xFFFFFFC0];
	v3 =	vadd.f32 v6, v3;
	[tilespmem:s8+$0x10] =	vst v0  }
0x38e: {  	v0 =	vld [tilespmem:s11+$0x20]  }
0x38f: {  	[tilespmem:s8+$0xFFFFFF90] =	vst v3;
	v3 =	vld [tilespmem:s12+$0x20]  }
0x390: {  	v4 =	vadd.f32 v5, v4;
	v5 =	vld [tilespmem:s11+$0xFFFFFFA0]  }
0x391: {  	v6 =	vld [tilespmem:s12+$0xFFFFFFA0]  }
0x392: {  	s15 =	simm.s32 $0xF180  }
0x393: {  	v8 =	vld [tilespmem:s15+$0x0];
	[tilespmem:s7+$0x50] =	vst v4  }
0x394: {  	v1 =	vadd.f32 v2, v1;
	v2 =	vld [tilespmem:s23+$0x60];
	v0 =	vadd.f32 v3, v0  }
0x395: {  	s13 =	simm.s32 $0xC980;
	v4 =	vld [tilespmem:s26+$0x60]  }
0x396: {  	v60 =	vld [tilespmem:s13+$0xFFFFFF80];
	v5 =	vadd.f32 v6, v5;
	[tilespmem:s8+$0x20] =	vst v0  }
0x397: {  	[tilespmem:s7+$0xFFFFFFC0] =	vst v1;
	v0 =	vld [tilespmem:s11+$0x30]  }
0x398: {  	[tilespmem:s8+$0xFFFFFFA0] =	vst v5;
	v5 =	vld [tilespmem:s12+$0x30]  }
0x399: {  	v1 =	vld [tilespmem:s23+$0xFFFFFFD0]  }
0x39a: {  	v3 =	vld [tilespmem:s26+$0xFFFFFFD0];
	v2 =	vadd.f32 v4, v2  }
0x39b: {  	v6 =	vld [tilespmem:s13+$0x0]  }
0x39c: {  	v4 =	vld [tilespmem:s11+$0xFFFFFFB0];
	[tilespmem:s7+$0x60] =	vst v2  }
0x39d: {  	v2 =	vld [tilespmem:s23+$0x70];
	v0 =	vadd.f32 v5, v0  }
0x39e: {  	v7 =	vld [tilespmem:s26+$0x70]  }
0x39f: {  	v5 =	vld [tilespmem:s15+$0xFFFFFF80];
	[tilespmem:s8+$0x30] =	vst v0  }
0x3a0: {  	v0 =	vadd.f32 v3, v1;
	v1 =	vld [tilespmem:s11+$0x40]  }
0x3a1: {  	v3 =	vld [tilespmem:s12+$0x40]  }
0x3a2: {  	[tilespmem:s7+$0xFFFFFFD0] =	vst v0;
	v0 =	vadd.f32 v8, v6;
	v6 =	vld [tilespmem:s12+$0xFFFFFFB0]  }
0x3a3: {  	s14 =	simm.s32 $0x11980;
	v8 =	vld [tilespmem:s23+$0xFFFFFFE0]  }
0x3a4: {  	v5 =	vadd.f32 v5, v60;
	[tilespmem:s14+$0x0] =	vst v0;
	v0 =	vld [tilespmem:s26+$0xFFFFFFE0]  }
0x3a5: {  	v61 =	vld [tilespmem:s13+$0x10]  }
0x3a6: {  	[tilespmem:s14+$0xFFFFFF80] =	vst v5;
	v5 =	vld [tilespmem:s15+$0x10];
	v1 =	vadd.f32 v3, v1  }
0x3a7: {  	v3 =	vld [tilespmem:s13+$0xFFFFFF90]  }
0x3a8: {  	v4 =	vadd.f32 v6, v4;
	v6 =	vld [tilespmem:s15+$0xFFFFFF90];
	[tilespmem:s8+$0x40] =	vst v1  }
0x3a9: {  	v1 =	vld [tilespmem:s11+$0x50]  }
0x3aa: {  	[tilespmem:s8+$0xFFFFFFB0] =	vst v4;
	v0 =	vadd.f32 v0, v8;
	v4 =	vld [tilespmem:s12+$0x50]  }
0x3ab: {  	v5 =	vadd.f32 v5, v61;
	v8 =	vld [tilespmem:s11+$0xFFFFFFC0]  }
0x3ac: {  	v62 =	vld [tilespmem:s12+$0xFFFFFFC0];
	[tilespmem:s7+$0xFFFFFFE0] =	vst v0  }
0x3ad: {  	v3 =	vadd.f32 v6, v3;
	[tilespmem:s14+$0x10] =	vst v5;
	v0 =	vld [tilespmem:s23+$0xFFFFFFF0]  }
0x3ae: {  	v5 =	vld [tilespmem:s13+$0x20]  }
0x3af: {  	[tilespmem:s14+$0xFFFFFF90] =	vst v3;
	v3 =	vld [tilespmem:s15+$0x20];
	v1 =	vadd.f32 v4, v1  }
0x3b0: {  	v6 =	vld [tilespmem:s13+$0xFFFFFFA0]  }
0x3b1: {  	v10 =	vld [tilespmem:s15+$0xFFFFFFA0];
	v4 =	vadd.f32 v62, v8;
	[tilespmem:s8+$0x50] =	vst v1  }
0x3b2: {  	v8 =	vld [tilespmem:s11+$0x60]  }
0x3b3: {  	[tilespmem:s8+$0xFFFFFFC0] =	vst v4;
	v63 =	vld [tilespmem:s12+$0x60]  }
0x3b4: {  	v4 =	vld [tilespmem:s12+$0xFFFFFFD0];
	v1 =	vadd.f32 v3, v5  }
0x3b5: {  	v3 =	vld [tilespmem:s11+$0xFFFFFFD0]  }
0x3b6: {  	v5 =	vadd.f32 v10, v6;
	[tilespmem:s14+$0x20] =	vst v1;
	v1 =	vld [tilespmem:s26+$0xFFFFFFF0]  }
0x3b7: {  	v2 =	vadd.f32 v7, v2;
	v6 =	vld [tilespmem:s13+$0x30]  }
0x3b8: {  	[tilespmem:s14+$0xFFFFFFA0] =	vst v5;
	v7 =	vld [tilespmem:s15+$0x30];
	v5 =	vadd.f32 v63, v8  }
0x3b9: {  	s16 =	simm.s32 $0xF180;
	s24 =	simm.s32 $0xCA80;
	[tilespmem:s7+$0x70] =	vst v2;
	s23 =	simm.s32 $0x4;
	v2 =	vld [tilespmem:s13+$0xFFFFFFB0]  }
.LBB2_17:
0x3ba: {  	v8 =	vld [tilespmem:s24+$0x0];
	v3 =	vadd.f32 v4, v3;
	[tilespmem:s8+$0x60] =	vst v5  }
0x3bb: {  	v4 =	vld [tilespmem:s11+$0x70];
	v0 =	vadd.f32 v1, v0  }
0x3bc: {  	s15 =	sadd.s32 $0x100, s15;
	[tilespmem:s8+$0xFFFFFFD0] =	vst v3;
	v1 =	vld [tilespmem:s12+$0x70]  }
0x3bd: {  	v3 =	vld [tilespmem:s15+$0x0];
	v5 =	vadd.f32 v7, v6;
	[tilespmem:s7+$0xFFFFFFF0] =	vst v0;
	s7 =	smov.u32 s8;
	s8 =	smov.u32 s14  }
0x3be: {  	v0 =	vld [tilespmem:s15+$0xFFFFFF80]  }
0x3bf: {  	v6 =	vld [tilespmem:s24+$0xFFFFFF80];
	[tilespmem:s14+$0x30] =	vst v5  }
0x3c0: {  	v5 =	vld [tilespmem:s13+$0x40]  }
0x3c1: {  	v7 =	vld [tilespmem:s16+$0x40];
	v1 =	vadd.f32 v1, v4  }
0x3c2: {  	v3 =	vadd.f32 v3, v8;
	v4 =	vld [tilespmem:s16+$0xFFFFFFB0]  }
0x3c3: {  	s14 =	sadd.s32 $0x100, s14;
	v8 =	vld [tilespmem:s11+$0xFFFFFFE0];
	[tilespmem:s7+$0x70] =	vst v1  }
0x3c4: {  	s23 =	sadd.s32 $0x2, s23;
	v0 =	vadd.f32 v0, v6;
	[tilespmem:s14+$0x0] =	vst v3;
	v1 =	vld [tilespmem:s12+$0xFFFFFFE0]  }
0x3c5: {  	p0 =	slt.u32 s23, $0x4E;
	v3 =	vld [tilespmem:s24+$0x10]  }
0x3c6: {  	[tilespmem:s14+$0xFFFFFF80] =	vst v0;
	v0 =	vld [tilespmem:s15+$0x10];
	v5 =	vadd.f32 v7, v5  }
0x3c7: {  	v6 =	vld [tilespmem:s24+$0xFFFFFF90];
	v2 =	vadd.f32 v4, v2  }
0x3c8: {  	v4 =	vld [tilespmem:s15+$0xFFFFFF90];
	[tilespmem:s8+$0x40] =	vst v5  }
0x3c9: {  	[tilespmem:s8+$0xFFFFFFB0] =	vst v2;
	v2 =	vld [tilespmem:s13+$0x50];
	v1 =	vadd.f32 v1, v8  }
0x3ca: {  	v5 =	vld [tilespmem:s16+$0x50]  }
0x3cb: {  	v0 =	vadd.f32 v0, v3;
	v3 =	vld [tilespmem:s13+$0xFFFFFFC0];
	[tilespmem:s7+$0xFFFFFFE0] =	vst v1  }
0x3cc: {  	v1 =	vld [tilespmem:s16+$0xFFFFFFC0]  }
0x3cd: {  	v4 =	vadd.f32 v4, v6;
	[tilespmem:s14+$0x10] =	vst v0;
	v0 =	vld [tilespmem:s11+$0xFFFFFFF0];
	s11 =	smov.u32 s13;
	s13 =	smov.u32 s24  }
0x3ce: {  	v6 =	vld [tilespmem:s24+$0x20]  }
0x3cf: {  	[tilespmem:s14+$0xFFFFFF90] =	vst v4;
	v4 =	vld [tilespmem:s15+$0x20];
	v2 =	vadd.f32 v5, v2  }
0x3d0: {  	v5 =	vld [tilespmem:s24+$0xFFFFFFA0]  }
0x3d1: {  	v7 =	vld [tilespmem:s15+$0xFFFFFFA0];
	v1 =	vadd.f32 v1, v3;
	[tilespmem:s8+$0x50] =	vst v2  }
0x3d2: {  	v2 =	vld [tilespmem:s11+$0x60]  }
0x3d3: {  	[tilespmem:s8+$0xFFFFFFC0] =	vst v1;
	v8 =	vld [tilespmem:s16+$0x60]  }
0x3d4: {  	v1 =	vadd.f32 v4, v6;
	v3 =	vld [tilespmem:s11+$0xFFFFFFD0]  }
.Ltmp8:
0x3d5: {  	v4 =	vld [tilespmem:s16+$0xFFFFFFD0];
	(pc) =	sbr.rel @p0 .LBB2_17-.Ltmp8, $4  }
0x3d6: {  	v5 =	vadd.f32 v7, v5;
	[tilespmem:s14+$0x20] =	vst v1;
	v1 =	vld [tilespmem:s12+$0xFFFFFFF0];
	s12 =	smov.u32 s16;
	s16 =	smov.u32 s15  }
0x3d7: {  	v6 =	vld [tilespmem:s24+$0x30]  }
0x3d8: {  	[tilespmem:s14+$0xFFFFFFA0] =	vst v5;
	v7 =	vld [tilespmem:s15+$0x30];
	v5 =	vadd.f32 v8, v2  }
0x3d9: {  	s24 =	sadd.s32 $0x100, s24;
	v2 =	vld [tilespmem:s13+$0xFFFFFFB0]  }
0x3da: {  	v8 =	vld [tilespmem:s16+$0xFFFFFFB0];
	_ =	sdelay $0x2  }
0x3db: {  	v6 =	vadd.f32 v7, v6;
	_ =	sdelay $0x1  }
0x3dc: {  	[tilespmem:s14+$0x30] =	vst v6;
	v2 =	vadd.f32 v8, v2  }
0x3dd: {  	v6 =	vld [tilespmem:s13+$0x40]  }
0x3de: {  	v48 =	vld [tilespmem:s16+$0x40];
	[tilespmem:s14+$0xFFFFFFB0] =	vst v2  }
0x3df: {  	v2 =	vld [tilespmem:s13+$0xFFFFFFC0]  }
0x3e0: {  	v49 =	vld [tilespmem:s16+$0xFFFFFFC0];
	_ =	sdelay $0x2  }
0x3e1: {  	v6 =	vadd.f32 v48, v6;
	_ =	sdelay $0x1  }
0x3e2: {  	[tilespmem:s14+$0x40] =	vst v6;
	v2 =	vadd.f32 v49, v2  }
0x3e3: {  	v6 =	vld [tilespmem:s13+$0x50]  }
0x3e4: {  	v50 =	vld [tilespmem:s16+$0x50];
	[tilespmem:s14+$0xFFFFFFC0] =	vst v2  }
0x3e5: {  	v2 =	vld [tilespmem:s13+$0xFFFFFFD0]  }
0x3e6: {  	v51 =	vld [tilespmem:s16+$0xFFFFFFD0]  }
0x3e7: {  	v3 =	vadd.f32 v4, v3;
	_ =	sdelay $0x1  }
0x3e8: {  	[tilespmem:s8+$0xFFFFFFD0] =	vst v3;
	v52 =	vadd.f32 v50, v6  }
0x3e9: {  	v53 =	vld [tilespmem:s11+$0xFFFFFFE0]  }
0x3ea: {  	v54 =	vld [tilespmem:s12+$0xFFFFFFE0];
	[tilespmem:s14+$0x50] =	vst v52;
	v2 =	vadd.f32 v51, v2  }
0x3eb: {  	v3 =	vld [tilespmem:s13+$0x60]  }
0x3ec: {  	v55 =	vld [tilespmem:s16+$0x60];
	[tilespmem:s14+$0xFFFFFFD0] =	vst v2  }
0x3ed: {  	v2 =	vld [tilespmem:s13+$0xFFFFFFE0]  }
0x3ee: {  	v56 =	vld [tilespmem:s16+$0xFFFFFFE0]  }
0x3ef: {  	[tilespmem:s8+$0x60] =	vst v5;
	v4 =	vadd.f32 v54, v53  }
0x3f0: {  	v5 =	vld [tilespmem:s11+$0x70]  }
0x3f1: {  	v57 =	vld [tilespmem:s12+$0x70];
	[tilespmem:s8+$0xFFFFFFE0] =	vst v4;
	v3 =	vadd.f32 v55, v3  }
0x3f2: {  	v4 =	vld [tilespmem:s11+$0xFFFFFFF0]  }
0x3f3: {  	v58 =	vld [tilespmem:s12+$0xFFFFFFF0];
	[tilespmem:s14+$0x60] =	vst v3;
	v2 =	vadd.f32 v56, v2  }
0x3f4: {  	v3 =	vld [tilespmem:s13+$0x70]  }
0x3f5: {  	v59 =	vld [tilespmem:s16+$0x70];
	[tilespmem:s14+$0xFFFFFFE0] =	vst v2  }
0x3f6: {  	v2 =	vld [tilespmem:s13+$0xFFFFFFF0]  }
0x3f7: {  	v9 =	vld [tilespmem:s16+$0xFFFFFFF0]  }
0x3f8: {  	v0 =	vadd.f32 v1, v0  }
0x3f9: {  	v60 =	vadd.f32 v57, v5  }
0x3fa: {  	[tilespmem:s7+$0xFFFFFFF0] =	vst v0;
	v61 =	vadd.f32 v58, v4  }
0x3fb: {  	[tilespmem:s8+$0x70] =	vst v60;
	v62 =	vadd.f32 v59, v3  }
0x3fc: {  	[tilespmem:s8+$0xFFFFFFF0] =	vst v61;
	v63 =	vadd.f32 v9, v2  }
0x3fd: {  	[tilespmem:s14+$0x70] =	vst v62  }
0x3fe: {  	[tilespmem:s14+$0xFFFFFFF0] =	vst v63  }
0x3ff: {  	s7 =	rddreg [dreg:$0x7]  }
0x400: {  	[hbm4b:s7+s3] =	stream.linear.scatter [tilespmem:s31], [sflag:$0x5], $0x2800, $0x38;
	[tilespmem:$0x1B700] =	vst v63  }
0x401: {  	_ =	swait.ge [sflag:s21], $0x2800  }
0x402: {  	[sflag:s21] =	ssyncset.done $0x0  }
0x403: {  	[sflag:s21] =	ssyncadd.s32 $0xFFFFD800  }
0x404: {  	_ =	swait.ge [sflag:s25], $0x2800  }
0x405: {  	[sflag:s25] =	ssyncset.done $0x0  }
0x406: {  	s24 =	simm.s32 $0x5;
	[sflag:s25] =	ssyncadd.s32 $0xFFFFD800  }
0x407: {  	_ =	swait.ge [sflag:s24], $0x2800  }
0x408: {  	s25 =	rddreg [dreg:$0x9]  }
0x409: {  	s26 =	rddreg [dreg:$0x8];
	s11 =	sadd.s32 $0x1, s25  }
0x40a: {  	p0 =	sne.s32 s11, s26  }
.Ltmp9:
0x40b: {  	_ = 	snop;
	(pc) =	sbr.rel @p0 .LBB2_1-.Ltmp9, $3  }
0x40c: {  	_ =	sdelay $0x1  }
0x40d: {  	[sflag:s24] =	ssyncset.done $0x0  }
0x40e: {  	[sflag:s24] =	ssyncadd.s32 $0xFFFFD800  }
0x40f: {  	_ =	sfence.sel $0x180000  }
0x410: {  	[bflag:$0x0] =	sbarrier.arrive $0xFFFF  }
0x411: {  	_ =	strace $0x90000047  }
0x412: {  	s0 =	stileid.u32;
	[bflag:$0x2] =	sbarrier.arrive $0xFFFF  }
0x413: {  	p0 =	sne.s32 s0, $0x0;
	s0 =	rddreg [dreg:$0x2]  }
0x414: {  	s0 =	sadd.s32 @!p0 $0x100000, s0  }
0x415: {  	[sflag:s0] =	ssyncadd.tile.s32 @!p0 $0x1;
	_ =	shalt  }
.Lfunc_end2:
_tile_overlayer_lowered:
.L_overlay_start_2:
0x416: {  	(tag) =	ssettag $0x2  }
0x417: {  	s0 =	rddreg [dreg:$0x0];
	s2 =	stileid.u32  }
0x418: {  	s1 =	rddreg [dreg:$0x1];
	p0 =	sne.s32 s2, $0x0  }
0x419: {  	s3 =	rddreg [dreg:$0x2];
	[bflag:$0x3] =	sbarrier.arrive $0xFFFF;
	s2 =	simm.s32 @!p0 $0x1C07  }
0x41a: {  	[timem:s3], [sflag:s2] =	dma.local @!p0 [hbm:s0], s1  }
0x41b: {  	s0 =	simm.s32 @!p0 $0x7  }
0x41c: {  	_ =	swait.ge @!p0 [sflag:s0], s1  }
0x41d: {  	s1 =	ssub.s32 @!p0 $0x0, s1;
	[sflag:s0] =	ssyncset.done @!p0 $0x0  }
0x41e: {  	[sflag:s0] =	ssyncadd.s32 @!p0 s1  }
0x41f: {  	[bflag:$0x3] =	sbarrier.arrive $0xFFFF  }
0x420: {  	_ =	shalt  }

</sc_bundles>
